<compile_context>
chip_gen: v7x
topology: tpu7x:2x2x1
jax: 0.10.2.dev20260603
libtpu: 0.0.44.dev20260713+nightly
codegen_flags: <defaults>
</compile_context>

<pallas_src>
import functools

import jax
import jax.numpy as jnp
from jax import lax
from jax.experimental import pallas as pl
from jax.experimental.pallas import tpu as pltpu
from jax.experimental.pallas import tpu_sc as plsc

N = 4096
DIM = 6
NSP = 3
R = 0.5
HID = 128
MO = 64
NB = 8
DP = 8
L = 16
NW = 32
NPW = N // NW
NV = NPW // L


def _round_bf16(v):
    b = lax.bitcast_convert_type(v, jnp.uint32)
    lsb = (b >> jnp.uint32(16)) & jnp.uint32(1)
    r = (b + jnp.uint32(0x7FFF) + lsb) & jnp.uint32(0xFFFF0000)
    return lax.bitcast_convert_type(r, jnp.float32)


_SC_MESH = plsc.VectorSubcoreMesh(core_axis_name="c", subcore_axis_name="s")


@functools.partial(
    pl.kernel,
    mesh=_SC_MESH,
    out_type=jax.ShapeDtypeStruct((N,), jnp.float32),
    scratch_types=[
        pltpu.VMEM((N,), jnp.float32),
        pltpu.VMEM((N,), jnp.float32),
        pltpu.VMEM((N,), jnp.float32),
        pltpu.VMEM((N + 2 * L,), jnp.float32),
        pltpu.VMEM((N + 2 * L,), jnp.float32),
        pltpu.VMEM((N + 2 * L,), jnp.float32),
        pltpu.VMEM((N + 2 * L,), jnp.float32),
        pltpu.VMEM((N + 2 * L,), jnp.int32),
        pltpu.VMEM((L,), jnp.int32),
        pltpu.VMEM((NPW,), jnp.float32),
    ],
)
def _sc_count(xs_h, ys_h, zs_h, bat_h, seg_h, out_h,
              xf, yf, zf, xb, yb, zb, sq, bat, segs, cnt):
    wid = lax.axis_index("s") * 2 + lax.axis_index("c")
    pltpu.sync_copy(xs_h, xf)
    pltpu.sync_copy(ys_h, yf)
    pltpu.sync_copy(zs_h, zf)
    pltpu.sync_copy(bat_h, bat.at[pl.ds(0, N)])
    pltpu.sync_copy(seg_h, segs)
    bat[pl.ds(N, L)] = jnp.full((L,), -1, jnp.int32)
    bat[pl.ds(N + L, L)] = jnp.full((L,), -1, jnp.int32)

    base = wid * NPW
    bfirst = bat[pl.ds(base, L)][0]
    blast = bat[pl.ds(base + NPW - L, L)][L - 1]
    segv = segs[...]
    jlo = jnp.int32(0)
    jhi = jnp.int32(0)
    for b in range(NB + 1):
        sb = segv[b]
        jlo = jnp.where(bfirst == b, sb, jlo)
        jhi = jnp.where(blast + 1 == b, sb, jhi)

    def prep(i, carry):
        s = pl.ds(i * L, L)
        x = xf[s]
        y = yf[s]
        z = zf[s]
        sq[s] = x * x + y * y + z * z
        xb[s] = _round_bf16(x)
        yb[s] = _round_bf16(y)
        zb[s] = _round_bf16(z)
        return carry

    lax.fori_loop(jlo // L, (jhi + L - 1) // L, prep, 0)

    xi = [xb[pl.ds(base + k * L, L)] for k in range(NV)]
    yi = [yb[pl.ds(base + k * L, L)] for k in range(NV)]
    zi = [zb[pl.ds(base + k * L, L)] for k in range(NV)]
    si = [sq[pl.ds(base + k * L, L)] for k in range(NV)]
    bi = [bat[pl.ds(base + k * L, L)] for k in range(NV)]

    U = 4

    def body(t, cs):
        j0 = jlo + t * U
        out = list(cs)
        for u in range(U):
            j = j0 + u
            xj = jnp.full((L,), xb[pl.ds(j, L)][0])
            yj = jnp.full((L,), yb[pl.ds(j, L)][0])
            zj = jnp.full((L,), zb[pl.ds(j, L)][0])
            sj = jnp.full((L,), sq[pl.ds(j, L)][0])
            bj = jnp.full((L,), bat[pl.ds(j, L)][0])
            for k in range(NV):
                dot = xi[k] * xj + yi[k] * yj + zi[k] * zj
                d2 = (si[k] + sj) - 2.0 * dot
                ok = (d2 < R * R) & (bi[k] == bj)
                out[k] = out[k] + jnp.where(ok, 1.0, 0.0)
        return tuple(out)

    trip = (jhi - jlo + U - 1) // U
    cs = lax.fori_loop(0, trip, body,
                       tuple(jnp.zeros((L,), jnp.float32) for _ in range(NV)))
    for k in range(NV):
        cnt[pl.ds(k * L, L)] = cs[k] - 1.0
    pltpu.sync_copy(cnt, out_h.at[pl.ds(base, NPW)])


def _upd_body(cur_ref, c_ref, w1p, b1r, w2, wor, out_ref):
    x = cur_ref[...]
    pre1 = jnp.dot(x.astype(jnp.bfloat16), w1p[...].astype(jnp.bfloat16),
                   preferred_element_type=jnp.float32) + b1r[...]
    wo_f = wor[...].astype(jnp.bfloat16).astype(jnp.float32)
    dmsg = c_ref[...] * wo_f
    dh = lax.dot_general(
        dmsg.astype(jnp.bfloat16), w2[...].astype(jnp.bfloat16),
        (((1,), (1,)), ((), ())), preferred_element_type=jnp.float32)
    dpre = jnp.where(pre1 > 0, dh, 0.0)
    dx = lax.dot_general(
        dpre.astype(jnp.bfloat16), w1p[...].astype(jnp.bfloat16),
        (((1,), (1,)), ((), ())), preferred_element_type=jnp.float32)
    out_ref[...] = x - dx * 0.1


def _tc_update(cur_pad, c_col, w1p, b1r, w2, wor):
    return pl.pallas_call(
        _upd_body,
        out_shape=jax.ShapeDtypeStruct((N, DP), jnp.float32),
    )(cur_pad, c_col, w1p, b1r, w2, wor)


def kernel(x, batch, steps, W1, b1, W2, b2, Wo, bo):
    cur_pad = jnp.pad(x, ((0, 0), (0, DP - DIM)))
    segs = jnp.searchsorted(batch, jnp.arange(NB + 1, dtype=jnp.int32)
                            ).astype(jnp.int32)
    segs = jnp.pad(segs, (0, L - NB - 1))
    w1p = jnp.pad(W1, ((0, DP - DIM), (0, 0)))
    b1r = b1.reshape(1, HID)
    wor = Wo.reshape(1, MO)

    def step(_, cp):
        c = _sc_count(cp[:, 0], cp[:, 1], cp[:, 2], batch, segs)
        return _tc_update(cp, c.reshape(N, 1), w1p, b1r, W2, wor)

    out = lax.fori_loop(0, steps, step, cur_pad)
    return out[:, :DIM]

# --- scband reference (transcript-rebuilt; emitter-appended) ---
"""Pipeline reference for scband-hamiltonian-particle-84774064489229 (READ-ONLY COPY).

The authoritative reference and input builder live on the scoring server;
editing this copy changes nothing except your own understanding.
"""

import jax, jax.numpy as jnp
import numpy as np

N = 4096
DIM = 6
NSP = 3
R = 0.5
NB = 8
HID = 128
MO = 64
OD = 1
STEPS = 2


def setup_inputs(seed: int = 0) -> dict:
    key = jax.random.key(seed)
    ks = jax.random.split(key, 8)
    x = jax.random.normal(ks[0], (N, DIM), dtype=jnp.float32)
    batch = jnp.sort(jax.random.randint(ks[1], (N,), 0, NB, dtype=jnp.int32))
    W1 = jax.random.normal(ks[2], (DIM, HID), dtype=jnp.float32) * (1.0 / np.sqrt(DIM))
    b1 = jnp.zeros((HID,), dtype=jnp.float32)
    W2 = jax.random.normal(ks[3], (HID, MO), dtype=jnp.float32) * (1.0 / np.sqrt(HID))
    b2 = jnp.zeros((MO,), dtype=jnp.float32)
    Wo = jax.random.normal(ks[4], (MO, OD), dtype=jnp.float32) * (1.0 / np.sqrt(MO))
    bo = jnp.zeros((OD,), dtype=jnp.float32)
    return {"x": x, "batch": batch, "steps": STEPS, "W1": W1, "b1": b1, "W2": W2, "b2": b2, "Wo": Wo, "bo": bo}


def _radius_adj(pos, batch):
    # radius_graph(x[:, :NSP], r=R, loop=False, batch=batch) as dense mask.
    # Edge construction is non-differentiable (index output in torch), so stop_gradient.
    pos = jax.lax.stop_gradient(pos)
    sq = jnp.sum(pos * pos, axis=1)
    d2 = sq[:, None] + sq[None, :] - 2.0 * (pos @ pos.T)
    same = batch[:, None] == batch[None, :]
    eye = jnp.eye(pos.shape[0], dtype=bool)
    adj = (d2 < R * R) & same & (~eye)
    return adj.astype(jnp.float32)


def reference(x, batch, steps, W1, b1, W2, b2, Wo, bo):
    def energy(xf, adj):
        # HNNConv: per-node message MLP, sum-aggregate over radius neighbors
        h = jax.nn.relu(xf @ W1 + b1)
        msg = h @ W2 + b2
        agg = adj @ msg
        out = agg @ Wo + bo  # message_to_output_layer -> per-node Hamiltonian
        return out.sum()

    def step_fn(_, cur):
        adj = _radius_adj(cur[:, :NSP], batch)
        move_update = jax.grad(energy, argnums=0)(cur, adj)
        return cur - move_update * 0.1

    return jax.lax.fori_loop(0, steps, step_fn, x)

if __name__ == "__main__":
    import jax
    _d = setup_inputs()
    print(jax.jit(kernel)(*tuple(_d.values())))

</pallas_src>

<mosaic_0001>
#map = affine_map<(d0, d1) -> (0)>
module attributes {stable_mosaic.version = 14 : i64} {
  func.func @_sc_count(%arg0: i32, %arg1: i32, %arg2: memref<4096xf32, #tpu.memory_space<hbm>>, %arg3: memref<4096xf32, #tpu.memory_space<hbm>>, %arg4: memref<4096xf32, #tpu.memory_space<hbm>>, %arg5: memref<4096xi32, #tpu.memory_space<hbm>>, %arg6: memref<16xi32, #tpu.memory_space<hbm>>, %arg7: memref<4096xf32, #tpu.memory_space<hbm>>, %arg8: memref<4096xf32, #tpu.memory_space<vmem>>, %arg9: memref<4096xf32, #tpu.memory_space<vmem>>, %arg10: memref<4096xf32, #tpu.memory_space<vmem>>, %arg11: memref<4128xf32, #tpu.memory_space<vmem>>, %arg12: memref<4128xf32, #tpu.memory_space<vmem>>, %arg13: memref<4128xf32, #tpu.memory_space<vmem>>, %arg14: memref<4128xf32, #tpu.memory_space<vmem>>, %arg15: memref<4128xi32, #tpu.memory_space<vmem>>, %arg16: memref<16xi32, #tpu.memory_space<vmem>>, %arg17: memref<128xf32, #tpu.memory_space<vmem>>) attributes {dimension_semantics = [#tpu.dimension_semantics<core_parallel>, #tpu.dimension_semantics<subcore_parallel>], iteration_bounds = array<i64: 2, 16>, scalar_prefetch = 0 : i64, scratch_operands = 10 : i64, tpu.core_type = #tpu.core_type<sc_vector_subcore>, window_params = [{transform_indices = #map}, {transform_indices = #map}, {transform_indices = #map}, {transform_indices = #map}, {transform_indices = #map}, {transform_indices = #map}]} {
    %mul3A = arith.constant 2 : i32
    %mul3A_0 = arith.muli %arg1, %mul3A : i32
    %add3A = arith.addi %mul3A_0, %arg0 : i32
    "tpu.region"() ({
      %run_scoped3A = tpu.sem_alloc : memref<!tpu.dma_semaphore, #tpu.memory_space<semaphore_mem>>
      tpu.enqueue_dma source(%arg2 : memref<4096xf32, #tpu.memory_space<hbm>>) target(%arg8 : memref<4096xf32, #tpu.memory_space<vmem>>) target_semaphore(%run_scoped3A : memref<!tpu.dma_semaphore, #tpu.memory_space<semaphore_mem>>)
      tpu.wait_dma2 semaphore(%run_scoped3A : memref<!tpu.dma_semaphore, #tpu.memory_space<semaphore_mem>>) src(%arg2 : memref<4096xf32, #tpu.memory_space<hbm>>) dst(%arg8 : memref<4096xf32, #tpu.memory_space<vmem>>)
      tpu.yield
    }) : () -> ()
    "tpu.region"() ({
      %run_scoped3A = tpu.sem_alloc : memref<!tpu.dma_semaphore, #tpu.memory_space<semaphore_mem>>
      tpu.enqueue_dma source(%arg3 : memref<4096xf32, #tpu.memory_space<hbm>>) target(%arg9 : memref<4096xf32, #tpu.memory_space<vmem>>) target_semaphore(%run_scoped3A : memref<!tpu.dma_semaphore, #tpu.memory_space<semaphore_mem>>)
      tpu.wait_dma2 semaphore(%run_scoped3A : memref<!tpu.dma_semaphore, #tpu.memory_space<semaphore_mem>>) src(%arg3 : memref<4096xf32, #tpu.memory_space<hbm>>) dst(%arg9 : memref<4096xf32, #tpu.memory_space<vmem>>)
      tpu.yield
    }) : () -> ()
    "tpu.region"() ({
      %run_scoped3A = tpu.sem_alloc : memref<!tpu.dma_semaphore, #tpu.memory_space<semaphore_mem>>
      tpu.enqueue_dma source(%arg4 : memref<4096xf32, #tpu.memory_space<hbm>>) target(%arg10 : memref<4096xf32, #tpu.memory_space<vmem>>) target_semaphore(%run_scoped3A : memref<!tpu.dma_semaphore, #tpu.memory_space<semaphore_mem>>)
      tpu.wait_dma2 semaphore(%run_scoped3A : memref<!tpu.dma_semaphore, #tpu.memory_space<semaphore_mem>>) src(%arg4 : memref<4096xf32, #tpu.memory_space<hbm>>) dst(%arg10 : memref<4096xf32, #tpu.memory_space<vmem>>)
      tpu.yield
    }) : () -> ()
    "tpu.region"() ({
      %run_scoped3A = tpu.sem_alloc : memref<!tpu.dma_semaphore, #tpu.memory_space<semaphore_mem>>
      %dma_start3A = arith.constant 0 : i32
      %dma_start3A_482 = tpu.memref_slice %arg15[%dma_start3A] : memref<4128xi32, #tpu.memory_space<vmem>> -> memref<4096xi32, #tpu.memory_space<vmem>>
      %dma_start3A_483 = arith.constant 0 : i32
      %dma_start3A_484 = tpu.memref_slice %arg15[%dma_start3A_483] : memref<4128xi32, #tpu.memory_space<vmem>> -> memref<4096xi32, #tpu.memory_space<vmem>>
      tpu.enqueue_dma source(%arg5 : memref<4096xi32, #tpu.memory_space<hbm>>) target(%dma_start3A_484 : memref<4096xi32, #tpu.memory_space<vmem>>) target_semaphore(%run_scoped3A : memref<!tpu.dma_semaphore, #tpu.memory_space<semaphore_mem>>)
      %dma_wait3A = arith.constant 0 : i32
      %dma_wait3A_485 = tpu.memref_slice %arg15[%dma_wait3A] : memref<4128xi32, #tpu.memory_space<vmem>> -> memref<4096xi32, #tpu.memory_space<vmem>>
      %dma_wait3A_486 = arith.constant 0 : i32
      %dma_wait3A_487 = tpu.memref_slice %arg15[%dma_wait3A_486] : memref<4128xi32, #tpu.memory_space<vmem>> -> memref<4096xi32, #tpu.memory_space<vmem>>
      tpu.wait_dma2 semaphore(%run_scoped3A : memref<!tpu.dma_semaphore, #tpu.memory_space<semaphore_mem>>) src(%arg5 : memref<4096xi32, #tpu.memory_space<hbm>>) dst(%dma_wait3A_487 : memref<4096xi32, #tpu.memory_space<vmem>>)
      tpu.yield
    }) : () -> ()
    "tpu.region"() ({
      %run_scoped3A = tpu.sem_alloc : memref<!tpu.dma_semaphore, #tpu.memory_space<semaphore_mem>>
      tpu.enqueue_dma source(%arg6 : memref<16xi32, #tpu.memory_space<hbm>>) target(%arg16 : memref<16xi32, #tpu.memory_space<vmem>>) target_semaphore(%run_scoped3A : memref<!tpu.dma_semaphore, #tpu.memory_space<semaphore_mem>>)
      tpu.wait_dma2 semaphore(%run_scoped3A : memref<!tpu.dma_semaphore, #tpu.memory_space<semaphore_mem>>) src(%arg6 : memref<16xi32, #tpu.memory_space<hbm>>) dst(%arg16 : memref<16xi32, #tpu.memory_space<vmem>>)
      tpu.yield
    }) : () -> ()
    %broadcast_in_dim3A = arith.constant -1 : i32
    %broadcast_in_dim3A_1 = vector.broadcast %broadcast_in_dim3A : i32 to vector<16xi32>
    %swap3A = arith.constant 4096 : index
    %swap3A_2 = tpu.vector_load %arg15[%swap3A] {strides = array<i32>} : memref<4128xi32, #tpu.memory_space<vmem>>, vector<16xi32>,
    %swap3A_3 = vector.shape_cast %swap3A_2 : vector<16xi32> to vector<16xi32>
    %swap3A_4 = vector.shape_cast %broadcast_in_dim3A_1 : vector<16xi32> to vector<16xi32>
    tpu.vector_store %arg15[%swap3A], %swap3A_4 {strides = array<i32>} : memref<4128xi32, #tpu.memory_space<vmem>>, vector<16xi32>,
    %broadcast_in_dim3A_5 = arith.constant -1 : i32
    %broadcast_in_dim3A_6 = vector.broadcast %broadcast_in_dim3A_5 : i32 to vector<16xi32>
    %swap3A_7 = arith.constant 4112 : index
    %swap3A_8 = tpu.vector_load %arg15[%swap3A_7] {strides = array<i32>} : memref<4128xi32, #tpu.memory_space<vmem>>, vector<16xi32>,
    %swap3A_9 = vector.shape_cast %swap3A_8 : vector<16xi32> to vector<16xi32>
    %swap3A_10 = vector.shape_cast %broadcast_in_dim3A_6 : vector<16xi32> to vector<16xi32>
    tpu.vector_store %arg15[%swap3A_7], %swap3A_10 {strides = array<i32>} : memref<4128xi32, #tpu.memory_space<vmem>>, vector<16xi32>,
    %mul3A_11 = arith.constant 128 : i32
    %mul3A_12 = arith.muli %add3A, %mul3A_11 : i32
    %get3A = arith.index_cast %mul3A_12 : i32 to index
    %get3A_13 = tpu.vector_load %arg15[%get3A] {strides = array<i32>} : memref<4128xi32, #tpu.memory_space<vmem>>, vector<16xi32>,
    %get3A_14 = vector.shape_cast %get3A_13 : vector<16xi32> to vector<16xi32>
    %slice3A = vector.extract_strided_slice %get3A_14 {offsets = [0], sizes = [1], strides = [1]} : vector<16xi32> to vector<1xi32>
    %squeeze3A = vector.extract %slice3A[0] : i32 from vector<1xi32>
    %add3A_15 = arith.constant 128 : i32
    %add3A_16 = arith.addi %mul3A_12, %add3A_15 : i32
    %sub3A = arith.constant 16 : i32
    %sub3A_17 = arith.subi %add3A_16, %sub3A : i32
    %get3A_18 = arith.index_cast %sub3A_17 : i32 to index
    %get3A_19 = tpu.vector_load %arg15[%get3A_18] {strides = array<i32>} : memref<4128xi32, #tpu.memory_space<vmem>>, vector<16xi32>,
    %get3A_20 = vector.shape_cast %get3A_19 : vector<16xi32> to vector<16xi32>
    %slice3A_21 = vector.extract_strided_slice %get3A_20 {offsets = [15], sizes = [1], strides = [1]} : vector<16xi32> to vector<1xi32>
    %squeeze3A_22 = vector.extract %slice3A_21[0] : i32 from vector<1xi32>
    %get3A_23 = arith.constant 0 : index
    %get3A_24 = tpu.vector_load %arg16[%get3A_23] {strides = array<i32>} : memref<16xi32, #tpu.memory_space<vmem>>, vector<16xi32>,
    %get3A_25 = vector.shape_cast %get3A_24 : vector<16xi32> to vector<16xi32>
    %slice3A_26 = vector.extract_strided_slice %get3A_25 {offsets = [0], sizes = [1], strides = [1]} : vector<16xi32> to vector<1xi32>
    %squeeze3A_27 = vector.extract %slice3A_26[0] : i32 from vector<1xi32>
    %eq3A = arith.constant 0 : i32
    %eq3A_28 = arith.cmpi eq, %squeeze3A, %eq3A : i32
    %jit3A = arith.constant 0 : i32
    %select_n3A = arith.select %eq3A_28, %squeeze3A_27, %jit3A : i32
    %add3A_29 = arith.constant 1 : i32
    %add3A_30 = arith.addi %squeeze3A_22, %add3A_29 : i32
    %eq3A_31 = arith.constant 0 : i32
    %eq3A_32 = arith.cmpi eq, %add3A_30, %eq3A_31 : i32
    %jit3A_33 = arith.constant 0 : i32
    %select_n3A_34 = arith.select %eq3A_32, %squeeze3A_27, %jit3A_33 : i32
    %slice3A_35 = vector.extract_strided_slice %get3A_25 {offsets = [1], sizes = [1], strides = [1]} : vector<16xi32> to vector<1xi32>
    %squeeze3A_36 = vector.extract %slice3A_35[0] : i32 from vector<1xi32>
    %eq3A_37 = arith.constant 1 : i32
    %eq3A_38 = arith.cmpi eq, %squeeze3A, %eq3A_37 : i32
    %select_n3A_39 = arith.select %eq3A_38, %squeeze3A_36, %select_n3A : i32
    %add3A_40 = arith.constant 1 : i32
    %add3A_41 = arith.addi %squeeze3A_22, %add3A_40 : i32
    %eq3A_42 = arith.constant 1 : i32
    %eq3A_43 = arith.cmpi eq, %add3A_41, %eq3A_42 : i32
    %select_n3A_44 = arith.select %eq3A_43, %squeeze3A_36, %select_n3A_34 : i32
    %slice3A_45 = vector.extract_strided_slice %get3A_25 {offsets = [2], sizes = [1], strides = [1]} : vector<16xi32> to vector<1xi32>
    %squeeze3A_46 = vector.extract %slice3A_45[0] : i32 from vector<1xi32>
    %eq3A_47 = arith.constant 2 : i32
    %eq3A_48 = arith.cmpi eq, %squeeze3A, %eq3A_47 : i32
    %select_n3A_49 = arith.select %eq3A_48, %squeeze3A_46, %select_n3A_39 : i32
    %add3A_50 = arith.constant 1 : i32
    %add3A_51 = arith.addi %squeeze3A_22, %add3A_50 : i32
    %eq3A_52 = arith.constant 2 : i32
    %eq3A_53 = arith.cmpi eq, %add3A_51, %eq3A_52 : i32
    %select_n3A_54 = arith.select %eq3A_53, %squeeze3A_46, %select_n3A_44 : i32
    %slice3A_55 = vector.extract_strided_slice %get3A_25 {offsets = [3], sizes = [1], strides = [1]} : vector<16xi32> to vector<1xi32>
    %squeeze3A_56 = vector.extract %slice3A_55[0] : i32 from vector<1xi32>
    %eq3A_57 = arith.constant 3 : i32
    %eq3A_58 = arith.cmpi eq, %squeeze3A, %eq3A_57 : i32
    %select_n3A_59 = arith.select %eq3A_58, %squeeze3A_56, %select_n3A_49 : i32
    %add3A_60 = arith.constant 1 : i32
    %add3A_61 = arith.addi %squeeze3A_22, %add3A_60 : i32
    %eq3A_62 = arith.constant 3 : i32
    %eq3A_63 = arith.cmpi eq, %add3A_61, %eq3A_62 : i32
    %select_n3A_64 = arith.select %eq3A_63, %squeeze3A_56, %select_n3A_54 : i32
    %slice3A_65 = vector.extract_strided_slice %get3A_25 {offsets = [4], sizes = [1], strides = [1]} : vector<16xi32> to vector<1xi32>
    %squeeze3A_66 = vector.extract %slice3A_65[0] : i32 from vector<1xi32>
    %eq3A_67 = arith.constant 4 : i32
    %eq3A_68 = arith.cmpi eq, %squeeze3A, %eq3A_67 : i32
    %select_n3A_69 = arith.select %eq3A_68, %squeeze3A_66, %select_n3A_59 : i32
    %add3A_70 = arith.constant 1 : i32
    %add3A_71 = arith.addi %squeeze3A_22, %add3A_70 : i32
    %eq3A_72 = arith.constant 4 : i32
    %eq3A_73 = arith.cmpi eq, %add3A_71, %eq3A_72 : i32
    %select_n3A_74 = arith.select %eq3A_73, %squeeze3A_66, %select_n3A_64 : i32
    %slice3A_75 = vector.extract_strided_slice %get3A_25 {offsets = [5], sizes = [1], strides = [1]} : vector<16xi32> to vector<1xi32>
    %squeeze3A_76 = vector.extract %slice3A_75[0] : i32 from vector<1xi32>
    %eq3A_77 = arith.constant 5 : i32
    %eq3A_78 = arith.cmpi eq, %squeeze3A, %eq3A_77 : i32
    %select_n3A_79 = arith.select %eq3A_78, %squeeze3A_76, %select_n3A_69 : i32
    %add3A_80 = arith.constant 1 : i32
    %add3A_81 = arith.addi %squeeze3A_22, %add3A_80 : i32
    %eq3A_82 = arith.constant 5 : i32
    %eq3A_83 = arith.cmpi eq, %add3A_81, %eq3A_82 : i32
    %select_n3A_84 = arith.select %eq3A_83, %squeeze3A_76, %select_n3A_74 : i32
    %slice3A_85 = vector.extract_strided_slice %get3A_25 {offsets = [6], sizes = [1], strides = [1]} : vector<16xi32> to vector<1xi32>
    %squeeze3A_86 = vector.extract %slice3A_85[0] : i32 from vector<1xi32>
    %eq3A_87 = arith.constant 6 : i32
    %eq3A_88 = arith.cmpi eq, %squeeze3A, %eq3A_87 : i32
    %select_n3A_89 = arith.select %eq3A_88, %squeeze3A_86, %select_n3A_79 : i32
    %add3A_90 = arith.constant 1 : i32
    %add3A_91 = arith.addi %squeeze3A_22, %add3A_90 : i32
    %eq3A_92 = arith.constant 6 : i32
    %eq3A_93 = arith.cmpi eq, %add3A_91, %eq3A_92 : i32
    %select_n3A_94 = arith.select %eq3A_93, %squeeze3A_86, %select_n3A_84 : i32
    %slice3A_95 = vector.extract_strided_slice %get3A_25 {offsets = [7], sizes = [1], strides = [1]} : vector<16xi32> to vector<1xi32>
    %squeeze3A_96 = vector.extract %slice3A_95[0] : i32 from vector<1xi32>
    %eq3A_97 = arith.constant 7 : i32
    %eq3A_98 = arith.cmpi eq, %squeeze3A, %eq3A_97 : i32
    %select_n3A_99 = arith.select %eq3A_98, %squeeze3A_96, %select_n3A_89 : i32
    %add3A_100 = arith.constant 1 : i32
    %add3A_101 = arith.addi %squeeze3A_22, %add3A_100 : i32
    %eq3A_102 = arith.constant 7 : i32
    %eq3A_103 = arith.cmpi eq, %add3A_101, %eq3A_102 : i32
    %select_n3A_104 = arith.select %eq3A_103, %squeeze3A_96, %select_n3A_94 : i32
    %slice3A_105 = vector.extract_strided_slice %get3A_25 {offsets = [8], sizes = [1], strides = [1]} : vector<16xi32> to vector<1xi32>
    %squeeze3A_106 = vector.extract %slice3A_105[0] : i32 from vector<1xi32>
    %eq3A_107 = arith.constant 8 : i32
    %eq3A_108 = arith.cmpi eq, %squeeze3A, %eq3A_107 : i32
    %select_n3A_109 = arith.select %eq3A_108, %squeeze3A_106, %select_n3A_99 : i32
    %add3A_110 = arith.constant 1 : i32
    %add3A_111 = arith.addi %squeeze3A_22, %add3A_110 : i32
    %eq3A_112 = arith.constant 8 : i32
    %eq3A_113 = arith.cmpi eq, %add3A_111, %eq3A_112 : i32
    %select_n3A_114 = arith.select %eq3A_113, %squeeze3A_106, %select_n3A_104 : i32
    %jit3A_115 = arith.constant 16 : i32
    %div3A = arith.divsi %select_n3A_109, %jit3A_115 : i32
    %sign3A = arith.constant 0 : i32
    %sign3A_116 = arith.cmpi sgt, %select_n3A_109, %sign3A : i32
    %sign3A_117 = arith.extui %sign3A_116 : i1 to i32
    %sign3A_118 = arith.constant 0 : i32
    %sign3A_119 = arith.cmpi slt, %select_n3A_109, %sign3A_118 : i32
    %sign3A_120 = arith.extui %sign3A_119 : i1 to i32
    %sign3A_121 = arith.subi %sign3A_117, %sign3A_120 : i32
    %sign3A_122 = arith.constant 0 : i32
    %sign3A_123 = arith.cmpi sgt, %jit3A_115, %sign3A_122 : i32
    %sign3A_124 = arith.extui %sign3A_123 : i1 to i32
    %sign3A_125 = arith.constant 0 : i32
    %sign3A_126 = arith.cmpi slt, %jit3A_115, %sign3A_125 : i32
    %sign3A_127 = arith.extui %sign3A_126 : i1 to i32
    %sign3A_128 = arith.subi %sign3A_124, %sign3A_127 : i32
    %ne3A = arith.cmpi ne, %sign3A_121, %sign3A_128 : i32
    %rem3A = arith.remsi %select_n3A_109, %jit3A_115 : i32
    %ne3A_129 = arith.constant 0 : i32
    %ne3A_130 = arith.cmpi ne, %rem3A, %ne3A_129 : i32
    %and3A = arith.andi %ne3A, %ne3A_130 : i1
    %sub3A_131 = arith.constant 1 : i32
    %sub3A_132 = arith.subi %div3A, %sub3A_131 : i32
    %select_n3A_133 = arith.select %and3A, %sub3A_132, %div3A : i32
    %add3A_134 = arith.constant 16 : i32
    %add3A_135 = arith.addi %select_n3A_114, %add3A_134 : i32
    %sub3A_136 = arith.constant 1 : i32
    %sub3A_137 = arith.subi %add3A_135, %sub3A_136 : i32
    %jit3A_138 = arith.constant 16 : i32
    %div3A_139 = arith.divsi %sub3A_137, %jit3A_138 : i32
    %sign3A_140 = arith.constant 0 : i32
    %sign3A_141 = arith.cmpi sgt, %sub3A_137, %sign3A_140 : i32
    %sign3A_142 = arith.extui %sign3A_141 : i1 to i32
    %sign3A_143 = arith.constant 0 : i32
    %sign3A_144 = arith.cmpi slt, %sub3A_137, %sign3A_143 : i32
    %sign3A_145 = arith.extui %sign3A_144 : i1 to i32
    %sign3A_146 = arith.subi %sign3A_142, %sign3A_145 : i32
    %sign3A_147 = arith.constant 0 : i32
    %sign3A_148 = arith.cmpi sgt, %jit3A_138, %sign3A_147 : i32
    %sign3A_149 = arith.extui %sign3A_148 : i1 to i32
    %sign3A_150 = arith.constant 0 : i32
    %sign3A_151 = arith.cmpi slt, %jit3A_138, %sign3A_150 : i32
    %sign3A_152 = arith.extui %sign3A_151 : i1 to i32
    %sign3A_153 = arith.subi %sign3A_149, %sign3A_152 : i32
    %ne3A_154 = arith.cmpi ne, %sign3A_146, %sign3A_153 : i32
    %rem3A_155 = arith.remsi %sub3A_137, %jit3A_138 : i32
    %ne3A_156 = arith.constant 0 : i32
    %ne3A_157 = arith.cmpi ne, %rem3A_155, %ne3A_156 : i32
    %and3A_158 = arith.andi %ne3A_154, %ne3A_157 : i1
    %sub3A_159 = arith.constant 1 : i32
    %sub3A_160 = arith.subi %div3A_139, %sub3A_159 : i32
    %select_n3A_161 = arith.select %and3A_158, %sub3A_160, %div3A_139 : i32
    %while3A = arith.constant 0 : i32
    %while3A_162 = arith.subi %select_n3A_161, %select_n3A_133 : i32
    %while3A_163 = arith.addi %select_n3A_133, %while3A_162 : i32
    %while3A_164 = arith.constant 1 : i32
    %while3A_165 = arith.divsi %while3A_162, %while3A_164 : i32
    %while3A_166 = arith.muli %while3A_165, %while3A_164 : i32
    %while3A_167 = arith.addi %select_n3A_133, %while3A_166 : i32
    %while3A_168 = arith.constant 1 : i32
    scf.for %while3A_482 = %select_n3A_133 to %while3A_167 step %while3A_168  : i32 {
      %mul3A_483 = arith.constant 16 : i32
      %mul3A_484 = arith.muli %while3A_482, %mul3A_483 : i32
      %get3A_485 = arith.index_cast %mul3A_484 : i32 to index
      %get3A_486 = tpu.vector_load %arg8[%get3A_485] {strides = array<i32>} : memref<4096xf32, #tpu.memory_space<vmem>>, vector<16xf32>,
      %get3A_487 = vector.shape_cast %get3A_486 : vector<16xf32> to vector<16xf32>
      %get3A_488 = arith.index_cast %mul3A_484 : i32 to index
      %get3A_489 = tpu.vector_load %arg9[%get3A_488] {strides = array<i32>} : memref<4096xf32, #tpu.memory_space<vmem>>, vector<16xf32>,
      %get3A_490 = vector.shape_cast %get3A_489 : vector<16xf32> to vector<16xf32>
      %get3A_491 = arith.index_cast %mul3A_484 : i32 to index
      %get3A_492 = tpu.vector_load %arg10[%get3A_491] {strides = array<i32>} : memref<4096xf32, #tpu.memory_space<vmem>>, vector<16xf32>,
      %get3A_493 = vector.shape_cast %get3A_492 : vector<16xf32> to vector<16xf32>
      %mul3A_494 = arith.mulf %get3A_487, %get3A_487 : vector<16xf32>
      %mul3A_495 = arith.mulf %get3A_490, %get3A_490 : vector<16xf32>
      %add3A_496 = arith.addf %mul3A_494, %mul3A_495 : vector<16xf32>
      %mul3A_497 = arith.mulf %get3A_493, %get3A_493 : vector<16xf32>
      %add3A_498 = arith.addf %add3A_496, %mul3A_497 : vector<16xf32>
      %swap3A_499 = arith.index_cast %mul3A_484 : i32 to index
      %swap3A_500 = tpu.vector_load %arg14[%swap3A_499] {strides = array<i32>} : memref<4128xf32, #tpu.memory_space<vmem>>, vector<16xf32>,
      %swap3A_501 = vector.shape_cast %swap3A_500 : vector<16xf32> to vector<16xf32>
      %swap3A_502 = vector.shape_cast %add3A_498 : vector<16xf32> to vector<16xf32>
      tpu.vector_store %arg14[%swap3A_499], %swap3A_502 {strides = array<i32>} : memref<4128xf32, #tpu.memory_space<vmem>>, vector<16xf32>,
      %bitcast_convert_type3A = tpu.bitcast %get3A_487 : vector<16xf32> -> vector<16xi32>
      %shift_right_logical3A = arith.constant 16 : i32
      %shift_right_logical3A_503 = vector.broadcast %shift_right_logical3A : i32 to vector<16xi32>
      %shift_right_logical3A_504 = arith.shrui %bitcast_convert_type3A, %shift_right_logical3A_503 : vector<16xi32>
      %and3A_505 = arith.constant 1 : i32
      %and3A_506 = vector.broadcast %and3A_505 : i32 to vector<16xi32>
      %and3A_507 = arith.andi %shift_right_logical3A_504, %and3A_506 : vector<16xi32>
      %add3A_508 = arith.constant 32767 : i32
      %add3A_509 = vector.broadcast %add3A_508 : i32 to vector<16xi32>
      %add3A_510 = arith.addi %bitcast_convert_type3A, %add3A_509 : vector<16xi32>
      %add3A_511 = arith.addi %add3A_510, %and3A_507 : vector<16xi32>
      %and3A_512 = arith.constant -65536 : i32
      %and3A_513 = vector.broadcast %and3A_512 : i32 to vector<16xi32>
      %and3A_514 = arith.andi %add3A_511, %and3A_513 : vector<16xi32>
      %bitcast_convert_type3A_515 = tpu.bitcast %and3A_514 : vector<16xi32> -> vector<16xf32>
      %swap3A_516 = arith.index_cast %mul3A_484 : i32 to index
      %swap3A_517 = tpu.vector_load %arg11[%swap3A_516] {strides = array<i32>} : memref<4128xf32, #tpu.memory_space<vmem>>, vector<16xf32>,
      %swap3A_518 = vector.shape_cast %swap3A_517 : vector<16xf32> to vector<16xf32>
      %swap3A_519 = vector.shape_cast %bitcast_convert_type3A_515 : vector<16xf32> to vector<16xf32>
      tpu.vector_store %arg11[%swap3A_516], %swap3A_519 {strides = array<i32>} : memref<4128xf32, #tpu.memory_space<vmem>>, vector<16xf32>,
      %bitcast_convert_type3A_520 = tpu.bitcast %get3A_490 : vector<16xf32> -> vector<16xi32>
      %shift_right_logical3A_521 = arith.constant 16 : i32
      %shift_right_logical3A_522 = vector.broadcast %shift_right_logical3A_521 : i32 to vector<16xi32>
      %shift_right_logical3A_523 = arith.shrui %bitcast_convert_type3A_520, %shift_right_logical3A_522 : vector<16xi32>
      %and3A_524 = arith.constant 1 : i32
      %and3A_525 = vector.broadcast %and3A_524 : i32 to vector<16xi32>
      %and3A_526 = arith.andi %shift_right_logical3A_523, %and3A_525 : vector<16xi32>
      %add3A_527 = arith.constant 32767 : i32
      %add3A_528 = vector.broadcast %add3A_527 : i32 to vector<16xi32>
      %add3A_529 = arith.addi %bitcast_convert_type3A_520, %add3A_528 : vector<16xi32>
      %add3A_530 = arith.addi %add3A_529, %and3A_526 : vector<16xi32>
      %and3A_531 = arith.constant -65536 : i32
      %and3A_532 = vector.broadcast %and3A_531 : i32 to vector<16xi32>
      %and3A_533 = arith.andi %add3A_530, %and3A_532 : vector<16xi32>
      %bitcast_convert_type3A_534 = tpu.bitcast %and3A_533 : vector<16xi32> -> vector<16xf32>
      %swap3A_535 = arith.index_cast %mul3A_484 : i32 to index
      %swap3A_536 = tpu.vector_load %arg12[%swap3A_535] {strides = array<i32>} : memref<4128xf32, #tpu.memory_space<vmem>>, vector<16xf32>,
      %swap3A_537 = vector.shape_cast %swap3A_536 : vector<16xf32> to vector<16xf32>
      %swap3A_538 = vector.shape_cast %bitcast_convert_type3A_534 : vector<16xf32> to vector<16xf32>
      tpu.vector_store %arg12[%swap3A_535], %swap3A_538 {strides = array<i32>} : memref<4128xf32, #tpu.memory_space<vmem>>, vector<16xf32>,
      %bitcast_convert_type3A_539 = tpu.bitcast %get3A_493 : vector<16xf32> -> vector<16xi32>
      %shift_right_logical3A_540 = arith.constant 16 : i32
      %shift_right_logical3A_541 = vector.broadcast %shift_right_logical3A_540 : i32 to vector<16xi32>
      %shift_right_logical3A_542 = arith.shrui %bitcast_convert_type3A_539, %shift_right_logical3A_541 : vector<16xi32>
      %and3A_543 = arith.constant 1 : i32
      %and3A_544 = vector.broadcast %and3A_543 : i32 to vector<16xi32>
      %and3A_545 = arith.andi %shift_right_logical3A_542, %and3A_544 : vector<16xi32>
      %add3A_546 = arith.constant 32767 : i32
      %add3A_547 = vector.broadcast %add3A_546 : i32 to vector<16xi32>
      %add3A_548 = arith.addi %bitcast_convert_type3A_539, %add3A_547 : vector<16xi32>
      %add3A_549 = arith.addi %add3A_548, %and3A_545 : vector<16xi32>
      %and3A_550 = arith.constant -65536 : i32
      %and3A_551 = vector.broadcast %and3A_550 : i32 to vector<16xi32>
      %and3A_552 = arith.andi %add3A_549, %and3A_551 : vector<16xi32>
      %bitcast_convert_type3A_553 = tpu.bitcast %and3A_552 : vector<16xi32> -> vector<16xf32>
      %swap3A_554 = arith.index_cast %mul3A_484 : i32 to index
      %swap3A_555 = tpu.vector_load %arg13[%swap3A_554] {strides = array<i32>} : memref<4128xf32, #tpu.memory_space<vmem>>, vector<16xf32>,
      %swap3A_556 = vector.shape_cast %swap3A_555 : vector<16xf32> to vector<16xf32>
      %swap3A_557 = vector.shape_cast %bitcast_convert_type3A_553 : vector<16xf32> to vector<16xf32>
      tpu.vector_store %arg13[%swap3A_554], %swap3A_557 {strides = array<i32>} : memref<4128xf32, #tpu.memory_space<vmem>>, vector<16xf32>,
    }
    %while3A_169 = arith.constant 1 : i32
    scf.for %while3A_482 = %while3A_167 to %while3A_163 step %while3A_169  : i32 {
      %mul3A_483 = arith.constant 16 : i32
      %mul3A_484 = arith.muli %while3A_482, %mul3A_483 : i32
      %get3A_485 = arith.index_cast %mul3A_484 : i32 to index
      %get3A_486 = tpu.vector_load %arg8[%get3A_485] {strides = array<i32>} : memref<4096xf32, #tpu.memory_space<vmem>>, vector<16xf32>,
      %get3A_487 = vector.shape_cast %get3A_486 : vector<16xf32> to vector<16xf32>
      %get3A_488 = arith.index_cast %mul3A_484 : i32 to index
      %get3A_489 = tpu.vector_load %arg9[%get3A_488] {strides = array<i32>} : memref<4096xf32, #tpu.memory_space<vmem>>, vector<16xf32>,
      %get3A_490 = vector.shape_cast %get3A_489 : vector<16xf32> to vector<16xf32>
      %get3A_491 = arith.index_cast %mul3A_484 : i32 to index
      %get3A_492 = tpu.vector_load %arg10[%get3A_491] {strides = array<i32>} : memref<4096xf32, #tpu.memory_space<vmem>>, vector<16xf32>,
      %get3A_493 = vector.shape_cast %get3A_492 : vector<16xf32> to vector<16xf32>
      %mul3A_494 = arith.mulf %get3A_487, %get3A_487 : vector<16xf32>
      %mul3A_495 = arith.mulf %get3A_490, %get3A_490 : vector<16xf32>
      %add3A_496 = arith.addf %mul3A_494, %mul3A_495 : vector<16xf32>
      %mul3A_497 = arith.mulf %get3A_493, %get3A_493 : vector<16xf32>
      %add3A_498 = arith.addf %add3A_496, %mul3A_497 : vector<16xf32>
      %swap3A_499 = arith.index_cast %mul3A_484 : i32 to index
      %swap3A_500 = tpu.vector_load %arg14[%swap3A_499] {strides = array<i32>} : memref<4128xf32, #tpu.memory_space<vmem>>, vector<16xf32>,
      %swap3A_501 = vector.shape_cast %swap3A_500 : vector<16xf32> to vector<16xf32>
      %swap3A_502 = vector.shape_cast %add3A_498 : vector<16xf32> to vector<16xf32>
      tpu.vector_store %arg14[%swap3A_499], %swap3A_502 {strides = array<i32>} : memref<4128xf32, #tpu.memory_space<vmem>>, vector<16xf32>,
      %bitcast_convert_type3A = tpu.bitcast %get3A_487 : vector<16xf32> -> vector<16xi32>
      %shift_right_logical3A = arith.constant 16 : i32
      %shift_right_logical3A_503 = vector.broadcast %shift_right_logical3A : i32 to vector<16xi32>
      %shift_right_logical3A_504 = arith.shrui %bitcast_convert_type3A, %shift_right_logical3A_503 : vector<16xi32>
      %and3A_505 = arith.constant 1 : i32
      %and3A_506 = vector.broadcast %and3A_505 : i32 to vector<16xi32>
      %and3A_507 = arith.andi %shift_right_logical3A_504, %and3A_506 : vector<16xi32>
      %add3A_508 = arith.constant 32767 : i32
      %add3A_509 = vector.broadcast %add3A_508 : i32 to vector<16xi32>
      %add3A_510 = arith.addi %bitcast_convert_type3A, %add3A_509 : vector<16xi32>
      %add3A_511 = arith.addi %add3A_510, %and3A_507 : vector<16xi32>
      %and3A_512 = arith.constant -65536 : i32
      %and3A_513 = vector.broadcast %and3A_512 : i32 to vector<16xi32>
      %and3A_514 = arith.andi %add3A_511, %and3A_513 : vector<16xi32>
      %bitcast_convert_type3A_515 = tpu.bitcast %and3A_514 : vector<16xi32> -> vector<16xf32>
      %swap3A_516 = arith.index_cast %mul3A_484 : i32 to index
      %swap3A_517 = tpu.vector_load %arg11[%swap3A_516] {strides = array<i32>} : memref<4128xf32, #tpu.memory_space<vmem>>, vector<16xf32>,
      %swap3A_518 = vector.shape_cast %swap3A_517 : vector<16xf32> to vector<16xf32>
      %swap3A_519 = vector.shape_cast %bitcast_convert_type3A_515 : vector<16xf32> to vector<16xf32>
      tpu.vector_store %arg11[%swap3A_516], %swap3A_519 {strides = array<i32>} : memref<4128xf32, #tpu.memory_space<vmem>>, vector<16xf32>,
      %bitcast_convert_type3A_520 = tpu.bitcast %get3A_490 : vector<16xf32> -> vector<16xi32>
      %shift_right_logical3A_521 = arith.constant 16 : i32
      %shift_right_logical3A_522 = vector.broadcast %shift_right_logical3A_521 : i32 to vector<16xi32>
      %shift_right_logical3A_523 = arith.shrui %bitcast_convert_type3A_520, %shift_right_logical3A_522 : vector<16xi32>
      %and3A_524 = arith.constant 1 : i32
      %and3A_525 = vector.broadcast %and3A_524 : i32 to vector<16xi32>
      %and3A_526 = arith.andi %shift_right_logical3A_523, %and3A_525 : vector<16xi32>
      %add3A_527 = arith.constant 32767 : i32
      %add3A_528 = vector.broadcast %add3A_527 : i32 to vector<16xi32>
      %add3A_529 = arith.addi %bitcast_convert_type3A_520, %add3A_528 : vector<16xi32>
      %add3A_530 = arith.addi %add3A_529, %and3A_526 : vector<16xi32>
      %and3A_531 = arith.constant -65536 : i32
      %and3A_532 = vector.broadcast %and3A_531 : i32 to vector<16xi32>
      %and3A_533 = arith.andi %add3A_530, %and3A_532 : vector<16xi32>
      %bitcast_convert_type3A_534 = tpu.bitcast %and3A_533 : vector<16xi32> -> vector<16xf32>
      %swap3A_535 = arith.index_cast %mul3A_484 : i32 to index
      %swap3A_536 = tpu.vector_load %arg12[%swap3A_535] {strides = array<i32>} : memref<4128xf32, #tpu.memory_space<vmem>>, vector<16xf32>,
      %swap3A_537 = vector.shape_cast %swap3A_536 : vector<16xf32> to vector<16xf32>
      %swap3A_538 = vector.shape_cast %bitcast_convert_type3A_534 : vector<16xf32> to vector<16xf32>
      tpu.vector_store %arg12[%swap3A_535], %swap3A_538 {strides = array<i32>} : memref<4128xf32, #tpu.memory_space<vmem>>, vector<16xf32>,
      %bitcast_convert_type3A_539 = tpu.bitcast %get3A_493 : vector<16xf32> -> vector<16xi32>
      %shift_right_logical3A_540 = arith.constant 16 : i32
      %shift_right_logical3A_541 = vector.broadcast %shift_right_logical3A_540 : i32 to vector<16xi32>
      %shift_right_logical3A_542 = arith.shrui %bitcast_convert_type3A_539, %shift_right_logical3A_541 : vector<16xi32>
      %and3A_543 = arith.constant 1 : i32
      %and3A_544 = vector.broadcast %and3A_543 : i32 to vector<16xi32>
      %and3A_545 = arith.andi %shift_right_logical3A_542, %and3A_544 : vector<16xi32>
      %add3A_546 = arith.constant 32767 : i32
      %add3A_547 = vector.broadcast %add3A_546 : i32 to vector<16xi32>
      %add3A_548 = arith.addi %bitcast_convert_type3A_539, %add3A_547 : vector<16xi32>
      %add3A_549 = arith.addi %add3A_548, %and3A_545 : vector<16xi32>
      %and3A_550 = arith.constant -65536 : i32
      %and3A_551 = vector.broadcast %and3A_550 : i32 to vector<16xi32>
      %and3A_552 = arith.andi %add3A_549, %and3A_551 : vector<16xi32>
      %bitcast_convert_type3A_553 = tpu.bitcast %and3A_552 : vector<16xi32> -> vector<16xf32>
      %swap3A_554 = arith.index_cast %mul3A_484 : i32 to index
      %swap3A_555 = tpu.vector_load %arg13[%swap3A_554] {strides = array<i32>} : memref<4128xf32, #tpu.memory_space<vmem>>, vector<16xf32>,
      %swap3A_556 = vector.shape_cast %swap3A_555 : vector<16xf32> to vector<16xf32>
      %swap3A_557 = vector.shape_cast %bitcast_convert_type3A_553 : vector<16xf32> to vector<16xf32>
      tpu.vector_store %arg13[%swap3A_554], %swap3A_557 {strides = array<i32>} : memref<4128xf32, #tpu.memory_space<vmem>>, vector<16xf32>,
    }
    %add3A_170 = arith.constant 0 : i32
    %add3A_171 = arith.addi %mul3A_12, %add3A_170 : i32
    %get3A_172 = arith.index_cast %add3A_171 : i32 to index
    %get3A_173 = tpu.vector_load %arg11[%get3A_172] {strides = array<i32>} : memref<4128xf32, #tpu.memory_space<vmem>>, vector<16xf32>,
    %get3A_174 = vector.shape_cast %get3A_173 : vector<16xf32> to vector<16xf32>
    %add3A_175 = arith.constant 16 : i32
    %add3A_176 = arith.addi %mul3A_12, %add3A_175 : i32
    %get3A_177 = arith.index_cast %add3A_176 : i32 to index
    %get3A_178 = tpu.vector_load %arg11[%get3A_177] {strides = array<i32>} : memref<4128xf32, #tpu.memory_space<vmem>>, vector<16xf32>,
    %get3A_179 = vector.shape_cast %get3A_178 : vector<16xf32> to vector<16xf32>
    %add3A_180 = arith.constant 32 : i32
    %add3A_181 = arith.addi %mul3A_12, %add3A_180 : i32
    %get3A_182 = arith.index_cast %add3A_181 : i32 to index
    %get3A_183 = tpu.vector_load %arg11[%get3A_182] {strides = array<i32>} : memref<4128xf32, #tpu.memory_space<vmem>>, vector<16xf32>,
    %get3A_184 = vector.shape_cast %get3A_183 : vector<16xf32> to vector<16xf32>
    %add3A_185 = arith.constant 48 : i32
    %add3A_186 = arith.addi %mul3A_12, %add3A_185 : i32
    %get3A_187 = arith.index_cast %add3A_186 : i32 to index
    %get3A_188 = tpu.vector_load %arg11[%get3A_187] {strides = array<i32>} : memref<4128xf32, #tpu.memory_space<vmem>>, vector<16xf32>,
    %get3A_189 = vector.shape_cast %get3A_188 : vector<16xf32> to vector<16xf32>
    %add3A_190 = arith.constant 64 : i32
    %add3A_191 = arith.addi %mul3A_12, %add3A_190 : i32
    %get3A_192 = arith.index_cast %add3A_191 : i32 to index
    %get3A_193 = tpu.vector_load %arg11[%get3A_192] {strides = array<i32>} : memref<4128xf32, #tpu.memory_space<vmem>>, vector<16xf32>,
    %get3A_194 = vector.shape_cast %get3A_193 : vector<16xf32> to vector<16xf32>
    %add3A_195 = arith.constant 80 : i32
    %add3A_196 = arith.addi %mul3A_12, %add3A_195 : i32
    %get3A_197 = arith.index_cast %add3A_196 : i32 to index
    %get3A_198 = tpu.vector_load %arg11[%get3A_197] {strides = array<i32>} : memref<4128xf32, #tpu.memory_space<vmem>>, vector<16xf32>,
    %get3A_199 = vector.shape_cast %get3A_198 : vector<16xf32> to vector<16xf32>
    %add3A_200 = arith.constant 96 : i32
    %add3A_201 = arith.addi %mul3A_12, %add3A_200 : i32
    %get3A_202 = arith.index_cast %add3A_201 : i32 to index
    %get3A_203 = tpu.vector_load %arg11[%get3A_202] {strides = array<i32>} : memref<4128xf32, #tpu.memory_space<vmem>>, vector<16xf32>,
    %get3A_204 = vector.shape_cast %get3A_203 : vector<16xf32> to vector<16xf32>
    %add3A_205 = arith.constant 112 : i32
    %add3A_206 = arith.addi %mul3A_12, %add3A_205 : i32
    %get3A_207 = arith.index_cast %add3A_206 : i32 to index
    %get3A_208 = tpu.vector_load %arg11[%get3A_207] {strides = array<i32>} : memref<4128xf32, #tpu.memory_space<vmem>>, vector<16xf32>,
    %get3A_209 = vector.shape_cast %get3A_208 : vector<16xf32> to vector<16xf32>
    %add3A_210 = arith.constant 0 : i32
    %add3A_211 = arith.addi %mul3A_12, %add3A_210 : i32
    %get3A_212 = arith.index_cast %add3A_211 : i32 to index
    %get3A_213 = tpu.vector_load %arg12[%get3A_212] {strides = array<i32>} : memref<4128xf32, #tpu.memory_space<vmem>>, vector<16xf32>,
    %get3A_214 = vector.shape_cast %get3A_213 : vector<16xf32> to vector<16xf32>
    %add3A_215 = arith.constant 16 : i32
    %add3A_216 = arith.addi %mul3A_12, %add3A_215 : i32
    %get3A_217 = arith.index_cast %add3A_216 : i32 to index
    %get3A_218 = tpu.vector_load %arg12[%get3A_217] {strides = array<i32>} : memref<4128xf32, #tpu.memory_space<vmem>>, vector<16xf32>,
    %get3A_219 = vector.shape_cast %get3A_218 : vector<16xf32> to vector<16xf32>
    %add3A_220 = arith.constant 32 : i32
    %add3A_221 = arith.addi %mul3A_12, %add3A_220 : i32
    %get3A_222 = arith.index_cast %add3A_221 : i32 to index
    %get3A_223 = tpu.vector_load %arg12[%get3A_222] {strides = array<i32>} : memref<4128xf32, #tpu.memory_space<vmem>>, vector<16xf32>,
    %get3A_224 = vector.shape_cast %get3A_223 : vector<16xf32> to vector<16xf32>
    %add3A_225 = arith.constant 48 : i32
    %add3A_226 = arith.addi %mul3A_12, %add3A_225 : i32
    %get3A_227 = arith.index_cast %add3A_226 : i32 to index
    %get3A_228 = tpu.vector_load %arg12[%get3A_227] {strides = array<i32>} : memref<4128xf32, #tpu.memory_space<vmem>>, vector<16xf32>,
    %get3A_229 = vector.shape_cast %get3A_228 : vector<16xf32> to vector<16xf32>
    %add3A_230 = arith.constant 64 : i32
    %add3A_231 = arith.addi %mul3A_12, %add3A_230 : i32
    %get3A_232 = arith.index_cast %add3A_231 : i32 to index
    %get3A_233 = tpu.vector_load %arg12[%get3A_232] {strides = array<i32>} : memref<4128xf32, #tpu.memory_space<vmem>>, vector<16xf32>,
    %get3A_234 = vector.shape_cast %get3A_233 : vector<16xf32> to vector<16xf32>
    %add3A_235 = arith.constant 80 : i32
    %add3A_236 = arith.addi %mul3A_12, %add3A_235 : i32
    %get3A_237 = arith.index_cast %add3A_236 : i32 to index
    %get3A_238 = tpu.vector_load %arg12[%get3A_237] {strides = array<i32>} : memref<4128xf32, #tpu.memory_space<vmem>>, vector<16xf32>,
    %get3A_239 = vector.shape_cast %get3A_238 : vector<16xf32> to vector<16xf32>
    %add3A_240 = arith.constant 96 : i32
    %add3A_241 = arith.addi %mul3A_12, %add3A_240 : i32
    %get3A_242 = arith.index_cast %add3A_241 : i32 to index
    %get3A_243 = tpu.vector_load %arg12[%get3A_242] {strides = array<i32>} : memref<4128xf32, #tpu.memory_space<vmem>>, vector<16xf32>,
    %get3A_244 = vector.shape_cast %get3A_243 : vector<16xf32> to vector<16xf32>
    %add3A_245 = arith.constant 112 : i32
    %add3A_246 = arith.addi %mul3A_12, %add3A_245 : i32
    %get3A_247 = arith.index_cast %add3A_246 : i32 to index
    %get3A_248 = tpu.vector_load %arg12[%get3A_247] {strides = array<i32>} : memref<4128xf32, #tpu.memory_space<vmem>>, vector<16xf32>,
    %get3A_249 = vector.shape_cast %get3A_248 : vector<16xf32> to vector<16xf32>
    %add3A_250 = arith.constant 0 : i32
    %add3A_251 = arith.addi %mul3A_12, %add3A_250 : i32
    %get3A_252 = arith.index_cast %add3A_251 : i32 to index
    %get3A_253 = tpu.vector_load %arg13[%get3A_252] {strides = array<i32>} : memref<4128xf32, #tpu.memory_space<vmem>>, vector<16xf32>,
    %get3A_254 = vector.shape_cast %get3A_253 : vector<16xf32> to vector<16xf32>
    %add3A_255 = arith.constant 16 : i32
    %add3A_256 = arith.addi %mul3A_12, %add3A_255 : i32
    %get3A_257 = arith.index_cast %add3A_256 : i32 to index
    %get3A_258 = tpu.vector_load %arg13[%get3A_257] {strides = array<i32>} : memref<4128xf32, #tpu.memory_space<vmem>>, vector<16xf32>,
    %get3A_259 = vector.shape_cast %get3A_258 : vector<16xf32> to vector<16xf32>
    %add3A_260 = arith.constant 32 : i32
    %add3A_261 = arith.addi %mul3A_12, %add3A_260 : i32
    %get3A_262 = arith.index_cast %add3A_261 : i32 to index
    %get3A_263 = tpu.vector_load %arg13[%get3A_262] {strides = array<i32>} : memref<4128xf32, #tpu.memory_space<vmem>>, vector<16xf32>,
    %get3A_264 = vector.shape_cast %get3A_263 : vector<16xf32> to vector<16xf32>
    %add3A_265 = arith.constant 48 : i32
    %add3A_266 = arith.addi %mul3A_12, %add3A_265 : i32
    %get3A_267 = arith.index_cast %add3A_266 : i32 to index
    %get3A_268 = tpu.vector_load %arg13[%get3A_267] {strides = array<i32>} : memref<4128xf32, #tpu.memory_space<vmem>>, vector<16xf32>,
    %get3A_269 = vector.shape_cast %get3A_268 : vector<16xf32> to vector<16xf32>
    %add3A_270 = arith.constant 64 : i32
    %add3A_271 = arith.addi %mul3A_12, %add3A_270 : i32
    %get3A_272 = arith.index_cast %add3A_271 : i32 to index
    %get3A_273 = tpu.vector_load %arg13[%get3A_272] {strides = array<i32>} : memref<4128xf32, #tpu.memory_space<vmem>>, vector<16xf32>,
    %get3A_274 = vector.shape_cast %get3A_273 : vector<16xf32> to vector<16xf32>
    %add3A_275 = arith.constant 80 : i32
    %add3A_276 = arith.addi %mul3A_12, %add3A_275 : i32
    %get3A_277 = arith.index_cast %add3A_276 : i32 to index
    %get3A_278 = tpu.vector_load %arg13[%get3A_277] {strides = array<i32>} : memref<4128xf32, #tpu.memory_space<vmem>>, vector<16xf32>,
    %get3A_279 = vector.shape_cast %get3A_278 : vector<16xf32> to vector<16xf32>
    %add3A_280 = arith.constant 96 : i32
    %add3A_281 = arith.addi %mul3A_12, %add3A_280 : i32
    %get3A_282 = arith.index_cast %add3A_281 : i32 to index
    %get3A_283 = tpu.vector_load %arg13[%get3A_282] {strides = array<i32>} : memref<4128xf32, #tpu.memory_space<vmem>>, vector<16xf32>,
    %get3A_284 = vector.shape_cast %get3A_283 : vector<16xf32> to vector<16xf32>
    %add3A_285 = arith.constant 112 : i32
    %add3A_286 = arith.addi %mul3A_12, %add3A_285 : i32
    %get3A_287 = arith.index_cast %add3A_286 : i32 to index
    %get3A_288 = tpu.vector_load %arg13[%get3A_287] {strides = array<i32>} : memref<4128xf32, #tpu.memory_space<vmem>>, vector<16xf32>,
    %get3A_289 = vector.shape_cast %get3A_288 : vector<16xf32> to vector<16xf32>
    %add3A_290 = arith.constant 0 : i32
    %add3A_291 = arith.addi %mul3A_12, %add3A_290 : i32
    %get3A_292 = arith.index_cast %add3A_291 : i32 to index
    %get3A_293 = tpu.vector_load %arg14[%get3A_292] {strides = array<i32>} : memref<4128xf32, #tpu.memory_space<vmem>>, vector<16xf32>,
    %get3A_294 = vector.shape_cast %get3A_293 : vector<16xf32> to vector<16xf32>
    %add3A_295 = arith.constant 16 : i32
    %add3A_296 = arith.addi %mul3A_12, %add3A_295 : i32
    %get3A_297 = arith.index_cast %add3A_296 : i32 to index
    %get3A_298 = tpu.vector_load %arg14[%get3A_297] {strides = array<i32>} : memref<4128xf32, #tpu.memory_space<vmem>>, vector<16xf32>,
    %get3A_299 = vector.shape_cast %get3A_298 : vector<16xf32> to vector<16xf32>
    %add3A_300 = arith.constant 32 : i32
    %add3A_301 = arith.addi %mul3A_12, %add3A_300 : i32
    %get3A_302 = arith.index_cast %add3A_301 : i32 to index
    %get3A_303 = tpu.vector_load %arg14[%get3A_302] {strides = array<i32>} : memref<4128xf32, #tpu.memory_space<vmem>>, vector<16xf32>,
    %get3A_304 = vector.shape_cast %get3A_303 : vector<16xf32> to vector<16xf32>
    %add3A_305 = arith.constant 48 : i32
    %add3A_306 = arith.addi %mul3A_12, %add3A_305 : i32
    %get3A_307 = arith.index_cast %add3A_306 : i32 to index
    %get3A_308 = tpu.vector_load %arg14[%get3A_307] {strides = array<i32>} : memref<4128xf32, #tpu.memory_space<vmem>>, vector<16xf32>,
    %get3A_309 = vector.shape_cast %get3A_308 : vector<16xf32> to vector<16xf32>
    %add3A_310 = arith.constant 64 : i32
    %add3A_311 = arith.addi %mul3A_12, %add3A_310 : i32
    %get3A_312 = arith.index_cast %add3A_311 : i32 to index
    %get3A_313 = tpu.vector_load %arg14[%get3A_312] {strides = array<i32>} : memref<4128xf32, #tpu.memory_space<vmem>>, vector<16xf32>,
    %get3A_314 = vector.shape_cast %get3A_313 : vector<16xf32> to vector<16xf32>
    %add3A_315 = arith.constant 80 : i32
    %add3A_316 = arith.addi %mul3A_12, %add3A_315 : i32
    %get3A_317 = arith.index_cast %add3A_316 : i32 to index
    %get3A_318 = tpu.vector_load %arg14[%get3A_317] {strides = array<i32>} : memref<4128xf32, #tpu.memory_space<vmem>>, vector<16xf32>,
    %get3A_319 = vector.shape_cast %get3A_318 : vector<16xf32> to vector<16xf32>
    %add3A_320 = arith.constant 96 : i32
    %add3A_321 = arith.addi %mul3A_12, %add3A_320 : i32
    %get3A_322 = arith.index_cast %add3A_321 : i32 to index
    %get3A_323 = tpu.vector_load %arg14[%get3A_322] {strides = array<i32>} : memref<4128xf32, #tpu.memory_space<vmem>>, vector<16xf32>,
    %get3A_324 = vector.shape_cast %get3A_323 : vector<16xf32> to vector<16xf32>
    %add3A_325 = arith.constant 112 : i32
    %add3A_326 = arith.addi %mul3A_12, %add3A_325 : i32
    %get3A_327 = arith.index_cast %add3A_326 : i32 to index
    %get3A_328 = tpu.vector_load %arg14[%get3A_327] {strides = array<i32>} : memref<4128xf32, #tpu.memory_space<vmem>>, vector<16xf32>,
    %get3A_329 = vector.shape_cast %get3A_328 : vector<16xf32> to vector<16xf32>
    %add3A_330 = arith.constant 0 : i32
    %add3A_331 = arith.addi %mul3A_12, %add3A_330 : i32
    %get3A_332 = arith.index_cast %add3A_331 : i32 to index
    %get3A_333 = tpu.vector_load %arg15[%get3A_332] {strides = array<i32>} : memref<4128xi32, #tpu.memory_space<vmem>>, vector<16xi32>,
    %get3A_334 = vector.shape_cast %get3A_333 : vector<16xi32> to vector<16xi32>
    %add3A_335 = arith.constant 16 : i32
    %add3A_336 = arith.addi %mul3A_12, %add3A_335 : i32
    %get3A_337 = arith.index_cast %add3A_336 : i32 to index
    %get3A_338 = tpu.vector_load %arg15[%get3A_337] {strides = array<i32>} : memref<4128xi32, #tpu.memory_space<vmem>>, vector<16xi32>,
    %get3A_339 = vector.shape_cast %get3A_338 : vector<16xi32> to vector<16xi32>
    %add3A_340 = arith.constant 32 : i32
    %add3A_341 = arith.addi %mul3A_12, %add3A_340 : i32
    %get3A_342 = arith.index_cast %add3A_341 : i32 to index
    %get3A_343 = tpu.vector_load %arg15[%get3A_342] {strides = array<i32>} : memref<4128xi32, #tpu.memory_space<vmem>>, vector<16xi32>,
    %get3A_344 = vector.shape_cast %get3A_343 : vector<16xi32> to vector<16xi32>
    %add3A_345 = arith.constant 48 : i32
    %add3A_346 = arith.addi %mul3A_12, %add3A_345 : i32
    %get3A_347 = arith.index_cast %add3A_346 : i32 to index
    %get3A_348 = tpu.vector_load %arg15[%get3A_347] {strides = array<i32>} : memref<4128xi32, #tpu.memory_space<vmem>>, vector<16xi32>,
    %get3A_349 = vector.shape_cast %get3A_348 : vector<16xi32> to vector<16xi32>
    %add3A_350 = arith.constant 64 : i32
    %add3A_351 = arith.addi %mul3A_12, %add3A_350 : i32
    %get3A_352 = arith.index_cast %add3A_351 : i32 to index
    %get3A_353 = tpu.vector_load %arg15[%get3A_352] {strides = array<i32>} : memref<4128xi32, #tpu.memory_space<vmem>>, vector<16xi32>,
    %get3A_354 = vector.shape_cast %get3A_353 : vector<16xi32> to vector<16xi32>
    %add3A_355 = arith.constant 80 : i32
    %add3A_356 = arith.addi %mul3A_12, %add3A_355 : i32
    %get3A_357 = arith.index_cast %add3A_356 : i32 to index
    %get3A_358 = tpu.vector_load %arg15[%get3A_357] {strides = array<i32>} : memref<4128xi32, #tpu.memory_space<vmem>>, vector<16xi32>,
    %get3A_359 = vector.shape_cast %get3A_358 : vector<16xi32> to vector<16xi32>
    %add3A_360 = arith.constant 96 : i32
    %add3A_361 = arith.addi %mul3A_12, %add3A_360 : i32
    %get3A_362 = arith.index_cast %add3A_361 : i32 to index
    %get3A_363 = tpu.vector_load %arg15[%get3A_362] {strides = array<i32>} : memref<4128xi32, #tpu.memory_space<vmem>>, vector<16xi32>,
    %get3A_364 = vector.shape_cast %get3A_363 : vector<16xi32> to vector<16xi32>
    %add3A_365 = arith.constant 112 : i32
    %add3A_366 = arith.addi %mul3A_12, %add3A_365 : i32
    %get3A_367 = arith.index_cast %add3A_366 : i32 to index
    %get3A_368 = tpu.vector_load %arg15[%get3A_367] {strides = array<i32>} : memref<4128xi32, #tpu.memory_space<vmem>>, vector<16xi32>,
    %get3A_369 = vector.shape_cast %get3A_368 : vector<16xi32> to vector<16xi32>
    %sub3A_370 = arith.subi %select_n3A_114, %select_n3A_109 : i32
    %add3A_371 = arith.constant 4 : i32
    %add3A_372 = arith.addi %sub3A_370, %add3A_371 : i32
    %sub3A_373 = arith.constant 1 : i32
    %sub3A_374 = arith.subi %add3A_372, %sub3A_373 : i32
    %jit3A_375 = arith.constant 4 : i32
    %div3A_376 = arith.divsi %sub3A_374, %jit3A_375 : i32
    %sign3A_377 = arith.constant 0 : i32
    %sign3A_378 = arith.cmpi sgt, %sub3A_374, %sign3A_377 : i32
    %sign3A_379 = arith.extui %sign3A_378 : i1 to i32
    %sign3A_380 = arith.constant 0 : i32
    %sign3A_381 = arith.cmpi slt, %sub3A_374, %sign3A_380 : i32
    %sign3A_382 = arith.extui %sign3A_381 : i1 to i32
    %sign3A_383 = arith.subi %sign3A_379, %sign3A_382 : i32
    %sign3A_384 = arith.constant 0 : i32
    %sign3A_385 = arith.cmpi sgt, %jit3A_375, %sign3A_384 : i32
    %sign3A_386 = arith.extui %sign3A_385 : i1 to i32
    %sign3A_387 = arith.constant 0 : i32
    %sign3A_388 = arith.cmpi slt, %jit3A_375, %sign3A_387 : i32
    %sign3A_389 = arith.extui %sign3A_388 : i1 to i32
    %sign3A_390 = arith.subi %sign3A_386, %sign3A_389 : i32
    %ne3A_391 = arith.cmpi ne, %sign3A_383, %sign3A_390 : i32
    %rem3A_392 = arith.remsi %sub3A_374, %jit3A_375 : i32
    %ne3A_393 = arith.constant 0 : i32
    %ne3A_394 = arith.cmpi ne, %rem3A_392, %ne3A_393 : i32
    %and3A_395 = arith.andi %ne3A_391, %ne3A_394 : i1
    %sub3A_396 = arith.constant 1 : i32
    %sub3A_397 = arith.subi %div3A_376, %sub3A_396 : i32
    %select_n3A_398 = arith.select %and3A_395, %sub3A_397, %div3A_376 : i32
    %broadcast_in_dim3A_399 = arith.constant 0.000000e+00 : f32
    %broadcast_in_dim3A_400 = vector.broadcast %broadcast_in_dim3A_399 : f32 to vector<16xf32>
    %broadcast_in_dim3A_401 = arith.constant 0.000000e+00 : f32
    %broadcast_in_dim3A_402 = vector.broadcast %broadcast_in_dim3A_401 : f32 to vector<16xf32>
    %broadcast_in_dim3A_403 = arith.constant 0.000000e+00 : f32
    %broadcast_in_dim3A_404 = vector.broadcast %broadcast_in_dim3A_403 : f32 to vector<16xf32>
    %broadcast_in_dim3A_405 = arith.constant 0.000000e+00 : f32
    %broadcast_in_dim3A_406 = vector.broadcast %broadcast_in_dim3A_405 : f32 to vector<16xf32>
    %broadcast_in_dim3A_407 = arith.constant 0.000000e+00 : f32
    %broadcast_in_dim3A_408 = vector.broadcast %broadcast_in_dim3A_407 : f32 to vector<16xf32>
    %broadcast_in_dim3A_409 = arith.constant 0.000000e+00 : f32
    %broadcast_in_dim3A_410 = vector.broadcast %broadcast_in_dim3A_409 : f32 to vector<16xf32>
    %broadcast_in_dim3A_411 = arith.constant 0.000000e+00 : f32
    %broadcast_in_dim3A_412 = vector.broadcast %broadcast_in_dim3A_411 : f32 to vector<16xf32>
    %broadcast_in_dim3A_413 = arith.constant 0.000000e+00 : f32
    %broadcast_in_dim3A_414 = vector.broadcast %broadcast_in_dim3A_413 : f32 to vector<16xf32>
    %while3A_415 = arith.constant 0 : i32
    %while3A_416 = arith.subi %select_n3A_398, %while3A_415 : i32
    %while3A_417 = arith.addi %while3A_415, %while3A_416 : i32
    %while3A_418 = arith.constant 1 : i32
    %while3A_419 = arith.divsi %while3A_416, %while3A_418 : i32
    %while3A_420 = arith.muli %while3A_419, %while3A_418 : i32
    %while3A_421 = arith.addi %while3A_415, %while3A_420 : i32
    %while3A_422 = arith.constant 1 : i32
    %while3A_423:8 = scf.for %while3A_482 = %while3A_415 to %while3A_421 step %while3A_422 iter_args(%while3A_483 = %broadcast_in_dim3A_400, %while3A_484 = %broadcast_in_dim3A_402, %while3A_485 = %broadcast_in_dim3A_404, %while3A_486 = %broadcast_in_dim3A_406, %while3A_487 = %broadcast_in_dim3A_408, %while3A_488 = %broadcast_in_dim3A_410, %while3A_489 = %broadcast_in_dim3A_412, %while3A_490 = %broadcast_in_dim3A_414) -> (vector<16xf32>, vector<16xf32>, vector<16xf32>, vector<16xf32>, vector<16xf32>, vector<16xf32>, vector<16xf32>, vector<16xf32>)  : i32 {
      %mul3A_491 = arith.constant 4 : i32
      %mul3A_492 = arith.muli %while3A_482, %mul3A_491 : i32
      %add3A_493 = arith.addi %select_n3A_109, %mul3A_492 : i32
      %add3A_494 = arith.constant 0 : i32
      %add3A_495 = arith.addi %add3A_493, %add3A_494 : i32
      %get3A_496 = arith.index_cast %add3A_495 : i32 to index
      %get3A_497 = tpu.vector_load %arg11[%get3A_496] {strides = array<i32>} : memref<4128xf32, #tpu.memory_space<vmem>>, vector<16xf32>,
      %get3A_498 = vector.shape_cast %get3A_497 : vector<16xf32> to vector<16xf32>
      %slice3A_499 = vector.extract_strided_slice %get3A_498 {offsets = [0], sizes = [1], strides = [1]} : vector<16xf32> to vector<1xf32>
      %squeeze3A_500 = vector.extract %slice3A_499[0] : f32 from vector<1xf32>
      %broadcast_in_dim3A_501 = vector.broadcast %squeeze3A_500 : f32 to vector<16xf32>
      %get3A_502 = arith.index_cast %add3A_495 : i32 to index
      %get3A_503 = tpu.vector_load %arg12[%get3A_502] {strides = array<i32>} : memref<4128xf32, #tpu.memory_space<vmem>>, vector<16xf32>,
      %get3A_504 = vector.shape_cast %get3A_503 : vector<16xf32> to vector<16xf32>
      %slice3A_505 = vector.extract_strided_slice %get3A_504 {offsets = [0], sizes = [1], strides = [1]} : vector<16xf32> to vector<1xf32>
      %squeeze3A_506 = vector.extract %slice3A_505[0] : f32 from vector<1xf32>
      %broadcast_in_dim3A_507 = vector.broadcast %squeeze3A_506 : f32 to vector<16xf32>
      %get3A_508 = arith.index_cast %add3A_495 : i32 to index
      %get3A_509 = tpu.vector_load %arg13[%get3A_508] {strides = array<i32>} : memref<4128xf32, #tpu.memory_space<vmem>>, vector<16xf32>,
      %get3A_510 = vector.shape_cast %get3A_509 : vector<16xf32> to vector<16xf32>
      %slice3A_511 = vector.extract_strided_slice %get3A_510 {offsets = [0], sizes = [1], strides = [1]} : vector<16xf32> to vector<1xf32>
      %squeeze3A_512 = vector.extract %slice3A_511[0] : f32 from vector<1xf32>
      %broadcast_in_dim3A_513 = vector.broadcast %squeeze3A_512 : f32 to vector<16xf32>
      %get3A_514 = arith.index_cast %add3A_495 : i32 to index
      %get3A_515 = tpu.vector_load %arg14[%get3A_514] {strides = array<i32>} : memref<4128xf32, #tpu.memory_space<vmem>>, vector<16xf32>,
      %get3A_516 = vector.shape_cast %get3A_515 : vector<16xf32> to vector<16xf32>
      %slice3A_517 = vector.extract_strided_slice %get3A_516 {offsets = [0], sizes = [1], strides = [1]} : vector<16xf32> to vector<1xf32>
      %squeeze3A_518 = vector.extract %slice3A_517[0] : f32 from vector<1xf32>
      %broadcast_in_dim3A_519 = vector.broadcast %squeeze3A_518 : f32 to vector<16xf32>
      %get3A_520 = arith.index_cast %add3A_495 : i32 to index
      %get3A_521 = tpu.vector_load %arg15[%get3A_520] {strides = array<i32>} : memref<4128xi32, #tpu.memory_space<vmem>>, vector<16xi32>,
      %get3A_522 = vector.shape_cast %get3A_521 : vector<16xi32> to vector<16xi32>
      %slice3A_523 = vector.extract_strided_slice %get3A_522 {offsets = [0], sizes = [1], strides = [1]} : vector<16xi32> to vector<1xi32>
      %squeeze3A_524 = vector.extract %slice3A_523[0] : i32 from vector<1xi32>
      %broadcast_in_dim3A_525 = vector.broadcast %squeeze3A_524 : i32 to vector<16xi32>
      %mul3A_526 = arith.mulf %get3A_174, %broadcast_in_dim3A_501 : vector<16xf32>
      %mul3A_527 = arith.mulf %get3A_214, %broadcast_in_dim3A_507 : vector<16xf32>
      %add3A_528 = arith.addf %mul3A_526, %mul3A_527 : vector<16xf32>
      %mul3A_529 = arith.mulf %get3A_254, %broadcast_in_dim3A_513 : vector<16xf32>
      %add3A_530 = arith.addf %add3A_528, %mul3A_529 : vector<16xf32>
      %add3A_531 = arith.addf %get3A_294, %broadcast_in_dim3A_519 : vector<16xf32>
      %mul3A_532 = arith.constant 2.000000e+00 : f32
      %mul3A_533 = vector.broadcast %mul3A_532 : f32 to vector<16xf32>
      %mul3A_534 = arith.mulf %mul3A_533, %add3A_530 : vector<16xf32>
      %sub3A_535 = arith.subf %add3A_531, %mul3A_534 : vector<16xf32>
      %lt3A = arith.constant 2.500000e-01 : f32
      %lt3A_536 = vector.broadcast %lt3A : f32 to vector<16xf32>
      %lt3A_537 = arith.cmpf olt, %sub3A_535, %lt3A_536 : vector<16xf32>
      %eq3A_538 = arith.cmpi eq, %get3A_334, %broadcast_in_dim3A_525 : vector<16xi32>
      %and3A_539 = arith.andi %lt3A_537, %eq3A_538 : vector<16xi1>
      %jit3A_540 = arith.constant 1.000000e+00 : f32
      %jit3A_541 = arith.constant 0.000000e+00 : f32
      %broadcast_in_dim3A_542 = vector.broadcast %jit3A_540 : f32 to vector<16xf32>
      %broadcast_in_dim3A_543 = vector.broadcast %jit3A_541 : f32 to vector<16xf32>
      %select_n3A_544 = arith.select %and3A_539, %broadcast_in_dim3A_542, %broadcast_in_dim3A_543 : vector<16xi1>, vector<16xf32>
      %add3A_545 = arith.addf %while3A_483, %select_n3A_544 : vector<16xf32>
      %mul3A_546 = arith.mulf %get3A_179, %broadcast_in_dim3A_501 : vector<16xf32>
      %mul3A_547 = arith.mulf %get3A_219, %broadcast_in_dim3A_507 : vector<16xf32>
      %add3A_548 = arith.addf %mul3A_546, %mul3A_547 : vector<16xf32>
      %mul3A_549 = arith.mulf %get3A_259, %broadcast_in_dim3A_513 : vector<16xf32>
      %add3A_550 = arith.addf %add3A_548, %mul3A_549 : vector<16xf32>
      %add3A_551 = arith.addf %get3A_299, %broadcast_in_dim3A_519 : vector<16xf32>
      %mul3A_552 = arith.constant 2.000000e+00 : f32
      %mul3A_553 = vector.broadcast %mul3A_552 : f32 to vector<16xf32>
      %mul3A_554 = arith.mulf %mul3A_553, %add3A_550 : vector<16xf32>
      %sub3A_555 = arith.subf %add3A_551, %mul3A_554 : vector<16xf32>
      %lt3A_556 = arith.constant 2.500000e-01 : f32
      %lt3A_557 = vector.broadcast %lt3A_556 : f32 to vector<16xf32>
      %lt3A_558 = arith.cmpf olt, %sub3A_555, %lt3A_557 : vector<16xf32>
      %eq3A_559 = arith.cmpi eq, %get3A_339, %broadcast_in_dim3A_525 : vector<16xi32>
      %and3A_560 = arith.andi %lt3A_558, %eq3A_559 : vector<16xi1>
      %jit3A_561 = arith.constant 1.000000e+00 : f32
      %jit3A_562 = arith.constant 0.000000e+00 : f32
      %broadcast_in_dim3A_563 = vector.broadcast %jit3A_561 : f32 to vector<16xf32>
      %broadcast_in_dim3A_564 = vector.broadcast %jit3A_562 : f32 to vector<16xf32>
      %select_n3A_565 = arith.select %and3A_560, %broadcast_in_dim3A_563, %broadcast_in_dim3A_564 : vector<16xi1>, vector<16xf32>
      %add3A_566 = arith.addf %while3A_484, %select_n3A_565 : vector<16xf32>
      %mul3A_567 = arith.mulf %get3A_184, %broadcast_in_dim3A_501 : vector<16xf32>
      %mul3A_568 = arith.mulf %get3A_224, %broadcast_in_dim3A_507 : vector<16xf32>
      %add3A_569 = arith.addf %mul3A_567, %mul3A_568 : vector<16xf32>
      %mul3A_570 = arith.mulf %get3A_264, %broadcast_in_dim3A_513 : vector<16xf32>
      %add3A_571 = arith.addf %add3A_569, %mul3A_570 : vector<16xf32>
      %add3A_572 = arith.addf %get3A_304, %broadcast_in_dim3A_519 : vector<16xf32>
      %mul3A_573 = arith.constant 2.000000e+00 : f32
      %mul3A_574 = vector.broadcast %mul3A_573 : f32 to vector<16xf32>
      %mul3A_575 = arith.mulf %mul3A_574, %add3A_571 : vector<16xf32>
      %sub3A_576 = arith.subf %add3A_572, %mul3A_575 : vector<16xf32>
      %lt3A_577 = arith.constant 2.500000e-01 : f32
      %lt3A_578 = vector.broadcast %lt3A_577 : f32 to vector<16xf32>
      %lt3A_579 = arith.cmpf olt, %sub3A_576, %lt3A_578 : vector<16xf32>
      %eq3A_580 = arith.cmpi eq, %get3A_344, %broadcast_in_dim3A_525 : vector<16xi32>
      %and3A_581 = arith.andi %lt3A_579, %eq3A_580 : vector<16xi1>
      %jit3A_582 = arith.constant 1.000000e+00 : f32
      %jit3A_583 = arith.constant 0.000000e+00 : f32
      %broadcast_in_dim3A_584 = vector.broadcast %jit3A_582 : f32 to vector<16xf32>
      %broadcast_in_dim3A_585 = vector.broadcast %jit3A_583 : f32 to vector<16xf32>
      %select_n3A_586 = arith.select %and3A_581, %broadcast_in_dim3A_584, %broadcast_in_dim3A_585 : vector<16xi1>, vector<16xf32>
      %add3A_587 = arith.addf %while3A_485, %select_n3A_586 : vector<16xf32>
      %mul3A_588 = arith.mulf %get3A_189, %broadcast_in_dim3A_501 : vector<16xf32>
      %mul3A_589 = arith.mulf %get3A_229, %broadcast_in_dim3A_507 : vector<16xf32>
      %add3A_590 = arith.addf %mul3A_588, %mul3A_589 : vector<16xf32>
      %mul3A_591 = arith.mulf %get3A_269, %broadcast_in_dim3A_513 : vector<16xf32>
      %add3A_592 = arith.addf %add3A_590, %mul3A_591 : vector<16xf32>
      %add3A_593 = arith.addf %get3A_309, %broadcast_in_dim3A_519 : vector<16xf32>
      %mul3A_594 = arith.constant 2.000000e+00 : f32
      %mul3A_595 = vector.broadcast %mul3A_594 : f32 to vector<16xf32>
      %mul3A_596 = arith.mulf %mul3A_595, %add3A_592 : vector<16xf32>
      %sub3A_597 = arith.subf %add3A_593, %mul3A_596 : vector<16xf32>
      %lt3A_598 = arith.constant 2.500000e-01 : f32
      %lt3A_599 = vector.broadcast %lt3A_598 : f32 to vector<16xf32>
      %lt3A_600 = arith.cmpf olt, %sub3A_597, %lt3A_599 : vector<16xf32>
      %eq3A_601 = arith.cmpi eq, %get3A_349, %broadcast_in_dim3A_525 : vector<16xi32>
      %and3A_602 = arith.andi %lt3A_600, %eq3A_601 : vector<16xi1>
      %jit3A_603 = arith.constant 1.000000e+00 : f32
      %jit3A_604 = arith.constant 0.000000e+00 : f32
      %broadcast_in_dim3A_605 = vector.broadcast %jit3A_603 : f32 to vector<16xf32>
      %broadcast_in_dim3A_606 = vector.broadcast %jit3A_604 : f32 to vector<16xf32>
      %select_n3A_607 = arith.select %and3A_602, %broadcast_in_dim3A_605, %broadcast_in_dim3A_606 : vector<16xi1>, vector<16xf32>
      %add3A_608 = arith.addf %while3A_486, %select_n3A_607 : vector<16xf32>
      %mul3A_609 = arith.mulf %get3A_194, %broadcast_in_dim3A_501 : vector<16xf32>
      %mul3A_610 = arith.mulf %get3A_234, %broadcast_in_dim3A_507 : vector<16xf32>
      %add3A_611 = arith.addf %mul3A_609, %mul3A_610 : vector<16xf32>
      %mul3A_612 = arith.mulf %get3A_274, %broadcast_in_dim3A_513 : vector<16xf32>
      %add3A_613 = arith.addf %add3A_611, %mul3A_612 : vector<16xf32>
      %add3A_614 = arith.addf %get3A_314, %broadcast_in_dim3A_519 : vector<16xf32>
      %mul3A_615 = arith.constant 2.000000e+00 : f32
      %mul3A_616 = vector.broadcast %mul3A_615 : f32 to vector<16xf32>
      %mul3A_617 = arith.mulf %mul3A_616, %add3A_613 : vector<16xf32>
      %sub3A_618 = arith.subf %add3A_614, %mul3A_617 : vector<16xf32>
      %lt3A_619 = arith.constant 2.500000e-01 : f32
      %lt3A_620 = vector.broadcast %lt3A_619 : f32 to vector<16xf32>
      %lt3A_621 = arith.cmpf olt, %sub3A_618, %lt3A_620 : vector<16xf32>
      %eq3A_622 = arith.cmpi eq, %get3A_354, %broadcast_in_dim3A_525 : vector<16xi32>
      %and3A_623 = arith.andi %lt3A_621, %eq3A_622 : vector<16xi1>
      %jit3A_624 = arith.constant 1.000000e+00 : f32
      %jit3A_625 = arith.constant 0.000000e+00 : f32
      %broadcast_in_dim3A_626 = vector.broadcast %jit3A_624 : f32 to vector<16xf32>
      %broadcast_in_dim3A_627 = vector.broadcast %jit3A_625 : f32 to vector<16xf32>
      %select_n3A_628 = arith.select %and3A_623, %broadcast_in_dim3A_626, %broadcast_in_dim3A_627 : vector<16xi1>, vector<16xf32>
      %add3A_629 = arith.addf %while3A_487, %select_n3A_628 : vector<16xf32>
      %mul3A_630 = arith.mulf %get3A_199, %broadcast_in_dim3A_501 : vector<16xf32>
      %mul3A_631 = arith.mulf %get3A_239, %broadcast_in_dim3A_507 : vector<16xf32>
      %add3A_632 = arith.addf %mul3A_630, %mul3A_631 : vector<16xf32>
      %mul3A_633 = arith.mulf %get3A_279, %broadcast_in_dim3A_513 : vector<16xf32>
      %add3A_634 = arith.addf %add3A_632, %mul3A_633 : vector<16xf32>
      %add3A_635 = arith.addf %get3A_319, %broadcast_in_dim3A_519 : vector<16xf32>
      %mul3A_636 = arith.constant 2.000000e+00 : f32
      %mul3A_637 = vector.broadcast %mul3A_636 : f32 to vector<16xf32>
      %mul3A_638 = arith.mulf %mul3A_637, %add3A_634 : vector<16xf32>
      %sub3A_639 = arith.subf %add3A_635, %mul3A_638 : vector<16xf32>
      %lt3A_640 = arith.constant 2.500000e-01 : f32
      %lt3A_641 = vector.broadcast %lt3A_640 : f32 to vector<16xf32>
      %lt3A_642 = arith.cmpf olt, %sub3A_639, %lt3A_641 : vector<16xf32>
      %eq3A_643 = arith.cmpi eq, %get3A_359, %broadcast_in_dim3A_525 : vector<16xi32>
      %and3A_644 = arith.andi %lt3A_642, %eq3A_643 : vector<16xi1>
      %jit3A_645 = arith.constant 1.000000e+00 : f32
      %jit3A_646 = arith.constant 0.000000e+00 : f32
      %broadcast_in_dim3A_647 = vector.broadcast %jit3A_645 : f32 to vector<16xf32>
      %broadcast_in_dim3A_648 = vector.broadcast %jit3A_646 : f32 to vector<16xf32>
      %select_n3A_649 = arith.select %and3A_644, %broadcast_in_dim3A_647, %broadcast_in_dim3A_648 : vector<16xi1>, vector<16xf32>
      %add3A_650 = arith.addf %while3A_488, %select_n3A_649 : vector<16xf32>
      %mul3A_651 = arith.mulf %get3A_204, %broadcast_in_dim3A_501 : vector<16xf32>
      %mul3A_652 = arith.mulf %get3A_244, %broadcast_in_dim3A_507 : vector<16xf32>
      %add3A_653 = arith.addf %mul3A_651, %mul3A_652 : vector<16xf32>
      %mul3A_654 = arith.mulf %get3A_284, %broadcast_in_dim3A_513 : vector<16xf32>
      %add3A_655 = arith.addf %add3A_653, %mul3A_654 : vector<16xf32>
      %add3A_656 = arith.addf %get3A_324, %broadcast_in_dim3A_519 : vector<16xf32>
      %mul3A_657 = arith.constant 2.000000e+00 : f32
      %mul3A_658 = vector.broadcast %mul3A_657 : f32 to vector<16xf32>
      %mul3A_659 = arith.mulf %mul3A_658, %add3A_655 : vector<16xf32>
      %sub3A_660 = arith.subf %add3A_656, %mul3A_659 : vector<16xf32>
      %lt3A_661 = arith.constant 2.500000e-01 : f32
      %lt3A_662 = vector.broadcast %lt3A_661 : f32 to vector<16xf32>
      %lt3A_663 = arith.cmpf olt, %sub3A_660, %lt3A_662 : vector<16xf32>
      %eq3A_664 = arith.cmpi eq, %get3A_364, %broadcast_in_dim3A_525 : vector<16xi32>
      %and3A_665 = arith.andi %lt3A_663, %eq3A_664 : vector<16xi1>
      %jit3A_666 = arith.constant 1.000000e+00 : f32
      %jit3A_667 = arith.constant 0.000000e+00 : f32
      %broadcast_in_dim3A_668 = vector.broadcast %jit3A_666 : f32 to vector<16xf32>
      %broadcast_in_dim3A_669 = vector.broadcast %jit3A_667 : f32 to vector<16xf32>
      %select_n3A_670 = arith.select %and3A_665, %broadcast_in_dim3A_668, %broadcast_in_dim3A_669 : vector<16xi1>, vector<16xf32>
      %add3A_671 = arith.addf %while3A_489, %select_n3A_670 : vector<16xf32>
      %mul3A_672 = arith.mulf %get3A_209, %broadcast_in_dim3A_501 : vector<16xf32>
      %mul3A_673 = arith.mulf %get3A_249, %broadcast_in_dim3A_507 : vector<16xf32>
      %add3A_674 = arith.addf %mul3A_672, %mul3A_673 : vector<16xf32>
      %mul3A_675 = arith.mulf %get3A_289, %broadcast_in_dim3A_513 : vector<16xf32>
      %add3A_676 = arith.addf %add3A_674, %mul3A_675 : vector<16xf32>
      %add3A_677 = arith.addf %get3A_329, %broadcast_in_dim3A_519 : vector<16xf32>
      %mul3A_678 = arith.constant 2.000000e+00 : f32
      %mul3A_679 = vector.broadcast %mul3A_678 : f32 to vector<16xf32>
      %mul3A_680 = arith.mulf %mul3A_679, %add3A_676 : vector<16xf32>
      %sub3A_681 = arith.subf %add3A_677, %mul3A_680 : vector<16xf32>
      %lt3A_682 = arith.constant 2.500000e-01 : f32
      %lt3A_683 = vector.broadcast %lt3A_682 : f32 to vector<16xf32>
      %lt3A_684 = arith.cmpf olt, %sub3A_681, %lt3A_683 : vector<16xf32>
      %eq3A_685 = arith.cmpi eq, %get3A_369, %broadcast_in_dim3A_525 : vector<16xi32>
      %and3A_686 = arith.andi %lt3A_684, %eq3A_685 : vector<16xi1>
      %jit3A_687 = arith.constant 1.000000e+00 : f32
      %jit3A_688 = arith.constant 0.000000e+00 : f32
      %broadcast_in_dim3A_689 = vector.broadcast %jit3A_687 : f32 to vector<16xf32>
      %broadcast_in_dim3A_690 = vector.broadcast %jit3A_688 : f32 to vector<16xf32>
      %select_n3A_691 = arith.select %and3A_686, %broadcast_in_dim3A_689, %broadcast_in_dim3A_690 : vector<16xi1>, vector<16xf32>
      %add3A_692 = arith.addf %while3A_490, %select_n3A_691 : vector<16xf32>
      %add3A_693 = arith.constant 1 : i32
      %add3A_694 = arith.addi %add3A_493, %add3A_693 : i32
      %get3A_695 = arith.index_cast %add3A_694 : i32 to index
      %get3A_696 = tpu.vector_load %arg11[%get3A_695] {strides = array<i32>} : memref<4128xf32, #tpu.memory_space<vmem>>, vector<16xf32>,
      %get3A_697 = vector.shape_cast %get3A_696 : vector<16xf32> to vector<16xf32>
      %slice3A_698 = vector.extract_strided_slice %get3A_697 {offsets = [0], sizes = [1], strides = [1]} : vector<16xf32> to vector<1xf32>
      %squeeze3A_699 = vector.extract %slice3A_698[0] : f32 from vector<1xf32>
      %broadcast_in_dim3A_700 = vector.broadcast %squeeze3A_699 : f32 to vector<16xf32>
      %get3A_701 = arith.index_cast %add3A_694 : i32 to index
      %get3A_702 = tpu.vector_load %arg12[%get3A_701] {strides = array<i32>} : memref<4128xf32, #tpu.memory_space<vmem>>, vector<16xf32>,
      %get3A_703 = vector.shape_cast %get3A_702 : vector<16xf32> to vector<16xf32>
      %slice3A_704 = vector.extract_strided_slice %get3A_703 {offsets = [0], sizes = [1], strides = [1]} : vector<16xf32> to vector<1xf32>
      %squeeze3A_705 = vector.extract %slice3A_704[0] : f32 from vector<1xf32>
      %broadcast_in_dim3A_706 = vector.broadcast %squeeze3A_705 : f32 to vector<16xf32>
      %get3A_707 = arith.index_cast %add3A_694 : i32 to index
      %get3A_708 = tpu.vector_load %arg13[%get3A_707] {strides = array<i32>} : memref<4128xf32, #tpu.memory_space<vmem>>, vector<16xf32>,
      %get3A_709 = vector.shape_cast %get3A_708 : vector<16xf32> to vector<16xf32>
      %slice3A_710 = vector.extract_strided_slice %get3A_709 {offsets = [0], sizes = [1], strides = [1]} : vector<16xf32> to vector<1xf32>
      %squeeze3A_711 = vector.extract %slice3A_710[0] : f32 from vector<1xf32>
      %broadcast_in_dim3A_712 = vector.broadcast %squeeze3A_711 : f32 to vector<16xf32>
      %get3A_713 = arith.index_cast %add3A_694 : i32 to index
      %get3A_714 = tpu.vector_load %arg14[%get3A_713] {strides = array<i32>} : memref<4128xf32, #tpu.memory_space<vmem>>, vector<16xf32>,
      %get3A_715 = vector.shape_cast %get3A_714 : vector<16xf32> to vector<16xf32>
      %slice3A_716 = vector.extract_strided_slice %get3A_715 {offsets = [0], sizes = [1], strides = [1]} : vector<16xf32> to vector<1xf32>
      %squeeze3A_717 = vector.extract %slice3A_716[0] : f32 from vector<1xf32>
      %broadcast_in_dim3A_718 = vector.broadcast %squeeze3A_717 : f32 to vector<16xf32>
      %get3A_719 = arith.index_cast %add3A_694 : i32 to index
      %get3A_720 = tpu.vector_load %arg15[%get3A_719] {strides = array<i32>} : memref<4128xi32, #tpu.memory_space<vmem>>, vector<16xi32>,
      %get3A_721 = vector.shape_cast %get3A_720 : vector<16xi32> to vector<16xi32>
      %slice3A_722 = vector.extract_strided_slice %get3A_721 {offsets = [0], sizes = [1], strides = [1]} : vector<16xi32> to vector<1xi32>
      %squeeze3A_723 = vector.extract %slice3A_722[0] : i32 from vector<1xi32>
      %broadcast_in_dim3A_724 = vector.broadcast %squeeze3A_723 : i32 to vector<16xi32>
      %mul3A_725 = arith.mulf %get3A_174, %broadcast_in_dim3A_700 : vector<16xf32>
      %mul3A_726 = arith.mulf %get3A_214, %broadcast_in_dim3A_706 : vector<16xf32>
      %add3A_727 = arith.addf %mul3A_725, %mul3A_726 : vector<16xf32>
      %mul3A_728 = arith.mulf %get3A_254, %broadcast_in_dim3A_712 : vector<16xf32>
      %add3A_729 = arith.addf %add3A_727, %mul3A_728 : vector<16xf32>
      %add3A_730 = arith.addf %get3A_294, %broadcast_in_dim3A_718 : vector<16xf32>
      %mul3A_731 = arith.constant 2.000000e+00 : f32
      %mul3A_732 = vector.broadcast %mul3A_731 : f32 to vector<16xf32>
      %mul3A_733 = arith.mulf %mul3A_732, %add3A_729 : vector<16xf32>
      %sub3A_734 = arith.subf %add3A_730, %mul3A_733 : vector<16xf32>
      %lt3A_735 = arith.constant 2.500000e-01 : f32
      %lt3A_736 = vector.broadcast %lt3A_735 : f32 to vector<16xf32>
      %lt3A_737 = arith.cmpf olt, %sub3A_734, %lt3A_736 : vector<16xf32>
      %eq3A_738 = arith.cmpi eq, %get3A_334, %broadcast_in_dim3A_724 : vector<16xi32>
      %and3A_739 = arith.andi %lt3A_737, %eq3A_738 : vector<16xi1>
      %jit3A_740 = arith.constant 1.000000e+00 : f32
      %jit3A_741 = arith.constant 0.000000e+00 : f32
      %broadcast_in_dim3A_742 = vector.broadcast %jit3A_740 : f32 to vector<16xf32>
      %broadcast_in_dim3A_743 = vector.broadcast %jit3A_741 : f32 to vector<16xf32>
      %select_n3A_744 = arith.select %and3A_739, %broadcast_in_dim3A_742, %broadcast_in_dim3A_743 : vector<16xi1>, vector<16xf32>
      %add3A_745 = arith.addf %add3A_545, %select_n3A_744 : vector<16xf32>
      %mul3A_746 = arith.mulf %get3A_179, %broadcast_in_dim3A_700 : vector<16xf32>
      %mul3A_747 = arith.mulf %get3A_219, %broadcast_in_dim3A_706 : vector<16xf32>
      %add3A_748 = arith.addf %mul3A_746, %mul3A_747 : vector<16xf32>
      %mul3A_749 = arith.mulf %get3A_259, %broadcast_in_dim3A_712 : vector<16xf32>
      %add3A_750 = arith.addf %add3A_748, %mul3A_749 : vector<16xf32>
      %add3A_751 = arith.addf %get3A_299, %broadcast_in_dim3A_718 : vector<16xf32>
      %mul3A_752 = arith.constant 2.000000e+00 : f32
      %mul3A_753 = vector.broadcast %mul3A_752 : f32 to vector<16xf32>
      %mul3A_754 = arith.mulf %mul3A_753, %add3A_750 : vector<16xf32>
      %sub3A_755 = arith.subf %add3A_751, %mul3A_754 : vector<16xf32>
      %lt3A_756 = arith.constant 2.500000e-01 : f32
      %lt3A_757 = vector.broadcast %lt3A_756 : f32 to vector<16xf32>
      %lt3A_758 = arith.cmpf olt, %sub3A_755, %lt3A_757 : vector<16xf32>
      %eq3A_759 = arith.cmpi eq, %get3A_339, %broadcast_in_dim3A_724 : vector<16xi32>
      %and3A_760 = arith.andi %lt3A_758, %eq3A_759 : vector<16xi1>
      %jit3A_761 = arith.constant 1.000000e+00 : f32
      %jit3A_762 = arith.constant 0.000000e+00 : f32
      %broadcast_in_dim3A_763 = vector.broadcast %jit3A_761 : f32 to vector<16xf32>
      %broadcast_in_dim3A_764 = vector.broadcast %jit3A_762 : f32 to vector<16xf32>
      %select_n3A_765 = arith.select %and3A_760, %broadcast_in_dim3A_763, %broadcast_in_dim3A_764 : vector<16xi1>, vector<16xf32>
      %add3A_766 = arith.addf %add3A_566, %select_n3A_765 : vector<16xf32>
      %mul3A_767 = arith.mulf %get3A_184, %broadcast_in_dim3A_700 : vector<16xf32>
      %mul3A_768 = arith.mulf %get3A_224, %broadcast_in_dim3A_706 : vector<16xf32>
      %add3A_769 = arith.addf %mul3A_767, %mul3A_768 : vector<16xf32>
      %mul3A_770 = arith.mulf %get3A_264, %broadcast_in_dim3A_712 : vector<16xf32>
      %add3A_771 = arith.addf %add3A_769, %mul3A_770 : vector<16xf32>
      %add3A_772 = arith.addf %get3A_304, %broadcast_in_dim3A_718 : vector<16xf32>
      %mul3A_773 = arith.constant 2.000000e+00 : f32
      %mul3A_774 = vector.broadcast %mul3A_773 : f32 to vector<16xf32>
      %mul3A_775 = arith.mulf %mul3A_774, %add3A_771 : vector<16xf32>
      %sub3A_776 = arith.subf %add3A_772, %mul3A_775 : vector<16xf32>
      %lt3A_777 = arith.constant 2.500000e-01 : f32
      %lt3A_778 = vector.broadcast %lt3A_777 : f32 to vector<16xf32>
      %lt3A_779 = arith.cmpf olt, %sub3A_776, %lt3A_778 : vector<16xf32>
      %eq3A_780 = arith.cmpi eq, %get3A_344, %broadcast_in_dim3A_724 : vector<16xi32>
      %and3A_781 = arith.andi %lt3A_779, %eq3A_780 : vector<16xi1>
      %jit3A_782 = arith.constant 1.000000e+00 : f32
      %jit3A_783 = arith.constant 0.000000e+00 : f32
      %broadcast_in_dim3A_784 = vector.broadcast %jit3A_782 : f32 to vector<16xf32>
      %broadcast_in_dim3A_785 = vector.broadcast %jit3A_783 : f32 to vector<16xf32>
      %select_n3A_786 = arith.select %and3A_781, %broadcast_in_dim3A_784, %broadcast_in_dim3A_785 : vector<16xi1>, vector<16xf32>
      %add3A_787 = arith.addf %add3A_587, %select_n3A_786 : vector<16xf32>
      %mul3A_788 = arith.mulf %get3A_189, %broadcast_in_dim3A_700 : vector<16xf32>
      %mul3A_789 = arith.mulf %get3A_229, %broadcast_in_dim3A_706 : vector<16xf32>
      %add3A_790 = arith.addf %mul3A_788, %mul3A_789 : vector<16xf32>
      %mul3A_791 = arith.mulf %get3A_269, %broadcast_in_dim3A_712 : vector<16xf32>
      %add3A_792 = arith.addf %add3A_790, %mul3A_791 : vector<16xf32>
      %add3A_793 = arith.addf %get3A_309, %broadcast_in_dim3A_718 : vector<16xf32>
      %mul3A_794 = arith.constant 2.000000e+00 : f32
      %mul3A_795 = vector.broadcast %mul3A_794 : f32 to vector<16xf32>
      %mul3A_796 = arith.mulf %mul3A_795, %add3A_792 : vector<16xf32>
      %sub3A_797 = arith.subf %add3A_793, %mul3A_796 : vector<16xf32>
      %lt3A_798 = arith.constant 2.500000e-01 : f32
      %lt3A_799 = vector.broadcast %lt3A_798 : f32 to vector<16xf32>
      %lt3A_800 = arith.cmpf olt, %sub3A_797, %lt3A_799 : vector<16xf32>
      %eq3A_801 = arith.cmpi eq, %get3A_349, %broadcast_in_dim3A_724 : vector<16xi32>
      %and3A_802 = arith.andi %lt3A_800, %eq3A_801 : vector<16xi1>
      %jit3A_803 = arith.constant 1.000000e+00 : f32
      %jit3A_804 = arith.constant 0.000000e+00 : f32
      %broadcast_in_dim3A_805 = vector.broadcast %jit3A_803 : f32 to vector<16xf32>
      %broadcast_in_dim3A_806 = vector.broadcast %jit3A_804 : f32 to vector<16xf32>
      %select_n3A_807 = arith.select %and3A_802, %broadcast_in_dim3A_805, %broadcast_in_dim3A_806 : vector<16xi1>, vector<16xf32>
      %add3A_808 = arith.addf %add3A_608, %select_n3A_807 : vector<16xf32>
      %mul3A_809 = arith.mulf %get3A_194, %broadcast_in_dim3A_700 : vector<16xf32>
      %mul3A_810 = arith.mulf %get3A_234, %broadcast_in_dim3A_706 : vector<16xf32>
      %add3A_811 = arith.addf %mul3A_809, %mul3A_810 : vector<16xf32>
      %mul3A_812 = arith.mulf %get3A_274, %broadcast_in_dim3A_712 : vector<16xf32>
      %add3A_813 = arith.addf %add3A_811, %mul3A_812 : vector<16xf32>
      %add3A_814 = arith.addf %get3A_314, %broadcast_in_dim3A_718 : vector<16xf32>
      %mul3A_815 = arith.constant 2.000000e+00 : f32
      %mul3A_816 = vector.broadcast %mul3A_815 : f32 to vector<16xf32>
      %mul3A_817 = arith.mulf %mul3A_816, %add3A_813 : vector<16xf32>
      %sub3A_818 = arith.subf %add3A_814, %mul3A_817 : vector<16xf32>
      %lt3A_819 = arith.constant 2.500000e-01 : f32
      %lt3A_820 = vector.broadcast %lt3A_819 : f32 to vector<16xf32>
      %lt3A_821 = arith.cmpf olt, %sub3A_818, %lt3A_820 : vector<16xf32>
      %eq3A_822 = arith.cmpi eq, %get3A_354, %broadcast_in_dim3A_724 : vector<16xi32>
      %and3A_823 = arith.andi %lt3A_821, %eq3A_822 : vector<16xi1>
      %jit3A_824 = arith.constant 1.000000e+00 : f32
      %jit3A_825 = arith.constant 0.000000e+00 : f32
      %broadcast_in_dim3A_826 = vector.broadcast %jit3A_824 : f32 to vector<16xf32>
      %broadcast_in_dim3A_827 = vector.broadcast %jit3A_825 : f32 to vector<16xf32>
      %select_n3A_828 = arith.select %and3A_823, %broadcast_in_dim3A_826, %broadcast_in_dim3A_827 : vector<16xi1>, vector<16xf32>
      %add3A_829 = arith.addf %add3A_629, %select_n3A_828 : vector<16xf32>
      %mul3A_830 = arith.mulf %get3A_199, %broadcast_in_dim3A_700 : vector<16xf32>
      %mul3A_831 = arith.mulf %get3A_239, %broadcast_in_dim3A_706 : vector<16xf32>
      %add3A_832 = arith.addf %mul3A_830, %mul3A_831 : vector<16xf32>
      %mul3A_833 = arith.mulf %get3A_279, %broadcast_in_dim3A_712 : vector<16xf32>
      %add3A_834 = arith.addf %add3A_832, %mul3A_833 : vector<16xf32>
      %add3A_835 = arith.addf %get3A_319, %broadcast_in_dim3A_718 : vector<16xf32>
      %mul3A_836 = arith.constant 2.000000e+00 : f32
      %mul3A_837 = vector.broadcast %mul3A_836 : f32 to vector<16xf32>
      %mul3A_838 = arith.mulf %mul3A_837, %add3A_834 : vector<16xf32>
      %sub3A_839 = arith.subf %add3A_835, %mul3A_838 : vector<16xf32>
      %lt3A_840 = arith.constant 2.500000e-01 : f32
      %lt3A_841 = vector.broadcast %lt3A_840 : f32 to vector<16xf32>
      %lt3A_842 = arith.cmpf olt, %sub3A_839, %lt3A_841 : vector<16xf32>
      %eq3A_843 = arith.cmpi eq, %get3A_359, %broadcast_in_dim3A_724 : vector<16xi32>
      %and3A_844 = arith.andi %lt3A_842, %eq3A_843 : vector<16xi1>
      %jit3A_845 = arith.constant 1.000000e+00 : f32
      %jit3A_846 = arith.constant 0.000000e+00 : f32
      %broadcast_in_dim3A_847 = vector.broadcast %jit3A_845 : f32 to vector<16xf32>
      %broadcast_in_dim3A_848 = vector.broadcast %jit3A_846 : f32 to vector<16xf32>
      %select_n3A_849 = arith.select %and3A_844, %broadcast_in_dim3A_847, %broadcast_in_dim3A_848 : vector<16xi1>, vector<16xf32>
      %add3A_850 = arith.addf %add3A_650, %select_n3A_849 : vector<16xf32>
      %mul3A_851 = arith.mulf %get3A_204, %broadcast_in_dim3A_700 : vector<16xf32>
      %mul3A_852 = arith.mulf %get3A_244, %broadcast_in_dim3A_706 : vector<16xf32>
      %add3A_853 = arith.addf %mul3A_851, %mul3A_852 : vector<16xf32>
      %mul3A_854 = arith.mulf %get3A_284, %broadcast_in_dim3A_712 : vector<16xf32>
      %add3A_855 = arith.addf %add3A_853, %mul3A_854 : vector<16xf32>
      %add3A_856 = arith.addf %get3A_324, %broadcast_in_dim3A_718 : vector<16xf32>
      %mul3A_857 = arith.constant 2.000000e+00 : f32
      %mul3A_858 = vector.broadcast %mul3A_857 : f32 to vector<16xf32>
      %mul3A_859 = arith.mulf %mul3A_858, %add3A_855 : vector<16xf32>
      %sub3A_860 = arith.subf %add3A_856, %mul3A_859 : vector<16xf32>
      %lt3A_861 = arith.constant 2.500000e-01 : f32
      %lt3A_862 = vector.broadcast %lt3A_861 : f32 to vector<16xf32>
      %lt3A_863 = arith.cmpf olt, %sub3A_860, %lt3A_862 : vector<16xf32>
      %eq3A_864 = arith.cmpi eq, %get3A_364, %broadcast_in_dim3A_724 : vector<16xi32>
      %and3A_865 = arith.andi %lt3A_863, %eq3A_864 : vector<16xi1>
      %jit3A_866 = arith.constant 1.000000e+00 : f32
      %jit3A_867 = arith.constant 0.000000e+00 : f32
      %broadcast_in_dim3A_868 = vector.broadcast %jit3A_866 : f32 to vector<16xf32>
      %broadcast_in_dim3A_869 = vector.broadcast %jit3A_867 : f32 to vector<16xf32>
      %select_n3A_870 = arith.select %and3A_865, %broadcast_in_dim3A_868, %broadcast_in_dim3A_869 : vector<16xi1>, vector<16xf32>
      %add3A_871 = arith.addf %add3A_671, %select_n3A_870 : vector<16xf32>
      %mul3A_872 = arith.mulf %get3A_209, %broadcast_in_dim3A_700 : vector<16xf32>
      %mul3A_873 = arith.mulf %get3A_249, %broadcast_in_dim3A_706 : vector<16xf32>
      %add3A_874 = arith.addf %mul3A_872, %mul3A_873 : vector<16xf32>
      %mul3A_875 = arith.mulf %get3A_289, %broadcast_in_dim3A_712 : vector<16xf32>
      %add3A_876 = arith.addf %add3A_874, %mul3A_875 : vector<16xf32>
      %add3A_877 = arith.addf %get3A_329, %broadcast_in_dim3A_718 : vector<16xf32>
      %mul3A_878 = arith.constant 2.000000e+00 : f32
      %mul3A_879 = vector.broadcast %mul3A_878 : f32 to vector<16xf32>
      %mul3A_880 = arith.mulf %mul3A_879, %add3A_876 : vector<16xf32>
      %sub3A_881 = arith.subf %add3A_877, %mul3A_880 : vector<16xf32>
      %lt3A_882 = arith.constant 2.500000e-01 : f32
      %lt3A_883 = vector.broadcast %lt3A_882 : f32 to vector<16xf32>
      %lt3A_884 = arith.cmpf olt, %sub3A_881, %lt3A_883 : vector<16xf32>
      %eq3A_885 = arith.cmpi eq, %get3A_369, %broadcast_in_dim3A_724 : vector<16xi32>
      %and3A_886 = arith.andi %lt3A_884, %eq3A_885 : vector<16xi1>
      %jit3A_887 = arith.constant 1.000000e+00 : f32
      %jit3A_888 = arith.constant 0.000000e+00 : f32
      %broadcast_in_dim3A_889 = vector.broadcast %jit3A_887 : f32 to vector<16xf32>
      %broadcast_in_dim3A_890 = vector.broadcast %jit3A_888 : f32 to vector<16xf32>
      %select_n3A_891 = arith.select %and3A_886, %broadcast_in_dim3A_889, %broadcast_in_dim3A_890 : vector<16xi1>, vector<16xf32>
      %add3A_892 = arith.addf %add3A_692, %select_n3A_891 : vector<16xf32>
      %add3A_893 = arith.constant 2 : i32
      %add3A_894 = arith.addi %add3A_493, %add3A_893 : i32
      %get3A_895 = arith.index_cast %add3A_894 : i32 to index
      %get3A_896 = tpu.vector_load %arg11[%get3A_895] {strides = array<i32>} : memref<4128xf32, #tpu.memory_space<vmem>>, vector<16xf32>,
      %get3A_897 = vector.shape_cast %get3A_896 : vector<16xf32> to vector<16xf32>
      %slice3A_898 = vector.extract_strided_slice %get3A_897 {offsets = [0], sizes = [1], strides = [1]} : vector<16xf32> to vector<1xf32>
      %squeeze3A_899 = vector.extract %slice3A_898[0] : f32 from vector<1xf32>
      %broadcast_in_dim3A_900 = vector.broadcast %squeeze3A_899 : f32 to vector<16xf32>
      %get3A_901 = arith.index_cast %add3A_894 : i32 to index
      %get3A_902 = tpu.vector_load %arg12[%get3A_901] {strides = array<i32>} : memref<4128xf32, #tpu.memory_space<vmem>>, vector<16xf32>,
      %get3A_903 = vector.shape_cast %get3A_902 : vector<16xf32> to vector<16xf32>
      %slice3A_904 = vector.extract_strided_slice %get3A_903 {offsets = [0], sizes = [1], strides = [1]} : vector<16xf32> to vector<1xf32>
      %squeeze3A_905 = vector.extract %slice3A_904[0] : f32 from vector<1xf32>
      %broadcast_in_dim3A_906 = vector.broadcast %squeeze3A_905 : f32 to vector<16xf32>
      %get3A_907 = arith.index_cast %add3A_894 : i32 to index
      %get3A_908 = tpu.vector_load %arg13[%get3A_907] {strides = array<i32>} : memref<4128xf32, #tpu.memory_space<vmem>>, vector<16xf32>,
      %get3A_909 = vector.shape_cast %get3A_908 : vector<16xf32> to vector<16xf32>
      %slice3A_910 = vector.extract_strided_slice %get3A_909 {offsets = [0], sizes = [1], strides = [1]} : vector<16xf32> to vector<1xf32>
      %squeeze3A_911 = vector.extract %slice3A_910[0] : f32 from vector<1xf32>
      %broadcast_in_dim3A_912 = vector.broadcast %squeeze3A_911 : f32 to vector<16xf32>
      %get3A_913 = arith.index_cast %add3A_894 : i32 to index
      %get3A_914 = tpu.vector_load %arg14[%get3A_913] {strides = array<i32>} : memref<4128xf32, #tpu.memory_space<vmem>>, vector<16xf32>,
      %get3A_915 = vector.shape_cast %get3A_914 : vector<16xf32> to vector<16xf32>
      %slice3A_916 = vector.extract_strided_slice %get3A_915 {offsets = [0], sizes = [1], strides = [1]} : vector<16xf32> to vector<1xf32>
      %squeeze3A_917 = vector.extract %slice3A_916[0] : f32 from vector<1xf32>
      %broadcast_in_dim3A_918 = vector.broadcast %squeeze3A_917 : f32 to vector<16xf32>
      %get3A_919 = arith.index_cast %add3A_894 : i32 to index
      %get3A_920 = tpu.vector_load %arg15[%get3A_919] {strides = array<i32>} : memref<4128xi32, #tpu.memory_space<vmem>>, vector<16xi32>,
      %get3A_921 = vector.shape_cast %get3A_920 : vector<16xi32> to vector<16xi32>
      %slice3A_922 = vector.extract_strided_slice %get3A_921 {offsets = [0], sizes = [1], strides = [1]} : vector<16xi32> to vector<1xi32>
      %squeeze3A_923 = vector.extract %slice3A_922[0] : i32 from vector<1xi32>
      %broadcast_in_dim3A_924 = vector.broadcast %squeeze3A_923 : i32 to vector<16xi32>
      %mul3A_925 = arith.mulf %get3A_174, %broadcast_in_dim3A_900 : vector<16xf32>
      %mul3A_926 = arith.mulf %get3A_214, %broadcast_in_dim3A_906 : vector<16xf32>
      %add3A_927 = arith.addf %mul3A_925, %mul3A_926 : vector<16xf32>
      %mul3A_928 = arith.mulf %get3A_254, %broadcast_in_dim3A_912 : vector<16xf32>
      %add3A_929 = arith.addf %add3A_927, %mul3A_928 : vector<16xf32>
      %add3A_930 = arith.addf %get3A_294, %broadcast_in_dim3A_918 : vector<16xf32>
      %mul3A_931 = arith.constant 2.000000e+00 : f32
      %mul3A_932 = vector.broadcast %mul3A_931 : f32 to vector<16xf32>
      %mul3A_933 = arith.mulf %mul3A_932, %add3A_929 : vector<16xf32>
      %sub3A_934 = arith.subf %add3A_930, %mul3A_933 : vector<16xf32>
      %lt3A_935 = arith.constant 2.500000e-01 : f32
      %lt3A_936 = vector.broadcast %lt3A_935 : f32 to vector<16xf32>
      %lt3A_937 = arith.cmpf olt, %sub3A_934, %lt3A_936 : vector<16xf32>
      %eq3A_938 = arith.cmpi eq, %get3A_334, %broadcast_in_dim3A_924 : vector<16xi32>
      %and3A_939 = arith.andi %lt3A_937, %eq3A_938 : vector<16xi1>
      %jit3A_940 = arith.constant 1.000000e+00 : f32
      %jit3A_941 = arith.constant 0.000000e+00 : f32
      %broadcast_in_dim3A_942 = vector.broadcast %jit3A_940 : f32 to vector<16xf32>
      %broadcast_in_dim3A_943 = vector.broadcast %jit3A_941 : f32 to vector<16xf32>
      %select_n3A_944 = arith.select %and3A_939, %broadcast_in_dim3A_942, %broadcast_in_dim3A_943 : vector<16xi1>, vector<16xf32>
      %add3A_945 = arith.addf %add3A_745, %select_n3A_944 : vector<16xf32>
      %mul3A_946 = arith.mulf %get3A_179, %broadcast_in_dim3A_900 : vector<16xf32>
      %mul3A_947 = arith.mulf %get3A_219, %broadcast_in_dim3A_906 : vector<16xf32>
      %add3A_948 = arith.addf %mul3A_946, %mul3A_947 : vector<16xf32>
      %mul3A_949 = arith.mulf %get3A_259, %broadcast_in_dim3A_912 : vector<16xf32>
      %add3A_950 = arith.addf %add3A_948, %mul3A_949 : vector<16xf32>
      %add3A_951 = arith.addf %get3A_299, %broadcast_in_dim3A_918 : vector<16xf32>
      %mul3A_952 = arith.constant 2.000000e+00 : f32
      %mul3A_953 = vector.broadcast %mul3A_952 : f32 to vector<16xf32>
      %mul3A_954 = arith.mulf %mul3A_953, %add3A_950 : vector<16xf32>
      %sub3A_955 = arith.subf %add3A_951, %mul3A_954 : vector<16xf32>
      %lt3A_956 = arith.constant 2.500000e-01 : f32
      %lt3A_957 = vector.broadcast %lt3A_956 : f32 to vector<16xf32>
      %lt3A_958 = arith.cmpf olt, %sub3A_955, %lt3A_957 : vector<16xf32>
      %eq3A_959 = arith.cmpi eq, %get3A_339, %broadcast_in_dim3A_924 : vector<16xi32>
      %and3A_960 = arith.andi %lt3A_958, %eq3A_959 : vector<16xi1>
      %jit3A_961 = arith.constant 1.000000e+00 : f32
      %jit3A_962 = arith.constant 0.000000e+00 : f32
      %broadcast_in_dim3A_963 = vector.broadcast %jit3A_961 : f32 to vector<16xf32>
      %broadcast_in_dim3A_964 = vector.broadcast %jit3A_962 : f32 to vector<16xf32>
      %select_n3A_965 = arith.select %and3A_960, %broadcast_in_dim3A_963, %broadcast_in_dim3A_964 : vector<16xi1>, vector<16xf32>
      %add3A_966 = arith.addf %add3A_766, %select_n3A_965 : vector<16xf32>
      %mul3A_967 = arith.mulf %get3A_184, %broadcast_in_dim3A_900 : vector<16xf32>
      %mul3A_968 = arith.mulf %get3A_224, %broadcast_in_dim3A_906 : vector<16xf32>
      %add3A_969 = arith.addf %mul3A_967, %mul3A_968 : vector<16xf32>
      %mul3A_970 = arith.mulf %get3A_264, %broadcast_in_dim3A_912 : vector<16xf32>
      %add3A_971 = arith.addf %add3A_969, %mul3A_970 : vector<16xf32>
      %add3A_972 = arith.addf %get3A_304, %broadcast_in_dim3A_918 : vector<16xf32>
      %mul3A_973 = arith.constant 2.000000e+00 : f32
      %mul3A_974 = vector.broadcast %mul3A_973 : f32 to vector<16xf32>
      %mul3A_975 = arith.mulf %mul3A_974, %add3A_971 : vector<16xf32>
      %sub3A_976 = arith.subf %add3A_972, %mul3A_975 : vector<16xf32>
      %lt3A_977 = arith.constant 2.500000e-01 : f32
      %lt3A_978 = vector.broadcast %lt3A_977 : f32 to vector<16xf32>
      %lt3A_979 = arith.cmpf olt, %sub3A_976, %lt3A_978 : vector<16xf32>
      %eq3A_980 = arith.cmpi eq, %get3A_344, %broadcast_in_dim3A_924 : vector<16xi32>
      %and3A_981 = arith.andi %lt3A_979, %eq3A_980 : vector<16xi1>
      %jit3A_982 = arith.constant 1.000000e+00 : f32
      %jit3A_983 = arith.constant 0.000000e+00 : f32
      %broadcast_in_dim3A_984 = vector.broadcast %jit3A_982 : f32 to vector<16xf32>
      %broadcast_in_dim3A_985 = vector.broadcast %jit3A_983 : f32 to vector<16xf32>
      %select_n3A_986 = arith.select %and3A_981, %broadcast_in_dim3A_984, %broadcast_in_dim3A_985 : vector<16xi1>, vector<16xf32>
      %add3A_987 = arith.addf %add3A_787, %select_n3A_986 : vector<16xf32>
      %mul3A_988 = arith.mulf %get3A_189, %broadcast_in_dim3A_900 : vector<16xf32>
      %mul3A_989 = arith.mulf %get3A_229, %broadcast_in_dim3A_906 : vector<16xf32>
      %add3A_990 = arith.addf %mul3A_988, %mul3A_989 : vector<16xf32>
      %mul3A_991 = arith.mulf %get3A_269, %broadcast_in_dim3A_912 : vector<16xf32>
      %add3A_992 = arith.addf %add3A_990, %mul3A_991 : vector<16xf32>
      %add3A_993 = arith.addf %get3A_309, %broadcast_in_dim3A_918 : vector<16xf32>
      %mul3A_994 = arith.constant 2.000000e+00 : f32
      %mul3A_995 = vector.broadcast %mul3A_994 : f32 to vector<16xf32>
      %mul3A_996 = arith.mulf %mul3A_995, %add3A_992 : vector<16xf32>
      %sub3A_997 = arith.subf %add3A_993, %mul3A_996 : vector<16xf32>
      %lt3A_998 = arith.constant 2.500000e-01 : f32
      %lt3A_999 = vector.broadcast %lt3A_998 : f32 to vector<16xf32>
      %lt3A_1000 = arith.cmpf olt, %sub3A_997, %lt3A_999 : vector<16xf32>
      %eq3A_1001 = arith.cmpi eq, %get3A_349, %broadcast_in_dim3A_924 : vector<16xi32>
      %and3A_1002 = arith.andi %lt3A_1000, %eq3A_1001 : vector<16xi1>
      %jit3A_1003 = arith.constant 1.000000e+00 : f32
      %jit3A_1004 = arith.constant 0.000000e+00 : f32
      %broadcast_in_dim3A_1005 = vector.broadcast %jit3A_1003 : f32 to vector<16xf32>
      %broadcast_in_dim3A_1006 = vector.broadcast %jit3A_1004 : f32 to vector<16xf32>
      %select_n3A_1007 = arith.select %and3A_1002, %broadcast_in_dim3A_1005, %broadcast_in_dim3A_1006 : vector<16xi1>, vector<16xf32>
      %add3A_1008 = arith.addf %add3A_808, %select_n3A_1007 : vector<16xf32>
      %mul3A_1009 = arith.mulf %get3A_194, %broadcast_in_dim3A_900 : vector<16xf32>
      %mul3A_1010 = arith.mulf %get3A_234, %broadcast_in_dim3A_906 : vector<16xf32>
      %add3A_1011 = arith.addf %mul3A_1009, %mul3A_1010 : vector<16xf32>
      %mul3A_1012 = arith.mulf %get3A_274, %broadcast_in_dim3A_912 : vector<16xf32>
      %add3A_1013 = arith.addf %add3A_1011, %mul3A_1012 : vector<16xf32>
      %add3A_1014 = arith.addf %get3A_314, %broadcast_in_dim3A_918 : vector<16xf32>
      %mul3A_1015 = arith.constant 2.000000e+00 : f32
      %mul3A_1016 = vector.broadcast %mul3A_1015 : f32 to vector<16xf32>
      %mul3A_1017 = arith.mulf %mul3A_1016, %add3A_1013 : vector<16xf32>
      %sub3A_1018 = arith.subf %add3A_1014, %mul3A_1017 : vector<16xf32>
      %lt3A_1019 = arith.constant 2.500000e-01 : f32
      %lt3A_1020 = vector.broadcast %lt3A_1019 : f32 to vector<16xf32>
      %lt3A_1021 = arith.cmpf olt, %sub3A_1018, %lt3A_1020 : vector<16xf32>
      %eq3A_1022 = arith.cmpi eq, %get3A_354, %broadcast_in_dim3A_924 : vector<16xi32>
      %and3A_1023 = arith.andi %lt3A_1021, %eq3A_1022 : vector<16xi1>
      %jit3A_1024 = arith.constant 1.000000e+00 : f32
      %jit3A_1025 = arith.constant 0.000000e+00 : f32
      %broadcast_in_dim3A_1026 = vector.broadcast %jit3A_1024 : f32 to vector<16xf32>
      %broadcast_in_dim3A_1027 = vector.broadcast %jit3A_1025 : f32 to vector<16xf32>
      %select_n3A_1028 = arith.select %and3A_1023, %broadcast_in_dim3A_1026, %broadcast_in_dim3A_1027 : vector<16xi1>, vector<16xf32>
      %add3A_1029 = arith.addf %add3A_829, %select_n3A_1028 : vector<16xf32>
      %mul3A_1030 = arith.mulf %get3A_199, %broadcast_in_dim3A_900 : vector<16xf32>
      %mul3A_1031 = arith.mulf %get3A_239, %broadcast_in_dim3A_906 : vector<16xf32>
      %add3A_1032 = arith.addf %mul3A_1030, %mul3A_1031 : vector<16xf32>
      %mul3A_1033 = arith.mulf %get3A_279, %broadcast_in_dim3A_912 : vector<16xf32>
      %add3A_1034 = arith.addf %add3A_1032, %mul3A_1033 : vector<16xf32>
      %add3A_1035 = arith.addf %get3A_319, %broadcast_in_dim3A_918 : vector<16xf32>
      %mul3A_1036 = arith.constant 2.000000e+00 : f32
      %mul3A_1037 = vector.broadcast %mul3A_1036 : f32 to vector<16xf32>
      %mul3A_1038 = arith.mulf %mul3A_1037, %add3A_1034 : vector<16xf32>
      %sub3A_1039 = arith.subf %add3A_1035, %mul3A_1038 : vector<16xf32>
      %lt3A_1040 = arith.constant 2.500000e-01 : f32
      %lt3A_1041 = vector.broadcast %lt3A_1040 : f32 to vector<16xf32>
      %lt3A_1042 = arith.cmpf olt, %sub3A_1039, %lt3A_1041 : vector<16xf32>
      %eq3A_1043 = arith.cmpi eq, %get3A_359, %broadcast_in_dim3A_924 : vector<16xi32>
      %and3A_1044 = arith.andi %lt3A_1042, %eq3A_1043 : vector<16xi1>
      %jit3A_1045 = arith.constant 1.000000e+00 : f32
      %jit3A_1046 = arith.constant 0.000000e+00 : f32
      %broadcast_in_dim3A_1047 = vector.broadcast %jit3A_1045 : f32 to vector<16xf32>
      %broadcast_in_dim3A_1048 = vector.broadcast %jit3A_1046 : f32 to vector<16xf32>
      %select_n3A_1049 = arith.select %and3A_1044, %broadcast_in_dim3A_1047, %broadcast_in_dim3A_1048 : vector<16xi1>, vector<16xf32>
      %add3A_1050 = arith.addf %add3A_850, %select_n3A_1049 : vector<16xf32>
      %mul3A_1051 = arith.mulf %get3A_204, %broadcast_in_dim3A_900 : vector<16xf32>
      %mul3A_1052 = arith.mulf %get3A_244, %broadcast_in_dim3A_906 : vector<16xf32>
      %add3A_1053 = arith.addf %mul3A_1051, %mul3A_1052 : vector<16xf32>
      %mul3A_1054 = arith.mulf %get3A_284, %broadcast_in_dim3A_912 : vector<16xf32>
      %add3A_1055 = arith.addf %add3A_1053, %mul3A_1054 : vector<16xf32>
      %add3A_1056 = arith.addf %get3A_324, %broadcast_in_dim3A_918 : vector<16xf32>
      %mul3A_1057 = arith.constant 2.000000e+00 : f32
      %mul3A_1058 = vector.broadcast %mul3A_1057 : f32 to vector<16xf32>
      %mul3A_1059 = arith.mulf %mul3A_1058, %add3A_1055 : vector<16xf32>
      %sub3A_1060 = arith.subf %add3A_1056, %mul3A_1059 : vector<16xf32>
      %lt3A_1061 = arith.constant 2.500000e-01 : f32
      %lt3A_1062 = vector.broadcast %lt3A_1061 : f32 to vector<16xf32>
      %lt3A_1063 = arith.cmpf olt, %sub3A_1060, %lt3A_1062 : vector<16xf32>
      %eq3A_1064 = arith.cmpi eq, %get3A_364, %broadcast_in_dim3A_924 : vector<16xi32>
      %and3A_1065 = arith.andi %lt3A_1063, %eq3A_1064 : vector<16xi1>
      %jit3A_1066 = arith.constant 1.000000e+00 : f32
      %jit3A_1067 = arith.constant 0.000000e+00 : f32
      %broadcast_in_dim3A_1068 = vector.broadcast %jit3A_1066 : f32 to vector<16xf32>
      %broadcast_in_dim3A_1069 = vector.broadcast %jit3A_1067 : f32 to vector<16xf32>
      %select_n3A_1070 = arith.select %and3A_1065, %broadcast_in_dim3A_1068, %broadcast_in_dim3A_1069 : vector<16xi1>, vector<16xf32>
      %add3A_1071 = arith.addf %add3A_871, %select_n3A_1070 : vector<16xf32>
      %mul3A_1072 = arith.mulf %get3A_209, %broadcast_in_dim3A_900 : vector<16xf32>
      %mul3A_1073 = arith.mulf %get3A_249, %broadcast_in_dim3A_906 : vector<16xf32>
      %add3A_1074 = arith.addf %mul3A_1072, %mul3A_1073 : vector<16xf32>
      %mul3A_1075 = arith.mulf %get3A_289, %broadcast_in_dim3A_912 : vector<16xf32>
      %add3A_1076 = arith.addf %add3A_1074, %mul3A_1075 : vector<16xf32>
      %add3A_1077 = arith.addf %get3A_329, %broadcast_in_dim3A_918 : vector<16xf32>
      %mul3A_1078 = arith.constant 2.000000e+00 : f32
      %mul3A_1079 = vector.broadcast %mul3A_1078 : f32 to vector<16xf32>
      %mul3A_1080 = arith.mulf %mul3A_1079, %add3A_1076 : vector<16xf32>
      %sub3A_1081 = arith.subf %add3A_1077, %mul3A_1080 : vector<16xf32>
      %lt3A_1082 = arith.constant 2.500000e-01 : f32
      %lt3A_1083 = vector.broadcast %lt3A_1082 : f32 to vector<16xf32>
      %lt3A_1084 = arith.cmpf olt, %sub3A_1081, %lt3A_1083 : vector<16xf32>
      %eq3A_1085 = arith.cmpi eq, %get3A_369, %broadcast_in_dim3A_924 : vector<16xi32>
      %and3A_1086 = arith.andi %lt3A_1084, %eq3A_1085 : vector<16xi1>
      %jit3A_1087 = arith.constant 1.000000e+00 : f32
      %jit3A_1088 = arith.constant 0.000000e+00 : f32
      %broadcast_in_dim3A_1089 = vector.broadcast %jit3A_1087 : f32 to vector<16xf32>
      %broadcast_in_dim3A_1090 = vector.broadcast %jit3A_1088 : f32 to vector<16xf32>
      %select_n3A_1091 = arith.select %and3A_1086, %broadcast_in_dim3A_1089, %broadcast_in_dim3A_1090 : vector<16xi1>, vector<16xf32>
      %add3A_1092 = arith.addf %add3A_892, %select_n3A_1091 : vector<16xf32>
      %add3A_1093 = arith.constant 3 : i32
      %add3A_1094 = arith.addi %add3A_493, %add3A_1093 : i32
      %get3A_1095 = arith.index_cast %add3A_1094 : i32 to index
      %get3A_1096 = tpu.vector_load %arg11[%get3A_1095] {strides = array<i32>} : memref<4128xf32, #tpu.memory_space<vmem>>, vector<16xf32>,
      %get3A_1097 = vector.shape_cast %get3A_1096 : vector<16xf32> to vector<16xf32>
      %slice3A_1098 = vector.extract_strided_slice %get3A_1097 {offsets = [0], sizes = [1], strides = [1]} : vector<16xf32> to vector<1xf32>
      %squeeze3A_1099 = vector.extract %slice3A_1098[0] : f32 from vector<1xf32>
      %broadcast_in_dim3A_1100 = vector.broadcast %squeeze3A_1099 : f32 to vector<16xf32>
      %get3A_1101 = arith.index_cast %add3A_1094 : i32 to index
      %get3A_1102 = tpu.vector_load %arg12[%get3A_1101] {strides = array<i32>} : memref<4128xf32, #tpu.memory_space<vmem>>, vector<16xf32>,
      %get3A_1103 = vector.shape_cast %get3A_1102 : vector<16xf32> to vector<16xf32>
      %slice3A_1104 = vector.extract_strided_slice %get3A_1103 {offsets = [0], sizes = [1], strides = [1]} : vector<16xf32> to vector<1xf32>
      %squeeze3A_1105 = vector.extract %slice3A_1104[0] : f32 from vector<1xf32>
      %broadcast_in_dim3A_1106 = vector.broadcast %squeeze3A_1105 : f32 to vector<16xf32>
      %get3A_1107 = arith.index_cast %add3A_1094 : i32 to index
      %get3A_1108 = tpu.vector_load %arg13[%get3A_1107] {strides = array<i32>} : memref<4128xf32, #tpu.memory_space<vmem>>, vector<16xf32>,
      %get3A_1109 = vector.shape_cast %get3A_1108 : vector<16xf32> to vector<16xf32>
      %slice3A_1110 = vector.extract_strided_slice %get3A_1109 {offsets = [0], sizes = [1], strides = [1]} : vector<16xf32> to vector<1xf32>
      %squeeze3A_1111 = vector.extract %slice3A_1110[0] : f32 from vector<1xf32>
      %broadcast_in_dim3A_1112 = vector.broadcast %squeeze3A_1111 : f32 to vector<16xf32>
      %get3A_1113 = arith.index_cast %add3A_1094 : i32 to index
      %get3A_1114 = tpu.vector_load %arg14[%get3A_1113] {strides = array<i32>} : memref<4128xf32, #tpu.memory_space<vmem>>, vector<16xf32>,
      %get3A_1115 = vector.shape_cast %get3A_1114 : vector<16xf32> to vector<16xf32>
      %slice3A_1116 = vector.extract_strided_slice %get3A_1115 {offsets = [0], sizes = [1], strides = [1]} : vector<16xf32> to vector<1xf32>
      %squeeze3A_1117 = vector.extract %slice3A_1116[0] : f32 from vector<1xf32>
      %broadcast_in_dim3A_1118 = vector.broadcast %squeeze3A_1117 : f32 to vector<16xf32>
      %get3A_1119 = arith.index_cast %add3A_1094 : i32 to index
      %get3A_1120 = tpu.vector_load %arg15[%get3A_1119] {strides = array<i32>} : memref<4128xi32, #tpu.memory_space<vmem>>, vector<16xi32>,
      %get3A_1121 = vector.shape_cast %get3A_1120 : vector<16xi32> to vector<16xi32>
      %slice3A_1122 = vector.extract_strided_slice %get3A_1121 {offsets = [0], sizes = [1], strides = [1]} : vector<16xi32> to vector<1xi32>
      %squeeze3A_1123 = vector.extract %slice3A_1122[0] : i32 from vector<1xi32>
      %broadcast_in_dim3A_1124 = vector.broadcast %squeeze3A_1123 : i32 to vector<16xi32>
      %mul3A_1125 = arith.mulf %get3A_174, %broadcast_in_dim3A_1100 : vector<16xf32>
      %mul3A_1126 = arith.mulf %get3A_214, %broadcast_in_dim3A_1106 : vector<16xf32>
      %add3A_1127 = arith.addf %mul3A_1125, %mul3A_1126 : vector<16xf32>
      %mul3A_1128 = arith.mulf %get3A_254, %broadcast_in_dim3A_1112 : vector<16xf32>
      %add3A_1129 = arith.addf %add3A_1127, %mul3A_1128 : vector<16xf32>
      %add3A_1130 = arith.addf %get3A_294, %broadcast_in_dim3A_1118 : vector<16xf32>
      %mul3A_1131 = arith.constant 2.000000e+00 : f32
      %mul3A_1132 = vector.broadcast %mul3A_1131 : f32 to vector<16xf32>
      %mul3A_1133 = arith.mulf %mul3A_1132, %add3A_1129 : vector<16xf32>
      %sub3A_1134 = arith.subf %add3A_1130, %mul3A_1133 : vector<16xf32>
      %lt3A_1135 = arith.constant 2.500000e-01 : f32
      %lt3A_1136 = vector.broadcast %lt3A_1135 : f32 to vector<16xf32>
      %lt3A_1137 = arith.cmpf olt, %sub3A_1134, %lt3A_1136 : vector<16xf32>
      %eq3A_1138 = arith.cmpi eq, %get3A_334, %broadcast_in_dim3A_1124 : vector<16xi32>
      %and3A_1139 = arith.andi %lt3A_1137, %eq3A_1138 : vector<16xi1>
      %jit3A_1140 = arith.constant 1.000000e+00 : f32
      %jit3A_1141 = arith.constant 0.000000e+00 : f32
      %broadcast_in_dim3A_1142 = vector.broadcast %jit3A_1140 : f32 to vector<16xf32>
      %broadcast_in_dim3A_1143 = vector.broadcast %jit3A_1141 : f32 to vector<16xf32>
      %select_n3A_1144 = arith.select %and3A_1139, %broadcast_in_dim3A_1142, %broadcast_in_dim3A_1143 : vector<16xi1>, vector<16xf32>
      %add3A_1145 = arith.addf %add3A_945, %select_n3A_1144 : vector<16xf32>
      %mul3A_1146 = arith.mulf %get3A_179, %broadcast_in_dim3A_1100 : vector<16xf32>
      %mul3A_1147 = arith.mulf %get3A_219, %broadcast_in_dim3A_1106 : vector<16xf32>
      %add3A_1148 = arith.addf %mul3A_1146, %mul3A_1147 : vector<16xf32>
      %mul3A_1149 = arith.mulf %get3A_259, %broadcast_in_dim3A_1112 : vector<16xf32>
      %add3A_1150 = arith.addf %add3A_1148, %mul3A_1149 : vector<16xf32>
      %add3A_1151 = arith.addf %get3A_299, %broadcast_in_dim3A_1118 : vector<16xf32>
      %mul3A_1152 = arith.constant 2.000000e+00 : f32
      %mul3A_1153 = vector.broadcast %mul3A_1152 : f32 to vector<16xf32>
      %mul3A_1154 = arith.mulf %mul3A_1153, %add3A_1150 : vector<16xf32>
      %sub3A_1155 = arith.subf %add3A_1151, %mul3A_1154 : vector<16xf32>
      %lt3A_1156 = arith.constant 2.500000e-01 : f32
      %lt3A_1157 = vector.broadcast %lt3A_1156 : f32 to vector<16xf32>
      %lt3A_1158 = arith.cmpf olt, %sub3A_1155, %lt3A_1157 : vector<16xf32>
      %eq3A_1159 = arith.cmpi eq, %get3A_339, %broadcast_in_dim3A_1124 : vector<16xi32>
      %and3A_1160 = arith.andi %lt3A_1158, %eq3A_1159 : vector<16xi1>
      %jit3A_1161 = arith.constant 1.000000e+00 : f32
      %jit3A_1162 = arith.constant 0.000000e+00 : f32
      %broadcast_in_dim3A_1163 = vector.broadcast %jit3A_1161 : f32 to vector<16xf32>
      %broadcast_in_dim3A_1164 = vector.broadcast %jit3A_1162 : f32 to vector<16xf32>
      %select_n3A_1165 = arith.select %and3A_1160, %broadcast_in_dim3A_1163, %broadcast_in_dim3A_1164 : vector<16xi1>, vector<16xf32>
      %add3A_1166 = arith.addf %add3A_966, %select_n3A_1165 : vector<16xf32>
      %mul3A_1167 = arith.mulf %get3A_184, %broadcast_in_dim3A_1100 : vector<16xf32>
      %mul3A_1168 = arith.mulf %get3A_224, %broadcast_in_dim3A_1106 : vector<16xf32>
      %add3A_1169 = arith.addf %mul3A_1167, %mul3A_1168 : vector<16xf32>
      %mul3A_1170 = arith.mulf %get3A_264, %broadcast_in_dim3A_1112 : vector<16xf32>
      %add3A_1171 = arith.addf %add3A_1169, %mul3A_1170 : vector<16xf32>
      %add3A_1172 = arith.addf %get3A_304, %broadcast_in_dim3A_1118 : vector<16xf32>
      %mul3A_1173 = arith.constant 2.000000e+00 : f32
      %mul3A_1174 = vector.broadcast %mul3A_1173 : f32 to vector<16xf32>
      %mul3A_1175 = arith.mulf %mul3A_1174, %add3A_1171 : vector<16xf32>
      %sub3A_1176 = arith.subf %add3A_1172, %mul3A_1175 : vector<16xf32>
      %lt3A_1177 = arith.constant 2.500000e-01 : f32
      %lt3A_1178 = vector.broadcast %lt3A_1177 : f32 to vector<16xf32>
      %lt3A_1179 = arith.cmpf olt, %sub3A_1176, %lt3A_1178 : vector<16xf32>
      %eq3A_1180 = arith.cmpi eq, %get3A_344, %broadcast_in_dim3A_1124 : vector<16xi32>
      %and3A_1181 = arith.andi %lt3A_1179, %eq3A_1180 : vector<16xi1>
      %jit3A_1182 = arith.constant 1.000000e+00 : f32
      %jit3A_1183 = arith.constant 0.000000e+00 : f32
      %broadcast_in_dim3A_1184 = vector.broadcast %jit3A_1182 : f32 to vector<16xf32>
      %broadcast_in_dim3A_1185 = vector.broadcast %jit3A_1183 : f32 to vector<16xf32>
      %select_n3A_1186 = arith.select %and3A_1181, %broadcast_in_dim3A_1184, %broadcast_in_dim3A_1185 : vector<16xi1>, vector<16xf32>
      %add3A_1187 = arith.addf %add3A_987, %select_n3A_1186 : vector<16xf32>
      %mul3A_1188 = arith.mulf %get3A_189, %broadcast_in_dim3A_1100 : vector<16xf32>
      %mul3A_1189 = arith.mulf %get3A_229, %broadcast_in_dim3A_1106 : vector<16xf32>
      %add3A_1190 = arith.addf %mul3A_1188, %mul3A_1189 : vector<16xf32>
      %mul3A_1191 = arith.mulf %get3A_269, %broadcast_in_dim3A_1112 : vector<16xf32>
      %add3A_1192 = arith.addf %add3A_1190, %mul3A_1191 : vector<16xf32>
      %add3A_1193 = arith.addf %get3A_309, %broadcast_in_dim3A_1118 : vector<16xf32>
      %mul3A_1194 = arith.constant 2.000000e+00 : f32
      %mul3A_1195 = vector.broadcast %mul3A_1194 : f32 to vector<16xf32>
      %mul3A_1196 = arith.mulf %mul3A_1195, %add3A_1192 : vector<16xf32>
      %sub3A_1197 = arith.subf %add3A_1193, %mul3A_1196 : vector<16xf32>
      %lt3A_1198 = arith.constant 2.500000e-01 : f32
      %lt3A_1199 = vector.broadcast %lt3A_1198 : f32 to vector<16xf32>
      %lt3A_1200 = arith.cmpf olt, %sub3A_1197, %lt3A_1199 : vector<16xf32>
      %eq3A_1201 = arith.cmpi eq, %get3A_349, %broadcast_in_dim3A_1124 : vector<16xi32>
      %and3A_1202 = arith.andi %lt3A_1200, %eq3A_1201 : vector<16xi1>
      %jit3A_1203 = arith.constant 1.000000e+00 : f32
      %jit3A_1204 = arith.constant 0.000000e+00 : f32
      %broadcast_in_dim3A_1205 = vector.broadcast %jit3A_1203 : f32 to vector<16xf32>
      %broadcast_in_dim3A_1206 = vector.broadcast %jit3A_1204 : f32 to vector<16xf32>
      %select_n3A_1207 = arith.select %and3A_1202, %broadcast_in_dim3A_1205, %broadcast_in_dim3A_1206 : vector<16xi1>, vector<16xf32>
      %add3A_1208 = arith.addf %add3A_1008, %select_n3A_1207 : vector<16xf32>
      %mul3A_1209 = arith.mulf %get3A_194, %broadcast_in_dim3A_1100 : vector<16xf32>
      %mul3A_1210 = arith.mulf %get3A_234, %broadcast_in_dim3A_1106 : vector<16xf32>
      %add3A_1211 = arith.addf %mul3A_1209, %mul3A_1210 : vector<16xf32>
      %mul3A_1212 = arith.mulf %get3A_274, %broadcast_in_dim3A_1112 : vector<16xf32>
      %add3A_1213 = arith.addf %add3A_1211, %mul3A_1212 : vector<16xf32>
      %add3A_1214 = arith.addf %get3A_314, %broadcast_in_dim3A_1118 : vector<16xf32>
      %mul3A_1215 = arith.constant 2.000000e+00 : f32
      %mul3A_1216 = vector.broadcast %mul3A_1215 : f32 to vector<16xf32>
      %mul3A_1217 = arith.mulf %mul3A_1216, %add3A_1213 : vector<16xf32>
      %sub3A_1218 = arith.subf %add3A_1214, %mul3A_1217 : vector<16xf32>
      %lt3A_1219 = arith.constant 2.500000e-01 : f32
      %lt3A_1220 = vector.broadcast %lt3A_1219 : f32 to vector<16xf32>
      %lt3A_1221 = arith.cmpf olt, %sub3A_1218, %lt3A_1220 : vector<16xf32>
      %eq3A_1222 = arith.cmpi eq, %get3A_354, %broadcast_in_dim3A_1124 : vector<16xi32>
      %and3A_1223 = arith.andi %lt3A_1221, %eq3A_1222 : vector<16xi1>
      %jit3A_1224 = arith.constant 1.000000e+00 : f32
      %jit3A_1225 = arith.constant 0.000000e+00 : f32
      %broadcast_in_dim3A_1226 = vector.broadcast %jit3A_1224 : f32 to vector<16xf32>
      %broadcast_in_dim3A_1227 = vector.broadcast %jit3A_1225 : f32 to vector<16xf32>
      %select_n3A_1228 = arith.select %and3A_1223, %broadcast_in_dim3A_1226, %broadcast_in_dim3A_1227 : vector<16xi1>, vector<16xf32>
      %add3A_1229 = arith.addf %add3A_1029, %select_n3A_1228 : vector<16xf32>
      %mul3A_1230 = arith.mulf %get3A_199, %broadcast_in_dim3A_1100 : vector<16xf32>
      %mul3A_1231 = arith.mulf %get3A_239, %broadcast_in_dim3A_1106 : vector<16xf32>
      %add3A_1232 = arith.addf %mul3A_1230, %mul3A_1231 : vector<16xf32>
      %mul3A_1233 = arith.mulf %get3A_279, %broadcast_in_dim3A_1112 : vector<16xf32>
      %add3A_1234 = arith.addf %add3A_1232, %mul3A_1233 : vector<16xf32>
      %add3A_1235 = arith.addf %get3A_319, %broadcast_in_dim3A_1118 : vector<16xf32>
      %mul3A_1236 = arith.constant 2.000000e+00 : f32
      %mul3A_1237 = vector.broadcast %mul3A_1236 : f32 to vector<16xf32>
      %mul3A_1238 = arith.mulf %mul3A_1237, %add3A_1234 : vector<16xf32>
      %sub3A_1239 = arith.subf %add3A_1235, %mul3A_1238 : vector<16xf32>
      %lt3A_1240 = arith.constant 2.500000e-01 : f32
      %lt3A_1241 = vector.broadcast %lt3A_1240 : f32 to vector<16xf32>
      %lt3A_1242 = arith.cmpf olt, %sub3A_1239, %lt3A_1241 : vector<16xf32>
      %eq3A_1243 = arith.cmpi eq, %get3A_359, %broadcast_in_dim3A_1124 : vector<16xi32>
      %and3A_1244 = arith.andi %lt3A_1242, %eq3A_1243 : vector<16xi1>
      %jit3A_1245 = arith.constant 1.000000e+00 : f32
      %jit3A_1246 = arith.constant 0.000000e+00 : f32
      %broadcast_in_dim3A_1247 = vector.broadcast %jit3A_1245 : f32 to vector<16xf32>
      %broadcast_in_dim3A_1248 = vector.broadcast %jit3A_1246 : f32 to vector<16xf32>
      %select_n3A_1249 = arith.select %and3A_1244, %broadcast_in_dim3A_1247, %broadcast_in_dim3A_1248 : vector<16xi1>, vector<16xf32>
      %add3A_1250 = arith.addf %add3A_1050, %select_n3A_1249 : vector<16xf32>
      %mul3A_1251 = arith.mulf %get3A_204, %broadcast_in_dim3A_1100 : vector<16xf32>
      %mul3A_1252 = arith.mulf %get3A_244, %broadcast_in_dim3A_1106 : vector<16xf32>
      %add3A_1253 = arith.addf %mul3A_1251, %mul3A_1252 : vector<16xf32>
      %mul3A_1254 = arith.mulf %get3A_284, %broadcast_in_dim3A_1112 : vector<16xf32>
      %add3A_1255 = arith.addf %add3A_1253, %mul3A_1254 : vector<16xf32>
      %add3A_1256 = arith.addf %get3A_324, %broadcast_in_dim3A_1118 : vector<16xf32>
      %mul3A_1257 = arith.constant 2.000000e+00 : f32
      %mul3A_1258 = vector.broadcast %mul3A_1257 : f32 to vector<16xf32>
      %mul3A_1259 = arith.mulf %mul3A_1258, %add3A_1255 : vector<16xf32>
      %sub3A_1260 = arith.subf %add3A_1256, %mul3A_1259 : vector<16xf32>
      %lt3A_1261 = arith.constant 2.500000e-01 : f32
      %lt3A_1262 = vector.broadcast %lt3A_1261 : f32 to vector<16xf32>
      %lt3A_1263 = arith.cmpf olt, %sub3A_1260, %lt3A_1262 : vector<16xf32>
      %eq3A_1264 = arith.cmpi eq, %get3A_364, %broadcast_in_dim3A_1124 : vector<16xi32>
      %and3A_1265 = arith.andi %lt3A_1263, %eq3A_1264 : vector<16xi1>
      %jit3A_1266 = arith.constant 1.000000e+00 : f32
      %jit3A_1267 = arith.constant 0.000000e+00 : f32
      %broadcast_in_dim3A_1268 = vector.broadcast %jit3A_1266 : f32 to vector<16xf32>
      %broadcast_in_dim3A_1269 = vector.broadcast %jit3A_1267 : f32 to vector<16xf32>
      %select_n3A_1270 = arith.select %and3A_1265, %broadcast_in_dim3A_1268, %broadcast_in_dim3A_1269 : vector<16xi1>, vector<16xf32>
      %add3A_1271 = arith.addf %add3A_1071, %select_n3A_1270 : vector<16xf32>
      %mul3A_1272 = arith.mulf %get3A_209, %broadcast_in_dim3A_1100 : vector<16xf32>
      %mul3A_1273 = arith.mulf %get3A_249, %broadcast_in_dim3A_1106 : vector<16xf32>
      %add3A_1274 = arith.addf %mul3A_1272, %mul3A_1273 : vector<16xf32>
      %mul3A_1275 = arith.mulf %get3A_289, %broadcast_in_dim3A_1112 : vector<16xf32>
      %add3A_1276 = arith.addf %add3A_1274, %mul3A_1275 : vector<16xf32>
      %add3A_1277 = arith.addf %get3A_329, %broadcast_in_dim3A_1118 : vector<16xf32>
      %mul3A_1278 = arith.constant 2.000000e+00 : f32
      %mul3A_1279 = vector.broadcast %mul3A_1278 : f32 to vector<16xf32>
      %mul3A_1280 = arith.mulf %mul3A_1279, %add3A_1276 : vector<16xf32>
      %sub3A_1281 = arith.subf %add3A_1277, %mul3A_1280 : vector<16xf32>
      %lt3A_1282 = arith.constant 2.500000e-01 : f32
      %lt3A_1283 = vector.broadcast %lt3A_1282 : f32 to vector<16xf32>
      %lt3A_1284 = arith.cmpf olt, %sub3A_1281, %lt3A_1283 : vector<16xf32>
      %eq3A_1285 = arith.cmpi eq, %get3A_369, %broadcast_in_dim3A_1124 : vector<16xi32>
      %and3A_1286 = arith.andi %lt3A_1284, %eq3A_1285 : vector<16xi1>
      %jit3A_1287 = arith.constant 1.000000e+00 : f32
      %jit3A_1288 = arith.constant 0.000000e+00 : f32
      %broadcast_in_dim3A_1289 = vector.broadcast %jit3A_1287 : f32 to vector<16xf32>
      %broadcast_in_dim3A_1290 = vector.broadcast %jit3A_1288 : f32 to vector<16xf32>
      %select_n3A_1291 = arith.select %and3A_1286, %broadcast_in_dim3A_1289, %broadcast_in_dim3A_1290 : vector<16xi1>, vector<16xf32>
      %add3A_1292 = arith.addf %add3A_1092, %select_n3A_1291 : vector<16xf32>
      scf.yield %add3A_1145, %add3A_1166, %add3A_1187, %add3A_1208, %add3A_1229, %add3A_1250, %add3A_1271, %add3A_1292 : vector<16xf32>, vector<16xf32>, vector<16xf32>, vector<16xf32>, vector<16xf32>, vector<16xf32>, vector<16xf32>, vector<16xf32>
    }
    %while3A_424 = arith.constant 1 : i32
    %while3A_425:8 = scf.for %while3A_482 = %while3A_421 to %while3A_417 step %while3A_424 iter_args(%while3A_483 = %while3A_423#0, %while3A_484 = %while3A_423#1, %while3A_485 = %while3A_423#2, %while3A_486 = %while3A_423#3, %while3A_487 = %while3A_423#4, %while3A_488 = %while3A_423#5, %while3A_489 = %while3A_423#6, %while3A_490 = %while3A_423#7) -> (vector<16xf32>, vector<16xf32>, vector<16xf32>, vector<16xf32>, vector<16xf32>, vector<16xf32>, vector<16xf32>, vector<16xf32>)  : i32 {
      %mul3A_491 = arith.constant 4 : i32
      %mul3A_492 = arith.muli %while3A_482, %mul3A_491 : i32
      %add3A_493 = arith.addi %select_n3A_109, %mul3A_492 : i32
      %add3A_494 = arith.constant 0 : i32
      %add3A_495 = arith.addi %add3A_493, %add3A_494 : i32
      %get3A_496 = arith.index_cast %add3A_495 : i32 to index
      %get3A_497 = tpu.vector_load %arg11[%get3A_496] {strides = array<i32>} : memref<4128xf32, #tpu.memory_space<vmem>>, vector<16xf32>,
      %get3A_498 = vector.shape_cast %get3A_497 : vector<16xf32> to vector<16xf32>
      %slice3A_499 = vector.extract_strided_slice %get3A_498 {offsets = [0], sizes = [1], strides = [1]} : vector<16xf32> to vector<1xf32>
      %squeeze3A_500 = vector.extract %slice3A_499[0] : f32 from vector<1xf32>
      %broadcast_in_dim3A_501 = vector.broadcast %squeeze3A_500 : f32 to vector<16xf32>
      %get3A_502 = arith.index_cast %add3A_495 : i32 to index
      %get3A_503 = tpu.vector_load %arg12[%get3A_502] {strides = array<i32>} : memref<4128xf32, #tpu.memory_space<vmem>>, vector<16xf32>,
      %get3A_504 = vector.shape_cast %get3A_503 : vector<16xf32> to vector<16xf32>
      %slice3A_505 = vector.extract_strided_slice %get3A_504 {offsets = [0], sizes = [1], strides = [1]} : vector<16xf32> to vector<1xf32>
      %squeeze3A_506 = vector.extract %slice3A_505[0] : f32 from vector<1xf32>
      %broadcast_in_dim3A_507 = vector.broadcast %squeeze3A_506 : f32 to vector<16xf32>
      %get3A_508 = arith.index_cast %add3A_495 : i32 to index
      %get3A_509 = tpu.vector_load %arg13[%get3A_508] {strides = array<i32>} : memref<4128xf32, #tpu.memory_space<vmem>>, vector<16xf32>,
      %get3A_510 = vector.shape_cast %get3A_509 : vector<16xf32> to vector<16xf32>
      %slice3A_511 = vector.extract_strided_slice %get3A_510 {offsets = [0], sizes = [1], strides = [1]} : vector<16xf32> to vector<1xf32>
      %squeeze3A_512 = vector.extract %slice3A_511[0] : f32 from vector<1xf32>
      %broadcast_in_dim3A_513 = vector.broadcast %squeeze3A_512 : f32 to vector<16xf32>
      %get3A_514 = arith.index_cast %add3A_495 : i32 to index
      %get3A_515 = tpu.vector_load %arg14[%get3A_514] {strides = array<i32>} : memref<4128xf32, #tpu.memory_space<vmem>>, vector<16xf32>,
      %get3A_516 = vector.shape_cast %get3A_515 : vector<16xf32> to vector<16xf32>
      %slice3A_517 = vector.extract_strided_slice %get3A_516 {offsets = [0], sizes = [1], strides = [1]} : vector<16xf32> to vector<1xf32>
      %squeeze3A_518 = vector.extract %slice3A_517[0] : f32 from vector<1xf32>
      %broadcast_in_dim3A_519 = vector.broadcast %squeeze3A_518 : f32 to vector<16xf32>
      %get3A_520 = arith.index_cast %add3A_495 : i32 to index
      %get3A_521 = tpu.vector_load %arg15[%get3A_520] {strides = array<i32>} : memref<4128xi32, #tpu.memory_space<vmem>>, vector<16xi32>,
      %get3A_522 = vector.shape_cast %get3A_521 : vector<16xi32> to vector<16xi32>
      %slice3A_523 = vector.extract_strided_slice %get3A_522 {offsets = [0], sizes = [1], strides = [1]} : vector<16xi32> to vector<1xi32>
      %squeeze3A_524 = vector.extract %slice3A_523[0] : i32 from vector<1xi32>
      %broadcast_in_dim3A_525 = vector.broadcast %squeeze3A_524 : i32 to vector<16xi32>
      %mul3A_526 = arith.mulf %get3A_174, %broadcast_in_dim3A_501 : vector<16xf32>
      %mul3A_527 = arith.mulf %get3A_214, %broadcast_in_dim3A_507 : vector<16xf32>
      %add3A_528 = arith.addf %mul3A_526, %mul3A_527 : vector<16xf32>
      %mul3A_529 = arith.mulf %get3A_254, %broadcast_in_dim3A_513 : vector<16xf32>
      %add3A_530 = arith.addf %add3A_528, %mul3A_529 : vector<16xf32>
      %add3A_531 = arith.addf %get3A_294, %broadcast_in_dim3A_519 : vector<16xf32>
      %mul3A_532 = arith.constant 2.000000e+00 : f32
      %mul3A_533 = vector.broadcast %mul3A_532 : f32 to vector<16xf32>
      %mul3A_534 = arith.mulf %mul3A_533, %add3A_530 : vector<16xf32>
      %sub3A_535 = arith.subf %add3A_531, %mul3A_534 : vector<16xf32>
      %lt3A = arith.constant 2.500000e-01 : f32
      %lt3A_536 = vector.broadcast %lt3A : f32 to vector<16xf32>
      %lt3A_537 = arith.cmpf olt, %sub3A_535, %lt3A_536 : vector<16xf32>
      %eq3A_538 = arith.cmpi eq, %get3A_334, %broadcast_in_dim3A_525 : vector<16xi32>
      %and3A_539 = arith.andi %lt3A_537, %eq3A_538 : vector<16xi1>
      %jit3A_540 = arith.constant 1.000000e+00 : f32
      %jit3A_541 = arith.constant 0.000000e+00 : f32
      %broadcast_in_dim3A_542 = vector.broadcast %jit3A_540 : f32 to vector<16xf32>
      %broadcast_in_dim3A_543 = vector.broadcast %jit3A_541 : f32 to vector<16xf32>
      %select_n3A_544 = arith.select %and3A_539, %broadcast_in_dim3A_542, %broadcast_in_dim3A_543 : vector<16xi1>, vector<16xf32>
      %add3A_545 = arith.addf %while3A_483, %select_n3A_544 : vector<16xf32>
      %mul3A_546 = arith.mulf %get3A_179, %broadcast_in_dim3A_501 : vector<16xf32>
      %mul3A_547 = arith.mulf %get3A_219, %broadcast_in_dim3A_507 : vector<16xf32>
      %add3A_548 = arith.addf %mul3A_546, %mul3A_547 : vector<16xf32>
      %mul3A_549 = arith.mulf %get3A_259, %broadcast_in_dim3A_513 : vector<16xf32>
      %add3A_550 = arith.addf %add3A_548, %mul3A_549 : vector<16xf32>
      %add3A_551 = arith.addf %get3A_299, %broadcast_in_dim3A_519 : vector<16xf32>
      %mul3A_552 = arith.constant 2.000000e+00 : f32
      %mul3A_553 = vector.broadcast %mul3A_552 : f32 to vector<16xf32>
      %mul3A_554 = arith.mulf %mul3A_553, %add3A_550 : vector<16xf32>
      %sub3A_555 = arith.subf %add3A_551, %mul3A_554 : vector<16xf32>
      %lt3A_556 = arith.constant 2.500000e-01 : f32
      %lt3A_557 = vector.broadcast %lt3A_556 : f32 to vector<16xf32>
      %lt3A_558 = arith.cmpf olt, %sub3A_555, %lt3A_557 : vector<16xf32>
      %eq3A_559 = arith.cmpi eq, %get3A_339, %broadcast_in_dim3A_525 : vector<16xi32>
      %and3A_560 = arith.andi %lt3A_558, %eq3A_559 : vector<16xi1>
      %jit3A_561 = arith.constant 1.000000e+00 : f32
      %jit3A_562 = arith.constant 0.000000e+00 : f32
      %broadcast_in_dim3A_563 = vector.broadcast %jit3A_561 : f32 to vector<16xf32>
      %broadcast_in_dim3A_564 = vector.broadcast %jit3A_562 : f32 to vector<16xf32>
      %select_n3A_565 = arith.select %and3A_560, %broadcast_in_dim3A_563, %broadcast_in_dim3A_564 : vector<16xi1>, vector<16xf32>
      %add3A_566 = arith.addf %while3A_484, %select_n3A_565 : vector<16xf32>
      %mul3A_567 = arith.mulf %get3A_184, %broadcast_in_dim3A_501 : vector<16xf32>
      %mul3A_568 = arith.mulf %get3A_224, %broadcast_in_dim3A_507 : vector<16xf32>
      %add3A_569 = arith.addf %mul3A_567, %mul3A_568 : vector<16xf32>
      %mul3A_570 = arith.mulf %get3A_264, %broadcast_in_dim3A_513 : vector<16xf32>
      %add3A_571 = arith.addf %add3A_569, %mul3A_570 : vector<16xf32>
      %add3A_572 = arith.addf %get3A_304, %broadcast_in_dim3A_519 : vector<16xf32>
      %mul3A_573 = arith.constant 2.000000e+00 : f32
      %mul3A_574 = vector.broadcast %mul3A_573 : f32 to vector<16xf32>
      %mul3A_575 = arith.mulf %mul3A_574, %add3A_571 : vector<16xf32>
      %sub3A_576 = arith.subf %add3A_572, %mul3A_575 : vector<16xf32>
      %lt3A_577 = arith.constant 2.500000e-01 : f32
      %lt3A_578 = vector.broadcast %lt3A_577 : f32 to vector<16xf32>
      %lt3A_579 = arith.cmpf olt, %sub3A_576, %lt3A_578 : vector<16xf32>
      %eq3A_580 = arith.cmpi eq, %get3A_344, %broadcast_in_dim3A_525 : vector<16xi32>
      %and3A_581 = arith.andi %lt3A_579, %eq3A_580 : vector<16xi1>
      %jit3A_582 = arith.constant 1.000000e+00 : f32
      %jit3A_583 = arith.constant 0.000000e+00 : f32
      %broadcast_in_dim3A_584 = vector.broadcast %jit3A_582 : f32 to vector<16xf32>
      %broadcast_in_dim3A_585 = vector.broadcast %jit3A_583 : f32 to vector<16xf32>
      %select_n3A_586 = arith.select %and3A_581, %broadcast_in_dim3A_584, %broadcast_in_dim3A_585 : vector<16xi1>, vector<16xf32>
      %add3A_587 = arith.addf %while3A_485, %select_n3A_586 : vector<16xf32>
      %mul3A_588 = arith.mulf %get3A_189, %broadcast_in_dim3A_501 : vector<16xf32>
      %mul3A_589 = arith.mulf %get3A_229, %broadcast_in_dim3A_507 : vector<16xf32>
      %add3A_590 = arith.addf %mul3A_588, %mul3A_589 : vector<16xf32>
      %mul3A_591 = arith.mulf %get3A_269, %broadcast_in_dim3A_513 : vector<16xf32>
      %add3A_592 = arith.addf %add3A_590, %mul3A_591 : vector<16xf32>
      %add3A_593 = arith.addf %get3A_309, %broadcast_in_dim3A_519 : vector<16xf32>
      %mul3A_594 = arith.constant 2.000000e+00 : f32
      %mul3A_595 = vector.broadcast %mul3A_594 : f32 to vector<16xf32>
      %mul3A_596 = arith.mulf %mul3A_595, %add3A_592 : vector<16xf32>
      %sub3A_597 = arith.subf %add3A_593, %mul3A_596 : vector<16xf32>
      %lt3A_598 = arith.constant 2.500000e-01 : f32
      %lt3A_599 = vector.broadcast %lt3A_598 : f32 to vector<16xf32>
      %lt3A_600 = arith.cmpf olt, %sub3A_597, %lt3A_599 : vector<16xf32>
      %eq3A_601 = arith.cmpi eq, %get3A_349, %broadcast_in_dim3A_525 : vector<16xi32>
      %and3A_602 = arith.andi %lt3A_600, %eq3A_601 : vector<16xi1>
      %jit3A_603 = arith.constant 1.000000e+00 : f32
      %jit3A_604 = arith.constant 0.000000e+00 : f32
      %broadcast_in_dim3A_605 = vector.broadcast %jit3A_603 : f32 to vector<16xf32>
      %broadcast_in_dim3A_606 = vector.broadcast %jit3A_604 : f32 to vector<16xf32>
      %select_n3A_607 = arith.select %and3A_602, %broadcast_in_dim3A_605, %broadcast_in_dim3A_606 : vector<16xi1>, vector<16xf32>
      %add3A_608 = arith.addf %while3A_486, %select_n3A_607 : vector<16xf32>
      %mul3A_609 = arith.mulf %get3A_194, %broadcast_in_dim3A_501 : vector<16xf32>
      %mul3A_610 = arith.mulf %get3A_234, %broadcast_in_dim3A_507 : vector<16xf32>
      %add3A_611 = arith.addf %mul3A_609, %mul3A_610 : vector<16xf32>
      %mul3A_612 = arith.mulf %get3A_274, %broadcast_in_dim3A_513 : vector<16xf32>
      %add3A_613 = arith.addf %add3A_611, %mul3A_612 : vector<16xf32>
      %add3A_614 = arith.addf %get3A_314, %broadcast_in_dim3A_519 : vector<16xf32>
      %mul3A_615 = arith.constant 2.000000e+00 : f32
      %mul3A_616 = vector.broadcast %mul3A_615 : f32 to vector<16xf32>
      %mul3A_617 = arith.mulf %mul3A_616, %add3A_613 : vector<16xf32>
      %sub3A_618 = arith.subf %add3A_614, %mul3A_617 : vector<16xf32>
      %lt3A_619 = arith.constant 2.500000e-01 : f32
      %lt3A_620 = vector.broadcast %lt3A_619 : f32 to vector<16xf32>
      %lt3A_621 = arith.cmpf olt, %sub3A_618, %lt3A_620 : vector<16xf32>
      %eq3A_622 = arith.cmpi eq, %get3A_354, %broadcast_in_dim3A_525 : vector<16xi32>
      %and3A_623 = arith.andi %lt3A_621, %eq3A_622 : vector<16xi1>
      %jit3A_624 = arith.constant 1.000000e+00 : f32
      %jit3A_625 = arith.constant 0.000000e+00 : f32
      %broadcast_in_dim3A_626 = vector.broadcast %jit3A_624 : f32 to vector<16xf32>
      %broadcast_in_dim3A_627 = vector.broadcast %jit3A_625 : f32 to vector<16xf32>
      %select_n3A_628 = arith.select %and3A_623, %broadcast_in_dim3A_626, %broadcast_in_dim3A_627 : vector<16xi1>, vector<16xf32>
      %add3A_629 = arith.addf %while3A_487, %select_n3A_628 : vector<16xf32>
      %mul3A_630 = arith.mulf %get3A_199, %broadcast_in_dim3A_501 : vector<16xf32>
      %mul3A_631 = arith.mulf %get3A_239, %broadcast_in_dim3A_507 : vector<16xf32>
      %add3A_632 = arith.addf %mul3A_630, %mul3A_631 : vector<16xf32>
      %mul3A_633 = arith.mulf %get3A_279, %broadcast_in_dim3A_513 : vector<16xf32>
      %add3A_634 = arith.addf %add3A_632, %mul3A_633 : vector<16xf32>
      %add3A_635 = arith.addf %get3A_319, %broadcast_in_dim3A_519 : vector<16xf32>
      %mul3A_636 = arith.constant 2.000000e+00 : f32
      %mul3A_637 = vector.broadcast %mul3A_636 : f32 to vector<16xf32>
      %mul3A_638 = arith.mulf %mul3A_637, %add3A_634 : vector<16xf32>
      %sub3A_639 = arith.subf %add3A_635, %mul3A_638 : vector<16xf32>
      %lt3A_640 = arith.constant 2.500000e-01 : f32
      %lt3A_641 = vector.broadcast %lt3A_640 : f32 to vector<16xf32>
      %lt3A_642 = arith.cmpf olt, %sub3A_639, %lt3A_641 : vector<16xf32>
      %eq3A_643 = arith.cmpi eq, %get3A_359, %broadcast_in_dim3A_525 : vector<16xi32>
      %and3A_644 = arith.andi %lt3A_642, %eq3A_643 : vector<16xi1>
      %jit3A_645 = arith.constant 1.000000e+00 : f32
      %jit3A_646 = arith.constant 0.000000e+00 : f32
      %broadcast_in_dim3A_647 = vector.broadcast %jit3A_645 : f32 to vector<16xf32>
      %broadcast_in_dim3A_648 = vector.broadcast %jit3A_646 : f32 to vector<16xf32>
      %select_n3A_649 = arith.select %and3A_644, %broadcast_in_dim3A_647, %broadcast_in_dim3A_648 : vector<16xi1>, vector<16xf32>
      %add3A_650 = arith.addf %while3A_488, %select_n3A_649 : vector<16xf32>
      %mul3A_651 = arith.mulf %get3A_204, %broadcast_in_dim3A_501 : vector<16xf32>
      %mul3A_652 = arith.mulf %get3A_244, %broadcast_in_dim3A_507 : vector<16xf32>
      %add3A_653 = arith.addf %mul3A_651, %mul3A_652 : vector<16xf32>
      %mul3A_654 = arith.mulf %get3A_284, %broadcast_in_dim3A_513 : vector<16xf32>
      %add3A_655 = arith.addf %add3A_653, %mul3A_654 : vector<16xf32>
      %add3A_656 = arith.addf %get3A_324, %broadcast_in_dim3A_519 : vector<16xf32>
      %mul3A_657 = arith.constant 2.000000e+00 : f32
      %mul3A_658 = vector.broadcast %mul3A_657 : f32 to vector<16xf32>
      %mul3A_659 = arith.mulf %mul3A_658, %add3A_655 : vector<16xf32>
      %sub3A_660 = arith.subf %add3A_656, %mul3A_659 : vector<16xf32>
      %lt3A_661 = arith.constant 2.500000e-01 : f32
      %lt3A_662 = vector.broadcast %lt3A_661 : f32 to vector<16xf32>
      %lt3A_663 = arith.cmpf olt, %sub3A_660, %lt3A_662 : vector<16xf32>
      %eq3A_664 = arith.cmpi eq, %get3A_364, %broadcast_in_dim3A_525 : vector<16xi32>
      %and3A_665 = arith.andi %lt3A_663, %eq3A_664 : vector<16xi1>
      %jit3A_666 = arith.constant 1.000000e+00 : f32
      %jit3A_667 = arith.constant 0.000000e+00 : f32
      %broadcast_in_dim3A_668 = vector.broadcast %jit3A_666 : f32 to vector<16xf32>
      %broadcast_in_dim3A_669 = vector.broadcast %jit3A_667 : f32 to vector<16xf32>
      %select_n3A_670 = arith.select %and3A_665, %broadcast_in_dim3A_668, %broadcast_in_dim3A_669 : vector<16xi1>, vector<16xf32>
      %add3A_671 = arith.addf %while3A_489, %select_n3A_670 : vector<16xf32>
      %mul3A_672 = arith.mulf %get3A_209, %broadcast_in_dim3A_501 : vector<16xf32>
      %mul3A_673 = arith.mulf %get3A_249, %broadcast_in_dim3A_507 : vector<16xf32>
      %add3A_674 = arith.addf %mul3A_672, %mul3A_673 : vector<16xf32>
      %mul3A_675 = arith.mulf %get3A_289, %broadcast_in_dim3A_513 : vector<16xf32>
      %add3A_676 = arith.addf %add3A_674, %mul3A_675 : vector<16xf32>
      %add3A_677 = arith.addf %get3A_329, %broadcast_in_dim3A_519 : vector<16xf32>
      %mul3A_678 = arith.constant 2.000000e+00 : f32
      %mul3A_679 = vector.broadcast %mul3A_678 : f32 to vector<16xf32>
      %mul3A_680 = arith.mulf %mul3A_679, %add3A_676 : vector<16xf32>
      %sub3A_681 = arith.subf %add3A_677, %mul3A_680 : vector<16xf32>
      %lt3A_682 = arith.constant 2.500000e-01 : f32
      %lt3A_683 = vector.broadcast %lt3A_682 : f32 to vector<16xf32>
      %lt3A_684 = arith.cmpf olt, %sub3A_681, %lt3A_683 : vector<16xf32>
      %eq3A_685 = arith.cmpi eq, %get3A_369, %broadcast_in_dim3A_525 : vector<16xi32>
      %and3A_686 = arith.andi %lt3A_684, %eq3A_685 : vector<16xi1>
      %jit3A_687 = arith.constant 1.000000e+00 : f32
      %jit3A_688 = arith.constant 0.000000e+00 : f32
      %broadcast_in_dim3A_689 = vector.broadcast %jit3A_687 : f32 to vector<16xf32>
      %broadcast_in_dim3A_690 = vector.broadcast %jit3A_688 : f32 to vector<16xf32>
      %select_n3A_691 = arith.select %and3A_686, %broadcast_in_dim3A_689, %broadcast_in_dim3A_690 : vector<16xi1>, vector<16xf32>
      %add3A_692 = arith.addf %while3A_490, %select_n3A_691 : vector<16xf32>
      %add3A_693 = arith.constant 1 : i32
      %add3A_694 = arith.addi %add3A_493, %add3A_693 : i32
      %get3A_695 = arith.index_cast %add3A_694 : i32 to index
      %get3A_696 = tpu.vector_load %arg11[%get3A_695] {strides = array<i32>} : memref<4128xf32, #tpu.memory_space<vmem>>, vector<16xf32>,
      %get3A_697 = vector.shape_cast %get3A_696 : vector<16xf32> to vector<16xf32>
      %slice3A_698 = vector.extract_strided_slice %get3A_697 {offsets = [0], sizes = [1], strides = [1]} : vector<16xf32> to vector<1xf32>
      %squeeze3A_699 = vector.extract %slice3A_698[0] : f32 from vector<1xf32>
      %broadcast_in_dim3A_700 = vector.broadcast %squeeze3A_699 : f32 to vector<16xf32>
      %get3A_701 = arith.index_cast %add3A_694 : i32 to index
      %get3A_702 = tpu.vector_load %arg12[%get3A_701] {strides = array<i32>} : memref<4128xf32, #tpu.memory_space<vmem>>, vector<16xf32>,
      %get3A_703 = vector.shape_cast %get3A_702 : vector<16xf32> to vector<16xf32>
      %slice3A_704 = vector.extract_strided_slice %get3A_703 {offsets = [0], sizes = [1], strides = [1]} : vector<16xf32> to vector<1xf32>
      %squeeze3A_705 = vector.extract %slice3A_704[0] : f32 from vector<1xf32>
      %broadcast_in_dim3A_706 = vector.broadcast %squeeze3A_705 : f32 to vector<16xf32>
      %get3A_707 = arith.index_cast %add3A_694 : i32 to index
      %get3A_708 = tpu.vector_load %arg13[%get3A_707] {strides = array<i32>} : memref<4128xf32, #tpu.memory_space<vmem>>, vector<16xf32>,
      %get3A_709 = vector.shape_cast %get3A_708 : vector<16xf32> to vector<16xf32>
      %slice3A_710 = vector.extract_strided_slice %get3A_709 {offsets = [0], sizes = [1], strides = [1]} : vector<16xf32> to vector<1xf32>
      %squeeze3A_711 = vector.extract %slice3A_710[0] : f32 from vector<1xf32>
      %broadcast_in_dim3A_712 = vector.broadcast %squeeze3A_711 : f32 to vector<16xf32>
      %get3A_713 = arith.index_cast %add3A_694 : i32 to index
      %get3A_714 = tpu.vector_load %arg14[%get3A_713] {strides = array<i32>} : memref<4128xf32, #tpu.memory_space<vmem>>, vector<16xf32>,
      %get3A_715 = vector.shape_cast %get3A_714 : vector<16xf32> to vector<16xf32>
      %slice3A_716 = vector.extract_strided_slice %get3A_715 {offsets = [0], sizes = [1], strides = [1]} : vector<16xf32> to vector<1xf32>
      %squeeze3A_717 = vector.extract %slice3A_716[0] : f32 from vector<1xf32>
      %broadcast_in_dim3A_718 = vector.broadcast %squeeze3A_717 : f32 to vector<16xf32>
      %get3A_719 = arith.index_cast %add3A_694 : i32 to index
      %get3A_720 = tpu.vector_load %arg15[%get3A_719] {strides = array<i32>} : memref<4128xi32, #tpu.memory_space<vmem>>, vector<16xi32>,
      %get3A_721 = vector.shape_cast %get3A_720 : vector<16xi32> to vector<16xi32>
      %slice3A_722 = vector.extract_strided_slice %get3A_721 {offsets = [0], sizes = [1], strides = [1]} : vector<16xi32> to vector<1xi32>
      %squeeze3A_723 = vector.extract %slice3A_722[0] : i32 from vector<1xi32>
      %broadcast_in_dim3A_724 = vector.broadcast %squeeze3A_723 : i32 to vector<16xi32>
      %mul3A_725 = arith.mulf %get3A_174, %broadcast_in_dim3A_700 : vector<16xf32>
      %mul3A_726 = arith.mulf %get3A_214, %broadcast_in_dim3A_706 : vector<16xf32>
      %add3A_727 = arith.addf %mul3A_725, %mul3A_726 : vector<16xf32>
      %mul3A_728 = arith.mulf %get3A_254, %broadcast_in_dim3A_712 : vector<16xf32>
      %add3A_729 = arith.addf %add3A_727, %mul3A_728 : vector<16xf32>
      %add3A_730 = arith.addf %get3A_294, %broadcast_in_dim3A_718 : vector<16xf32>
      %mul3A_731 = arith.constant 2.000000e+00 : f32
      %mul3A_732 = vector.broadcast %mul3A_731 : f32 to vector<16xf32>
      %mul3A_733 = arith.mulf %mul3A_732, %add3A_729 : vector<16xf32>
      %sub3A_734 = arith.subf %add3A_730, %mul3A_733 : vector<16xf32>
      %lt3A_735 = arith.constant 2.500000e-01 : f32
      %lt3A_736 = vector.broadcast %lt3A_735 : f32 to vector<16xf32>
      %lt3A_737 = arith.cmpf olt, %sub3A_734, %lt3A_736 : vector<16xf32>
      %eq3A_738 = arith.cmpi eq, %get3A_334, %broadcast_in_dim3A_724 : vector<16xi32>
      %and3A_739 = arith.andi %lt3A_737, %eq3A_738 : vector<16xi1>
      %jit3A_740 = arith.constant 1.000000e+00 : f32
      %jit3A_741 = arith.constant 0.000000e+00 : f32
      %broadcast_in_dim3A_742 = vector.broadcast %jit3A_740 : f32 to vector<16xf32>
      %broadcast_in_dim3A_743 = vector.broadcast %jit3A_741 : f32 to vector<16xf32>
      %select_n3A_744 = arith.select %and3A_739, %broadcast_in_dim3A_742, %broadcast_in_dim3A_743 : vector<16xi1>, vector<16xf32>
      %add3A_745 = arith.addf %add3A_545, %select_n3A_744 : vector<16xf32>
      %mul3A_746 = arith.mulf %get3A_179, %broadcast_in_dim3A_700 : vector<16xf32>
      %mul3A_747 = arith.mulf %get3A_219, %broadcast_in_dim3A_706 : vector<16xf32>
      %add3A_748 = arith.addf %mul3A_746, %mul3A_747 : vector<16xf32>
      %mul3A_749 = arith.mulf %get3A_259, %broadcast_in_dim3A_712 : vector<16xf32>
      %add3A_750 = arith.addf %add3A_748, %mul3A_749 : vector<16xf32>
      %add3A_751 = arith.addf %get3A_299, %broadcast_in_dim3A_718 : vector<16xf32>
      %mul3A_752 = arith.constant 2.000000e+00 : f32
      %mul3A_753 = vector.broadcast %mul3A_752 : f32 to vector<16xf32>
      %mul3A_754 = arith.mulf %mul3A_753, %add3A_750 : vector<16xf32>
      %sub3A_755 = arith.subf %add3A_751, %mul3A_754 : vector<16xf32>
      %lt3A_756 = arith.constant 2.500000e-01 : f32
      %lt3A_757 = vector.broadcast %lt3A_756 : f32 to vector<16xf32>
      %lt3A_758 = arith.cmpf olt, %sub3A_755, %lt3A_757 : vector<16xf32>
      %eq3A_759 = arith.cmpi eq, %get3A_339, %broadcast_in_dim3A_724 : vector<16xi32>
      %and3A_760 = arith.andi %lt3A_758, %eq3A_759 : vector<16xi1>
      %jit3A_761 = arith.constant 1.000000e+00 : f32
      %jit3A_762 = arith.constant 0.000000e+00 : f32
      %broadcast_in_dim3A_763 = vector.broadcast %jit3A_761 : f32 to vector<16xf32>
      %broadcast_in_dim3A_764 = vector.broadcast %jit3A_762 : f32 to vector<16xf32>
      %select_n3A_765 = arith.select %and3A_760, %broadcast_in_dim3A_763, %broadcast_in_dim3A_764 : vector<16xi1>, vector<16xf32>
      %add3A_766 = arith.addf %add3A_566, %select_n3A_765 : vector<16xf32>
      %mul3A_767 = arith.mulf %get3A_184, %broadcast_in_dim3A_700 : vector<16xf32>
      %mul3A_768 = arith.mulf %get3A_224, %broadcast_in_dim3A_706 : vector<16xf32>
      %add3A_769 = arith.addf %mul3A_767, %mul3A_768 : vector<16xf32>
      %mul3A_770 = arith.mulf %get3A_264, %broadcast_in_dim3A_712 : vector<16xf32>
      %add3A_771 = arith.addf %add3A_769, %mul3A_770 : vector<16xf32>
      %add3A_772 = arith.addf %get3A_304, %broadcast_in_dim3A_718 : vector<16xf32>
      %mul3A_773 = arith.constant 2.000000e+00 : f32
      %mul3A_774 = vector.broadcast %mul3A_773 : f32 to vector<16xf32>
      %mul3A_775 = arith.mulf %mul3A_774, %add3A_771 : vector<16xf32>
      %sub3A_776 = arith.subf %add3A_772, %mul3A_775 : vector<16xf32>
      %lt3A_777 = arith.constant 2.500000e-01 : f32
      %lt3A_778 = vector.broadcast %lt3A_777 : f32 to vector<16xf32>
      %lt3A_779 = arith.cmpf olt, %sub3A_776, %lt3A_778 : vector<16xf32>
      %eq3A_780 = arith.cmpi eq, %get3A_344, %broadcast_in_dim3A_724 : vector<16xi32>
      %and3A_781 = arith.andi %lt3A_779, %eq3A_780 : vector<16xi1>
      %jit3A_782 = arith.constant 1.000000e+00 : f32
      %jit3A_783 = arith.constant 0.000000e+00 : f32
      %broadcast_in_dim3A_784 = vector.broadcast %jit3A_782 : f32 to vector<16xf32>
      %broadcast_in_dim3A_785 = vector.broadcast %jit3A_783 : f32 to vector<16xf32>
      %select_n3A_786 = arith.select %and3A_781, %broadcast_in_dim3A_784, %broadcast_in_dim3A_785 : vector<16xi1>, vector<16xf32>
      %add3A_787 = arith.addf %add3A_587, %select_n3A_786 : vector<16xf32>
      %mul3A_788 = arith.mulf %get3A_189, %broadcast_in_dim3A_700 : vector<16xf32>
      %mul3A_789 = arith.mulf %get3A_229, %broadcast_in_dim3A_706 : vector<16xf32>
      %add3A_790 = arith.addf %mul3A_788, %mul3A_789 : vector<16xf32>
      %mul3A_791 = arith.mulf %get3A_269, %broadcast_in_dim3A_712 : vector<16xf32>
      %add3A_792 = arith.addf %add3A_790, %mul3A_791 : vector<16xf32>
      %add3A_793 = arith.addf %get3A_309, %broadcast_in_dim3A_718 : vector<16xf32>
      %mul3A_794 = arith.constant 2.000000e+00 : f32
      %mul3A_795 = vector.broadcast %mul3A_794 : f32 to vector<16xf32>
      %mul3A_796 = arith.mulf %mul3A_795, %add3A_792 : vector<16xf32>
      %sub3A_797 = arith.subf %add3A_793, %mul3A_796 : vector<16xf32>
      %lt3A_798 = arith.constant 2.500000e-01 : f32
      %lt3A_799 = vector.broadcast %lt3A_798 : f32 to vector<16xf32>
      %lt3A_800 = arith.cmpf olt, %sub3A_797, %lt3A_799 : vector<16xf32>
      %eq3A_801 = arith.cmpi eq, %get3A_349, %broadcast_in_dim3A_724 : vector<16xi32>
      %and3A_802 = arith.andi %lt3A_800, %eq3A_801 : vector<16xi1>
      %jit3A_803 = arith.constant 1.000000e+00 : f32
      %jit3A_804 = arith.constant 0.000000e+00 : f32
      %broadcast_in_dim3A_805 = vector.broadcast %jit3A_803 : f32 to vector<16xf32>
      %broadcast_in_dim3A_806 = vector.broadcast %jit3A_804 : f32 to vector<16xf32>
      %select_n3A_807 = arith.select %and3A_802, %broadcast_in_dim3A_805, %broadcast_in_dim3A_806 : vector<16xi1>, vector<16xf32>
      %add3A_808 = arith.addf %add3A_608, %select_n3A_807 : vector<16xf32>
      %mul3A_809 = arith.mulf %get3A_194, %broadcast_in_dim3A_700 : vector<16xf32>
      %mul3A_810 = arith.mulf %get3A_234, %broadcast_in_dim3A_706 : vector<16xf32>
      %add3A_811 = arith.addf %mul3A_809, %mul3A_810 : vector<16xf32>
      %mul3A_812 = arith.mulf %get3A_274, %broadcast_in_dim3A_712 : vector<16xf32>
      %add3A_813 = arith.addf %add3A_811, %mul3A_812 : vector<16xf32>
      %add3A_814 = arith.addf %get3A_314, %broadcast_in_dim3A_718 : vector<16xf32>
      %mul3A_815 = arith.constant 2.000000e+00 : f32
      %mul3A_816 = vector.broadcast %mul3A_815 : f32 to vector<16xf32>
      %mul3A_817 = arith.mulf %mul3A_816, %add3A_813 : vector<16xf32>
      %sub3A_818 = arith.subf %add3A_814, %mul3A_817 : vector<16xf32>
      %lt3A_819 = arith.constant 2.500000e-01 : f32
      %lt3A_820 = vector.broadcast %lt3A_819 : f32 to vector<16xf32>
      %lt3A_821 = arith.cmpf olt, %sub3A_818, %lt3A_820 : vector<16xf32>
      %eq3A_822 = arith.cmpi eq, %get3A_354, %broadcast_in_dim3A_724 : vector<16xi32>
      %and3A_823 = arith.andi %lt3A_821, %eq3A_822 : vector<16xi1>
      %jit3A_824 = arith.constant 1.000000e+00 : f32
      %jit3A_825 = arith.constant 0.000000e+00 : f32
      %broadcast_in_dim3A_826 = vector.broadcast %jit3A_824 : f32 to vector<16xf32>
      %broadcast_in_dim3A_827 = vector.broadcast %jit3A_825 : f32 to vector<16xf32>
      %select_n3A_828 = arith.select %and3A_823, %broadcast_in_dim3A_826, %broadcast_in_dim3A_827 : vector<16xi1>, vector<16xf32>
      %add3A_829 = arith.addf %add3A_629, %select_n3A_828 : vector<16xf32>
      %mul3A_830 = arith.mulf %get3A_199, %broadcast_in_dim3A_700 : vector<16xf32>
      %mul3A_831 = arith.mulf %get3A_239, %broadcast_in_dim3A_706 : vector<16xf32>
      %add3A_832 = arith.addf %mul3A_830, %mul3A_831 : vector<16xf32>
      %mul3A_833 = arith.mulf %get3A_279, %broadcast_in_dim3A_712 : vector<16xf32>
      %add3A_834 = arith.addf %add3A_832, %mul3A_833 : vector<16xf32>
      %add3A_835 = arith.addf %get3A_319, %broadcast_in_dim3A_718 : vector<16xf32>
      %mul3A_836 = arith.constant 2.000000e+00 : f32
      %mul3A_837 = vector.broadcast %mul3A_836 : f32 to vector<16xf32>
      %mul3A_838 = arith.mulf %mul3A_837, %add3A_834 : vector<16xf32>
      %sub3A_839 = arith.subf %add3A_835, %mul3A_838 : vector<16xf32>
      %lt3A_840 = arith.constant 2.500000e-01 : f32
      %lt3A_841 = vector.broadcast %lt3A_840 : f32 to vector<16xf32>
      %lt3A_842 = arith.cmpf olt, %sub3A_839, %lt3A_841 : vector<16xf32>
      %eq3A_843 = arith.cmpi eq, %get3A_359, %broadcast_in_dim3A_724 : vector<16xi32>
      %and3A_844 = arith.andi %lt3A_842, %eq3A_843 : vector<16xi1>
      %jit3A_845 = arith.constant 1.000000e+00 : f32
      %jit3A_846 = arith.constant 0.000000e+00 : f32
      %broadcast_in_dim3A_847 = vector.broadcast %jit3A_845 : f32 to vector<16xf32>
      %broadcast_in_dim3A_848 = vector.broadcast %jit3A_846 : f32 to vector<16xf32>
      %select_n3A_849 = arith.select %and3A_844, %broadcast_in_dim3A_847, %broadcast_in_dim3A_848 : vector<16xi1>, vector<16xf32>
      %add3A_850 = arith.addf %add3A_650, %select_n3A_849 : vector<16xf32>
      %mul3A_851 = arith.mulf %get3A_204, %broadcast_in_dim3A_700 : vector<16xf32>
      %mul3A_852 = arith.mulf %get3A_244, %broadcast_in_dim3A_706 : vector<16xf32>
      %add3A_853 = arith.addf %mul3A_851, %mul3A_852 : vector<16xf32>
      %mul3A_854 = arith.mulf %get3A_284, %broadcast_in_dim3A_712 : vector<16xf32>
      %add3A_855 = arith.addf %add3A_853, %mul3A_854 : vector<16xf32>
      %add3A_856 = arith.addf %get3A_324, %broadcast_in_dim3A_718 : vector<16xf32>
      %mul3A_857 = arith.constant 2.000000e+00 : f32
      %mul3A_858 = vector.broadcast %mul3A_857 : f32 to vector<16xf32>
      %mul3A_859 = arith.mulf %mul3A_858, %add3A_855 : vector<16xf32>
      %sub3A_860 = arith.subf %add3A_856, %mul3A_859 : vector<16xf32>
      %lt3A_861 = arith.constant 2.500000e-01 : f32
      %lt3A_862 = vector.broadcast %lt3A_861 : f32 to vector<16xf32>
      %lt3A_863 = arith.cmpf olt, %sub3A_860, %lt3A_862 : vector<16xf32>
      %eq3A_864 = arith.cmpi eq, %get3A_364, %broadcast_in_dim3A_724 : vector<16xi32>
      %and3A_865 = arith.andi %lt3A_863, %eq3A_864 : vector<16xi1>
      %jit3A_866 = arith.constant 1.000000e+00 : f32
      %jit3A_867 = arith.constant 0.000000e+00 : f32
      %broadcast_in_dim3A_868 = vector.broadcast %jit3A_866 : f32 to vector<16xf32>
      %broadcast_in_dim3A_869 = vector.broadcast %jit3A_867 : f32 to vector<16xf32>
      %select_n3A_870 = arith.select %and3A_865, %broadcast_in_dim3A_868, %broadcast_in_dim3A_869 : vector<16xi1>, vector<16xf32>
      %add3A_871 = arith.addf %add3A_671, %select_n3A_870 : vector<16xf32>
      %mul3A_872 = arith.mulf %get3A_209, %broadcast_in_dim3A_700 : vector<16xf32>
      %mul3A_873 = arith.mulf %get3A_249, %broadcast_in_dim3A_706 : vector<16xf32>
      %add3A_874 = arith.addf %mul3A_872, %mul3A_873 : vector<16xf32>
      %mul3A_875 = arith.mulf %get3A_289, %broadcast_in_dim3A_712 : vector<16xf32>
      %add3A_876 = arith.addf %add3A_874, %mul3A_875 : vector<16xf32>
      %add3A_877 = arith.addf %get3A_329, %broadcast_in_dim3A_718 : vector<16xf32>
      %mul3A_878 = arith.constant 2.000000e+00 : f32
      %mul3A_879 = vector.broadcast %mul3A_878 : f32 to vector<16xf32>
      %mul3A_880 = arith.mulf %mul3A_879, %add3A_876 : vector<16xf32>
      %sub3A_881 = arith.subf %add3A_877, %mul3A_880 : vector<16xf32>
      %lt3A_882 = arith.constant 2.500000e-01 : f32
      %lt3A_883 = vector.broadcast %lt3A_882 : f32 to vector<16xf32>
      %lt3A_884 = arith.cmpf olt, %sub3A_881, %lt3A_883 : vector<16xf32>
      %eq3A_885 = arith.cmpi eq, %get3A_369, %broadcast_in_dim3A_724 : vector<16xi32>
      %and3A_886 = arith.andi %lt3A_884, %eq3A_885 : vector<16xi1>
      %jit3A_887 = arith.constant 1.000000e+00 : f32
      %jit3A_888 = arith.constant 0.000000e+00 : f32
      %broadcast_in_dim3A_889 = vector.broadcast %jit3A_887 : f32 to vector<16xf32>
      %broadcast_in_dim3A_890 = vector.broadcast %jit3A_888 : f32 to vector<16xf32>
      %select_n3A_891 = arith.select %and3A_886, %broadcast_in_dim3A_889, %broadcast_in_dim3A_890 : vector<16xi1>, vector<16xf32>
      %add3A_892 = arith.addf %add3A_692, %select_n3A_891 : vector<16xf32>
      %add3A_893 = arith.constant 2 : i32
      %add3A_894 = arith.addi %add3A_493, %add3A_893 : i32
      %get3A_895 = arith.index_cast %add3A_894 : i32 to index
      %get3A_896 = tpu.vector_load %arg11[%get3A_895] {strides = array<i32>} : memref<4128xf32, #tpu.memory_space<vmem>>, vector<16xf32>,
      %get3A_897 = vector.shape_cast %get3A_896 : vector<16xf32> to vector<16xf32>
      %slice3A_898 = vector.extract_strided_slice %get3A_897 {offsets = [0], sizes = [1], strides = [1]} : vector<16xf32> to vector<1xf32>
      %squeeze3A_899 = vector.extract %slice3A_898[0] : f32 from vector<1xf32>
      %broadcast_in_dim3A_900 = vector.broadcast %squeeze3A_899 : f32 to vector<16xf32>
      %get3A_901 = arith.index_cast %add3A_894 : i32 to index
      %get3A_902 = tpu.vector_load %arg12[%get3A_901] {strides = array<i32>} : memref<4128xf32, #tpu.memory_space<vmem>>, vector<16xf32>,
      %get3A_903 = vector.shape_cast %get3A_902 : vector<16xf32> to vector<16xf32>
      %slice3A_904 = vector.extract_strided_slice %get3A_903 {offsets = [0], sizes = [1], strides = [1]} : vector<16xf32> to vector<1xf32>
      %squeeze3A_905 = vector.extract %slice3A_904[0] : f32 from vector<1xf32>
      %broadcast_in_dim3A_906 = vector.broadcast %squeeze3A_905 : f32 to vector<16xf32>
      %get3A_907 = arith.index_cast %add3A_894 : i32 to index
      %get3A_908 = tpu.vector_load %arg13[%get3A_907] {strides = array<i32>} : memref<4128xf32, #tpu.memory_space<vmem>>, vector<16xf32>,
      %get3A_909 = vector.shape_cast %get3A_908 : vector<16xf32> to vector<16xf32>
      %slice3A_910 = vector.extract_strided_slice %get3A_909 {offsets = [0], sizes = [1], strides = [1]} : vector<16xf32> to vector<1xf32>
      %squeeze3A_911 = vector.extract %slice3A_910[0] : f32 from vector<1xf32>
      %broadcast_in_dim3A_912 = vector.broadcast %squeeze3A_911 : f32 to vector<16xf32>
      %get3A_913 = arith.index_cast %add3A_894 : i32 to index
      %get3A_914 = tpu.vector_load %arg14[%get3A_913] {strides = array<i32>} : memref<4128xf32, #tpu.memory_space<vmem>>, vector<16xf32>,
      %get3A_915 = vector.shape_cast %get3A_914 : vector<16xf32> to vector<16xf32>
      %slice3A_916 = vector.extract_strided_slice %get3A_915 {offsets = [0], sizes = [1], strides = [1]} : vector<16xf32> to vector<1xf32>
      %squeeze3A_917 = vector.extract %slice3A_916[0] : f32 from vector<1xf32>
      %broadcast_in_dim3A_918 = vector.broadcast %squeeze3A_917 : f32 to vector<16xf32>
      %get3A_919 = arith.index_cast %add3A_894 : i32 to index
      %get3A_920 = tpu.vector_load %arg15[%get3A_919] {strides = array<i32>} : memref<4128xi32, #tpu.memory_space<vmem>>, vector<16xi32>,
      %get3A_921 = vector.shape_cast %get3A_920 : vector<16xi32> to vector<16xi32>
      %slice3A_922 = vector.extract_strided_slice %get3A_921 {offsets = [0], sizes = [1], strides = [1]} : vector<16xi32> to vector<1xi32>
      %squeeze3A_923 = vector.extract %slice3A_922[0] : i32 from vector<1xi32>
      %broadcast_in_dim3A_924 = vector.broadcast %squeeze3A_923 : i32 to vector<16xi32>
      %mul3A_925 = arith.mulf %get3A_174, %broadcast_in_dim3A_900 : vector<16xf32>
      %mul3A_926 = arith.mulf %get3A_214, %broadcast_in_dim3A_906 : vector<16xf32>
      %add3A_927 = arith.addf %mul3A_925, %mul3A_926 : vector<16xf32>
      %mul3A_928 = arith.mulf %get3A_254, %broadcast_in_dim3A_912 : vector<16xf32>
      %add3A_929 = arith.addf %add3A_927, %mul3A_928 : vector<16xf32>
      %add3A_930 = arith.addf %get3A_294, %broadcast_in_dim3A_918 : vector<16xf32>
      %mul3A_931 = arith.constant 2.000000e+00 : f32
      %mul3A_932 = vector.broadcast %mul3A_931 : f32 to vector<16xf32>
      %mul3A_933 = arith.mulf %mul3A_932, %add3A_929 : vector<16xf32>
      %sub3A_934 = arith.subf %add3A_930, %mul3A_933 : vector<16xf32>
      %lt3A_935 = arith.constant 2.500000e-01 : f32
      %lt3A_936 = vector.broadcast %lt3A_935 : f32 to vector<16xf32>
      %lt3A_937 = arith.cmpf olt, %sub3A_934, %lt3A_936 : vector<16xf32>
      %eq3A_938 = arith.cmpi eq, %get3A_334, %broadcast_in_dim3A_924 : vector<16xi32>
      %and3A_939 = arith.andi %lt3A_937, %eq3A_938 : vector<16xi1>
      %jit3A_940 = arith.constant 1.000000e+00 : f32
      %jit3A_941 = arith.constant 0.000000e+00 : f32
      %broadcast_in_dim3A_942 = vector.broadcast %jit3A_940 : f32 to vector<16xf32>
      %broadcast_in_dim3A_943 = vector.broadcast %jit3A_941 : f32 to vector<16xf32>
      %select_n3A_944 = arith.select %and3A_939, %broadcast_in_dim3A_942, %broadcast_in_dim3A_943 : vector<16xi1>, vector<16xf32>
      %add3A_945 = arith.addf %add3A_745, %select_n3A_944 : vector<16xf32>
      %mul3A_946 = arith.mulf %get3A_179, %broadcast_in_dim3A_900 : vector<16xf32>
      %mul3A_947 = arith.mulf %get3A_219, %broadcast_in_dim3A_906 : vector<16xf32>
      %add3A_948 = arith.addf %mul3A_946, %mul3A_947 : vector<16xf32>
      %mul3A_949 = arith.mulf %get3A_259, %broadcast_in_dim3A_912 : vector<16xf32>
      %add3A_950 = arith.addf %add3A_948, %mul3A_949 : vector<16xf32>
      %add3A_951 = arith.addf %get3A_299, %broadcast_in_dim3A_918 : vector<16xf32>
      %mul3A_952 = arith.constant 2.000000e+00 : f32
      %mul3A_953 = vector.broadcast %mul3A_952 : f32 to vector<16xf32>
      %mul3A_954 = arith.mulf %mul3A_953, %add3A_950 : vector<16xf32>
      %sub3A_955 = arith.subf %add3A_951, %mul3A_954 : vector<16xf32>
      %lt3A_956 = arith.constant 2.500000e-01 : f32
      %lt3A_957 = vector.broadcast %lt3A_956 : f32 to vector<16xf32>
      %lt3A_958 = arith.cmpf olt, %sub3A_955, %lt3A_957 : vector<16xf32>
      %eq3A_959 = arith.cmpi eq, %get3A_339, %broadcast_in_dim3A_924 : vector<16xi32>
      %and3A_960 = arith.andi %lt3A_958, %eq3A_959 : vector<16xi1>
      %jit3A_961 = arith.constant 1.000000e+00 : f32
      %jit3A_962 = arith.constant 0.000000e+00 : f32
      %broadcast_in_dim3A_963 = vector.broadcast %jit3A_961 : f32 to vector<16xf32>
      %broadcast_in_dim3A_964 = vector.broadcast %jit3A_962 : f32 to vector<16xf32>
      %select_n3A_965 = arith.select %and3A_960, %broadcast_in_dim3A_963, %broadcast_in_dim3A_964 : vector<16xi1>, vector<16xf32>
      %add3A_966 = arith.addf %add3A_766, %select_n3A_965 : vector<16xf32>
      %mul3A_967 = arith.mulf %get3A_184, %broadcast_in_dim3A_900 : vector<16xf32>
      %mul3A_968 = arith.mulf %get3A_224, %broadcast_in_dim3A_906 : vector<16xf32>
      %add3A_969 = arith.addf %mul3A_967, %mul3A_968 : vector<16xf32>
      %mul3A_970 = arith.mulf %get3A_264, %broadcast_in_dim3A_912 : vector<16xf32>
      %add3A_971 = arith.addf %add3A_969, %mul3A_970 : vector<16xf32>
      %add3A_972 = arith.addf %get3A_304, %broadcast_in_dim3A_918 : vector<16xf32>
      %mul3A_973 = arith.constant 2.000000e+00 : f32
      %mul3A_974 = vector.broadcast %mul3A_973 : f32 to vector<16xf32>
      %mul3A_975 = arith.mulf %mul3A_974, %add3A_971 : vector<16xf32>
      %sub3A_976 = arith.subf %add3A_972, %mul3A_975 : vector<16xf32>
      %lt3A_977 = arith.constant 2.500000e-01 : f32
      %lt3A_978 = vector.broadcast %lt3A_977 : f32 to vector<16xf32>
      %lt3A_979 = arith.cmpf olt, %sub3A_976, %lt3A_978 : vector<16xf32>
      %eq3A_980 = arith.cmpi eq, %get3A_344, %broadcast_in_dim3A_924 : vector<16xi32>
      %and3A_981 = arith.andi %lt3A_979, %eq3A_980 : vector<16xi1>
      %jit3A_982 = arith.constant 1.000000e+00 : f32
      %jit3A_983 = arith.constant 0.000000e+00 : f32
      %broadcast_in_dim3A_984 = vector.broadcast %jit3A_982 : f32 to vector<16xf32>
      %broadcast_in_dim3A_985 = vector.broadcast %jit3A_983 : f32 to vector<16xf32>
      %select_n3A_986 = arith.select %and3A_981, %broadcast_in_dim3A_984, %broadcast_in_dim3A_985 : vector<16xi1>, vector<16xf32>
      %add3A_987 = arith.addf %add3A_787, %select_n3A_986 : vector<16xf32>
      %mul3A_988 = arith.mulf %get3A_189, %broadcast_in_dim3A_900 : vector<16xf32>
      %mul3A_989 = arith.mulf %get3A_229, %broadcast_in_dim3A_906 : vector<16xf32>
      %add3A_990 = arith.addf %mul3A_988, %mul3A_989 : vector<16xf32>
      %mul3A_991 = arith.mulf %get3A_269, %broadcast_in_dim3A_912 : vector<16xf32>
      %add3A_992 = arith.addf %add3A_990, %mul3A_991 : vector<16xf32>
      %add3A_993 = arith.addf %get3A_309, %broadcast_in_dim3A_918 : vector<16xf32>
      %mul3A_994 = arith.constant 2.000000e+00 : f32
      %mul3A_995 = vector.broadcast %mul3A_994 : f32 to vector<16xf32>
      %mul3A_996 = arith.mulf %mul3A_995, %add3A_992 : vector<16xf32>
      %sub3A_997 = arith.subf %add3A_993, %mul3A_996 : vector<16xf32>
      %lt3A_998 = arith.constant 2.500000e-01 : f32
      %lt3A_999 = vector.broadcast %lt3A_998 : f32 to vector<16xf32>
      %lt3A_1000 = arith.cmpf olt, %sub3A_997, %lt3A_999 : vector<16xf32>
      %eq3A_1001 = arith.cmpi eq, %get3A_349, %broadcast_in_dim3A_924 : vector<16xi32>
      %and3A_1002 = arith.andi %lt3A_1000, %eq3A_1001 : vector<16xi1>
      %jit3A_1003 = arith.constant 1.000000e+00 : f32
      %jit3A_1004 = arith.constant 0.000000e+00 : f32
      %broadcast_in_dim3A_1005 = vector.broadcast %jit3A_1003 : f32 to vector<16xf32>
      %broadcast_in_dim3A_1006 = vector.broadcast %jit3A_1004 : f32 to vector<16xf32>
      %select_n3A_1007 = arith.select %and3A_1002, %broadcast_in_dim3A_1005, %broadcast_in_dim3A_1006 : vector<16xi1>, vector<16xf32>
      %add3A_1008 = arith.addf %add3A_808, %select_n3A_1007 : vector<16xf32>
      %mul3A_1009 = arith.mulf %get3A_194, %broadcast_in_dim3A_900 : vector<16xf32>
      %mul3A_1010 = arith.mulf %get3A_234, %broadcast_in_dim3A_906 : vector<16xf32>
      %add3A_1011 = arith.addf %mul3A_1009, %mul3A_1010 : vector<16xf32>
      %mul3A_1012 = arith.mulf %get3A_274, %broadcast_in_dim3A_912 : vector<16xf32>
      %add3A_1013 = arith.addf %add3A_1011, %mul3A_1012 : vector<16xf32>
      %add3A_1014 = arith.addf %get3A_314, %broadcast_in_dim3A_918 : vector<16xf32>
      %mul3A_1015 = arith.constant 2.000000e+00 : f32
      %mul3A_1016 = vector.broadcast %mul3A_1015 : f32 to vector<16xf32>
      %mul3A_1017 = arith.mulf %mul3A_1016, %add3A_1013 : vector<16xf32>
      %sub3A_1018 = arith.subf %add3A_1014, %mul3A_1017 : vector<16xf32>
      %lt3A_1019 = arith.constant 2.500000e-01 : f32
      %lt3A_1020 = vector.broadcast %lt3A_1019 : f32 to vector<16xf32>
      %lt3A_1021 = arith.cmpf olt, %sub3A_1018, %lt3A_1020 : vector<16xf32>
      %eq3A_1022 = arith.cmpi eq, %get3A_354, %broadcast_in_dim3A_924 : vector<16xi32>
      %and3A_1023 = arith.andi %lt3A_1021, %eq3A_1022 : vector<16xi1>
      %jit3A_1024 = arith.constant 1.000000e+00 : f32
      %jit3A_1025 = arith.constant 0.000000e+00 : f32
      %broadcast_in_dim3A_1026 = vector.broadcast %jit3A_1024 : f32 to vector<16xf32>
      %broadcast_in_dim3A_1027 = vector.broadcast %jit3A_1025 : f32 to vector<16xf32>
      %select_n3A_1028 = arith.select %and3A_1023, %broadcast_in_dim3A_1026, %broadcast_in_dim3A_1027 : vector<16xi1>, vector<16xf32>
      %add3A_1029 = arith.addf %add3A_829, %select_n3A_1028 : vector<16xf32>
      %mul3A_1030 = arith.mulf %get3A_199, %broadcast_in_dim3A_900 : vector<16xf32>
      %mul3A_1031 = arith.mulf %get3A_239, %broadcast_in_dim3A_906 : vector<16xf32>
      %add3A_1032 = arith.addf %mul3A_1030, %mul3A_1031 : vector<16xf32>
      %mul3A_1033 = arith.mulf %get3A_279, %broadcast_in_dim3A_912 : vector<16xf32>
      %add3A_1034 = arith.addf %add3A_1032, %mul3A_1033 : vector<16xf32>
      %add3A_1035 = arith.addf %get3A_319, %broadcast_in_dim3A_918 : vector<16xf32>
      %mul3A_1036 = arith.constant 2.000000e+00 : f32
      %mul3A_1037 = vector.broadcast %mul3A_1036 : f32 to vector<16xf32>
      %mul3A_1038 = arith.mulf %mul3A_1037, %add3A_1034 : vector<16xf32>
      %sub3A_1039 = arith.subf %add3A_1035, %mul3A_1038 : vector<16xf32>
      %lt3A_1040 = arith.constant 2.500000e-01 : f32
      %lt3A_1041 = vector.broadcast %lt3A_1040 : f32 to vector<16xf32>
      %lt3A_1042 = arith.cmpf olt, %sub3A_1039, %lt3A_1041 : vector<16xf32>
      %eq3A_1043 = arith.cmpi eq, %get3A_359, %broadcast_in_dim3A_924 : vector<16xi32>
      %and3A_1044 = arith.andi %lt3A_1042, %eq3A_1043 : vector<16xi1>
      %jit3A_1045 = arith.constant 1.000000e+00 : f32
      %jit3A_1046 = arith.constant 0.000000e+00 : f32
      %broadcast_in_dim3A_1047 = vector.broadcast %jit3A_1045 : f32 to vector<16xf32>
      %broadcast_in_dim3A_1048 = vector.broadcast %jit3A_1046 : f32 to vector<16xf32>
      %select_n3A_1049 = arith.select %and3A_1044, %broadcast_in_dim3A_1047, %broadcast_in_dim3A_1048 : vector<16xi1>, vector<16xf32>
      %add3A_1050 = arith.addf %add3A_850, %select_n3A_1049 : vector<16xf32>
      %mul3A_1051 = arith.mulf %get3A_204, %broadcast_in_dim3A_900 : vector<16xf32>
      %mul3A_1052 = arith.mulf %get3A_244, %broadcast_in_dim3A_906 : vector<16xf32>
      %add3A_1053 = arith.addf %mul3A_1051, %mul3A_1052 : vector<16xf32>
      %mul3A_1054 = arith.mulf %get3A_284, %broadcast_in_dim3A_912 : vector<16xf32>
      %add3A_1055 = arith.addf %add3A_1053, %mul3A_1054 : vector<16xf32>
      %add3A_1056 = arith.addf %get3A_324, %broadcast_in_dim3A_918 : vector<16xf32>
      %mul3A_1057 = arith.constant 2.000000e+00 : f32
      %mul3A_1058 = vector.broadcast %mul3A_1057 : f32 to vector<16xf32>
      %mul3A_1059 = arith.mulf %mul3A_1058, %add3A_1055 : vector<16xf32>
      %sub3A_1060 = arith.subf %add3A_1056, %mul3A_1059 : vector<16xf32>
      %lt3A_1061 = arith.constant 2.500000e-01 : f32
      %lt3A_1062 = vector.broadcast %lt3A_1061 : f32 to vector<16xf32>
      %lt3A_1063 = arith.cmpf olt, %sub3A_1060, %lt3A_1062 : vector<16xf32>
      %eq3A_1064 = arith.cmpi eq, %get3A_364, %broadcast_in_dim3A_924 : vector<16xi32>
      %and3A_1065 = arith.andi %lt3A_1063, %eq3A_1064 : vector<16xi1>
      %jit3A_1066 = arith.constant 1.000000e+00 : f32
      %jit3A_1067 = arith.constant 0.000000e+00 : f32
      %broadcast_in_dim3A_1068 = vector.broadcast %jit3A_1066 : f32 to vector<16xf32>
      %broadcast_in_dim3A_1069 = vector.broadcast %jit3A_1067 : f32 to vector<16xf32>
      %select_n3A_1070 = arith.select %and3A_1065, %broadcast_in_dim3A_1068, %broadcast_in_dim3A_1069 : vector<16xi1>, vector<16xf32>
      %add3A_1071 = arith.addf %add3A_871, %select_n3A_1070 : vector<16xf32>
      %mul3A_1072 = arith.mulf %get3A_209, %broadcast_in_dim3A_900 : vector<16xf32>
      %mul3A_1073 = arith.mulf %get3A_249, %broadcast_in_dim3A_906 : vector<16xf32>
      %add3A_1074 = arith.addf %mul3A_1072, %mul3A_1073 : vector<16xf32>
      %mul3A_1075 = arith.mulf %get3A_289, %broadcast_in_dim3A_912 : vector<16xf32>
      %add3A_1076 = arith.addf %add3A_1074, %mul3A_1075 : vector<16xf32>
      %add3A_1077 = arith.addf %get3A_329, %broadcast_in_dim3A_918 : vector<16xf32>
      %mul3A_1078 = arith.constant 2.000000e+00 : f32
      %mul3A_1079 = vector.broadcast %mul3A_1078 : f32 to vector<16xf32>
      %mul3A_1080 = arith.mulf %mul3A_1079, %add3A_1076 : vector<16xf32>
      %sub3A_1081 = arith.subf %add3A_1077, %mul3A_1080 : vector<16xf32>
      %lt3A_1082 = arith.constant 2.500000e-01 : f32
      %lt3A_1083 = vector.broadcast %lt3A_1082 : f32 to vector<16xf32>
      %lt3A_1084 = arith.cmpf olt, %sub3A_1081, %lt3A_1083 : vector<16xf32>
      %eq3A_1085 = arith.cmpi eq, %get3A_369, %broadcast_in_dim3A_924 : vector<16xi32>
      %and3A_1086 = arith.andi %lt3A_1084, %eq3A_1085 : vector<16xi1>
      %jit3A_1087 = arith.constant 1.000000e+00 : f32
      %jit3A_1088 = arith.constant 0.000000e+00 : f32
      %broadcast_in_dim3A_1089 = vector.broadcast %jit3A_1087 : f32 to vector<16xf32>
      %broadcast_in_dim3A_1090 = vector.broadcast %jit3A_1088 : f32 to vector<16xf32>
      %select_n3A_1091 = arith.select %and3A_1086, %broadcast_in_dim3A_1089, %broadcast_in_dim3A_1090 : vector<16xi1>, vector<16xf32>
      %add3A_1092 = arith.addf %add3A_892, %select_n3A_1091 : vector<16xf32>
      %add3A_1093 = arith.constant 3 : i32
      %add3A_1094 = arith.addi %add3A_493, %add3A_1093 : i32
      %get3A_1095 = arith.index_cast %add3A_1094 : i32 to index
      %get3A_1096 = tpu.vector_load %arg11[%get3A_1095] {strides = array<i32>} : memref<4128xf32, #tpu.memory_space<vmem>>, vector<16xf32>,
      %get3A_1097 = vector.shape_cast %get3A_1096 : vector<16xf32> to vector<16xf32>
      %slice3A_1098 = vector.extract_strided_slice %get3A_1097 {offsets = [0], sizes = [1], strides = [1]} : vector<16xf32> to vector<1xf32>
      %squeeze3A_1099 = vector.extract %slice3A_1098[0] : f32 from vector<1xf32>
      %broadcast_in_dim3A_1100 = vector.broadcast %squeeze3A_1099 : f32 to vector<16xf32>
      %get3A_1101 = arith.index_cast %add3A_1094 : i32 to index
      %get3A_1102 = tpu.vector_load %arg12[%get3A_1101] {strides = array<i32>} : memref<4128xf32, #tpu.memory_space<vmem>>, vector<16xf32>,
      %get3A_1103 = vector.shape_cast %get3A_1102 : vector<16xf32> to vector<16xf32>
      %slice3A_1104 = vector.extract_strided_slice %get3A_1103 {offsets = [0], sizes = [1], strides = [1]} : vector<16xf32> to vector<1xf32>
      %squeeze3A_1105 = vector.extract %slice3A_1104[0] : f32 from vector<1xf32>
      %broadcast_in_dim3A_1106 = vector.broadcast %squeeze3A_1105 : f32 to vector<16xf32>
      %get3A_1107 = arith.index_cast %add3A_1094 : i32 to index
      %get3A_1108 = tpu.vector_load %arg13[%get3A_1107] {strides = array<i32>} : memref<4128xf32, #tpu.memory_space<vmem>>, vector<16xf32>,
      %get3A_1109 = vector.shape_cast %get3A_1108 : vector<16xf32> to vector<16xf32>
      %slice3A_1110 = vector.extract_strided_slice %get3A_1109 {offsets = [0], sizes = [1], strides = [1]} : vector<16xf32> to vector<1xf32>
      %squeeze3A_1111 = vector.extract %slice3A_1110[0] : f32 from vector<1xf32>
      %broadcast_in_dim3A_1112 = vector.broadcast %squeeze3A_1111 : f32 to vector<16xf32>
      %get3A_1113 = arith.index_cast %add3A_1094 : i32 to index
      %get3A_1114 = tpu.vector_load %arg14[%get3A_1113] {strides = array<i32>} : memref<4128xf32, #tpu.memory_space<vmem>>, vector<16xf32>,
      %get3A_1115 = vector.shape_cast %get3A_1114 : vector<16xf32> to vector<16xf32>
      %slice3A_1116 = vector.extract_strided_slice %get3A_1115 {offsets = [0], sizes = [1], strides = [1]} : vector<16xf32> to vector<1xf32>
      %squeeze3A_1117 = vector.extract %slice3A_1116[0] : f32 from vector<1xf32>
      %broadcast_in_dim3A_1118 = vector.broadcast %squeeze3A_1117 : f32 to vector<16xf32>
      %get3A_1119 = arith.index_cast %add3A_1094 : i32 to index
      %get3A_1120 = tpu.vector_load %arg15[%get3A_1119] {strides = array<i32>} : memref<4128xi32, #tpu.memory_space<vmem>>, vector<16xi32>,
      %get3A_1121 = vector.shape_cast %get3A_1120 : vector<16xi32> to vector<16xi32>
      %slice3A_1122 = vector.extract_strided_slice %get3A_1121 {offsets = [0], sizes = [1], strides = [1]} : vector<16xi32> to vector<1xi32>
      %squeeze3A_1123 = vector.extract %slice3A_1122[0] : i32 from vector<1xi32>
      %broadcast_in_dim3A_1124 = vector.broadcast %squeeze3A_1123 : i32 to vector<16xi32>
      %mul3A_1125 = arith.mulf %get3A_174, %broadcast_in_dim3A_1100 : vector<16xf32>
      %mul3A_1126 = arith.mulf %get3A_214, %broadcast_in_dim3A_1106 : vector<16xf32>
      %add3A_1127 = arith.addf %mul3A_1125, %mul3A_1126 : vector<16xf32>
      %mul3A_1128 = arith.mulf %get3A_254, %broadcast_in_dim3A_1112 : vector<16xf32>
      %add3A_1129 = arith.addf %add3A_1127, %mul3A_1128 : vector<16xf32>
      %add3A_1130 = arith.addf %get3A_294, %broadcast_in_dim3A_1118 : vector<16xf32>
      %mul3A_1131 = arith.constant 2.000000e+00 : f32
      %mul3A_1132 = vector.broadcast %mul3A_1131 : f32 to vector<16xf32>
      %mul3A_1133 = arith.mulf %mul3A_1132, %add3A_1129 : vector<16xf32>
      %sub3A_1134 = arith.subf %add3A_1130, %mul3A_1133 : vector<16xf32>
      %lt3A_1135 = arith.constant 2.500000e-01 : f32
      %lt3A_1136 = vector.broadcast %lt3A_1135 : f32 to vector<16xf32>
      %lt3A_1137 = arith.cmpf olt, %sub3A_1134, %lt3A_1136 : vector<16xf32>
      %eq3A_1138 = arith.cmpi eq, %get3A_334, %broadcast_in_dim3A_1124 : vector<16xi32>
      %and3A_1139 = arith.andi %lt3A_1137, %eq3A_1138 : vector<16xi1>
      %jit3A_1140 = arith.constant 1.000000e+00 : f32
      %jit3A_1141 = arith.constant 0.000000e+00 : f32
      %broadcast_in_dim3A_1142 = vector.broadcast %jit3A_1140 : f32 to vector<16xf32>
      %broadcast_in_dim3A_1143 = vector.broadcast %jit3A_1141 : f32 to vector<16xf32>
      %select_n3A_1144 = arith.select %and3A_1139, %broadcast_in_dim3A_1142, %broadcast_in_dim3A_1143 : vector<16xi1>, vector<16xf32>
      %add3A_1145 = arith.addf %add3A_945, %select_n3A_1144 : vector<16xf32>
      %mul3A_1146 = arith.mulf %get3A_179, %broadcast_in_dim3A_1100 : vector<16xf32>
      %mul3A_1147 = arith.mulf %get3A_219, %broadcast_in_dim3A_1106 : vector<16xf32>
      %add3A_1148 = arith.addf %mul3A_1146, %mul3A_1147 : vector<16xf32>
      %mul3A_1149 = arith.mulf %get3A_259, %broadcast_in_dim3A_1112 : vector<16xf32>
      %add3A_1150 = arith.addf %add3A_1148, %mul3A_1149 : vector<16xf32>
      %add3A_1151 = arith.addf %get3A_299, %broadcast_in_dim3A_1118 : vector<16xf32>
      %mul3A_1152 = arith.constant 2.000000e+00 : f32
      %mul3A_1153 = vector.broadcast %mul3A_1152 : f32 to vector<16xf32>
      %mul3A_1154 = arith.mulf %mul3A_1153, %add3A_1150 : vector<16xf32>
      %sub3A_1155 = arith.subf %add3A_1151, %mul3A_1154 : vector<16xf32>
      %lt3A_1156 = arith.constant 2.500000e-01 : f32
      %lt3A_1157 = vector.broadcast %lt3A_1156 : f32 to vector<16xf32>
      %lt3A_1158 = arith.cmpf olt, %sub3A_1155, %lt3A_1157 : vector<16xf32>
      %eq3A_1159 = arith.cmpi eq, %get3A_339, %broadcast_in_dim3A_1124 : vector<16xi32>
      %and3A_1160 = arith.andi %lt3A_1158, %eq3A_1159 : vector<16xi1>
      %jit3A_1161 = arith.constant 1.000000e+00 : f32
      %jit3A_1162 = arith.constant 0.000000e+00 : f32
      %broadcast_in_dim3A_1163 = vector.broadcast %jit3A_1161 : f32 to vector<16xf32>
      %broadcast_in_dim3A_1164 = vector.broadcast %jit3A_1162 : f32 to vector<16xf32>
      %select_n3A_1165 = arith.select %and3A_1160, %broadcast_in_dim3A_1163, %broadcast_in_dim3A_1164 : vector<16xi1>, vector<16xf32>
      %add3A_1166 = arith.addf %add3A_966, %select_n3A_1165 : vector<16xf32>
      %mul3A_1167 = arith.mulf %get3A_184, %broadcast_in_dim3A_1100 : vector<16xf32>
      %mul3A_1168 = arith.mulf %get3A_224, %broadcast_in_dim3A_1106 : vector<16xf32>
      %add3A_1169 = arith.addf %mul3A_1167, %mul3A_1168 : vector<16xf32>
      %mul3A_1170 = arith.mulf %get3A_264, %broadcast_in_dim3A_1112 : vector<16xf32>
      %add3A_1171 = arith.addf %add3A_1169, %mul3A_1170 : vector<16xf32>
      %add3A_1172 = arith.addf %get3A_304, %broadcast_in_dim3A_1118 : vector<16xf32>
      %mul3A_1173 = arith.constant 2.000000e+00 : f32
      %mul3A_1174 = vector.broadcast %mul3A_1173 : f32 to vector<16xf32>
      %mul3A_1175 = arith.mulf %mul3A_1174, %add3A_1171 : vector<16xf32>
      %sub3A_1176 = arith.subf %add3A_1172, %mul3A_1175 : vector<16xf32>
      %lt3A_1177 = arith.constant 2.500000e-01 : f32
      %lt3A_1178 = vector.broadcast %lt3A_1177 : f32 to vector<16xf32>
      %lt3A_1179 = arith.cmpf olt, %sub3A_1176, %lt3A_1178 : vector<16xf32>
      %eq3A_1180 = arith.cmpi eq, %get3A_344, %broadcast_in_dim3A_1124 : vector<16xi32>
      %and3A_1181 = arith.andi %lt3A_1179, %eq3A_1180 : vector<16xi1>
      %jit3A_1182 = arith.constant 1.000000e+00 : f32
      %jit3A_1183 = arith.constant 0.000000e+00 : f32
      %broadcast_in_dim3A_1184 = vector.broadcast %jit3A_1182 : f32 to vector<16xf32>
      %broadcast_in_dim3A_1185 = vector.broadcast %jit3A_1183 : f32 to vector<16xf32>
      %select_n3A_1186 = arith.select %and3A_1181, %broadcast_in_dim3A_1184, %broadcast_in_dim3A_1185 : vector<16xi1>, vector<16xf32>
      %add3A_1187 = arith.addf %add3A_987, %select_n3A_1186 : vector<16xf32>
      %mul3A_1188 = arith.mulf %get3A_189, %broadcast_in_dim3A_1100 : vector<16xf32>
      %mul3A_1189 = arith.mulf %get3A_229, %broadcast_in_dim3A_1106 : vector<16xf32>
      %add3A_1190 = arith.addf %mul3A_1188, %mul3A_1189 : vector<16xf32>
      %mul3A_1191 = arith.mulf %get3A_269, %broadcast_in_dim3A_1112 : vector<16xf32>
      %add3A_1192 = arith.addf %add3A_1190, %mul3A_1191 : vector<16xf32>
      %add3A_1193 = arith.addf %get3A_309, %broadcast_in_dim3A_1118 : vector<16xf32>
      %mul3A_1194 = arith.constant 2.000000e+00 : f32
      %mul3A_1195 = vector.broadcast %mul3A_1194 : f32 to vector<16xf32>
      %mul3A_1196 = arith.mulf %mul3A_1195, %add3A_1192 : vector<16xf32>
      %sub3A_1197 = arith.subf %add3A_1193, %mul3A_1196 : vector<16xf32>
      %lt3A_1198 = arith.constant 2.500000e-01 : f32
      %lt3A_1199 = vector.broadcast %lt3A_1198 : f32 to vector<16xf32>
      %lt3A_1200 = arith.cmpf olt, %sub3A_1197, %lt3A_1199 : vector<16xf32>
      %eq3A_1201 = arith.cmpi eq, %get3A_349, %broadcast_in_dim3A_1124 : vector<16xi32>
      %and3A_1202 = arith.andi %lt3A_1200, %eq3A_1201 : vector<16xi1>
      %jit3A_1203 = arith.constant 1.000000e+00 : f32
      %jit3A_1204 = arith.constant 0.000000e+00 : f32
      %broadcast_in_dim3A_1205 = vector.broadcast %jit3A_1203 : f32 to vector<16xf32>
      %broadcast_in_dim3A_1206 = vector.broadcast %jit3A_1204 : f32 to vector<16xf32>
      %select_n3A_1207 = arith.select %and3A_1202, %broadcast_in_dim3A_1205, %broadcast_in_dim3A_1206 : vector<16xi1>, vector<16xf32>
      %add3A_1208 = arith.addf %add3A_1008, %select_n3A_1207 : vector<16xf32>
      %mul3A_1209 = arith.mulf %get3A_194, %broadcast_in_dim3A_1100 : vector<16xf32>
      %mul3A_1210 = arith.mulf %get3A_234, %broadcast_in_dim3A_1106 : vector<16xf32>
      %add3A_1211 = arith.addf %mul3A_1209, %mul3A_1210 : vector<16xf32>
      %mul3A_1212 = arith.mulf %get3A_274, %broadcast_in_dim3A_1112 : vector<16xf32>
      %add3A_1213 = arith.addf %add3A_1211, %mul3A_1212 : vector<16xf32>
      %add3A_1214 = arith.addf %get3A_314, %broadcast_in_dim3A_1118 : vector<16xf32>
      %mul3A_1215 = arith.constant 2.000000e+00 : f32
      %mul3A_1216 = vector.broadcast %mul3A_1215 : f32 to vector<16xf32>
      %mul3A_1217 = arith.mulf %mul3A_1216, %add3A_1213 : vector<16xf32>
      %sub3A_1218 = arith.subf %add3A_1214, %mul3A_1217 : vector<16xf32>
      %lt3A_1219 = arith.constant 2.500000e-01 : f32
      %lt3A_1220 = vector.broadcast %lt3A_1219 : f32 to vector<16xf32>
      %lt3A_1221 = arith.cmpf olt, %sub3A_1218, %lt3A_1220 : vector<16xf32>
      %eq3A_1222 = arith.cmpi eq, %get3A_354, %broadcast_in_dim3A_1124 : vector<16xi32>
      %and3A_1223 = arith.andi %lt3A_1221, %eq3A_1222 : vector<16xi1>
      %jit3A_1224 = arith.constant 1.000000e+00 : f32
      %jit3A_1225 = arith.constant 0.000000e+00 : f32
      %broadcast_in_dim3A_1226 = vector.broadcast %jit3A_1224 : f32 to vector<16xf32>
      %broadcast_in_dim3A_1227 = vector.broadcast %jit3A_1225 : f32 to vector<16xf32>
      %select_n3A_1228 = arith.select %and3A_1223, %broadcast_in_dim3A_1226, %broadcast_in_dim3A_1227 : vector<16xi1>, vector<16xf32>
      %add3A_1229 = arith.addf %add3A_1029, %select_n3A_1228 : vector<16xf32>
      %mul3A_1230 = arith.mulf %get3A_199, %broadcast_in_dim3A_1100 : vector<16xf32>
      %mul3A_1231 = arith.mulf %get3A_239, %broadcast_in_dim3A_1106 : vector<16xf32>
      %add3A_1232 = arith.addf %mul3A_1230, %mul3A_1231 : vector<16xf32>
      %mul3A_1233 = arith.mulf %get3A_279, %broadcast_in_dim3A_1112 : vector<16xf32>
      %add3A_1234 = arith.addf %add3A_1232, %mul3A_1233 : vector<16xf32>
      %add3A_1235 = arith.addf %get3A_319, %broadcast_in_dim3A_1118 : vector<16xf32>
      %mul3A_1236 = arith.constant 2.000000e+00 : f32
      %mul3A_1237 = vector.broadcast %mul3A_1236 : f32 to vector<16xf32>
      %mul3A_1238 = arith.mulf %mul3A_1237, %add3A_1234 : vector<16xf32>
      %sub3A_1239 = arith.subf %add3A_1235, %mul3A_1238 : vector<16xf32>
      %lt3A_1240 = arith.constant 2.500000e-01 : f32
      %lt3A_1241 = vector.broadcast %lt3A_1240 : f32 to vector<16xf32>
      %lt3A_1242 = arith.cmpf olt, %sub3A_1239, %lt3A_1241 : vector<16xf32>
      %eq3A_1243 = arith.cmpi eq, %get3A_359, %broadcast_in_dim3A_1124 : vector<16xi32>
      %and3A_1244 = arith.andi %lt3A_1242, %eq3A_1243 : vector<16xi1>
      %jit3A_1245 = arith.constant 1.000000e+00 : f32
      %jit3A_1246 = arith.constant 0.000000e+00 : f32
      %broadcast_in_dim3A_1247 = vector.broadcast %jit3A_1245 : f32 to vector<16xf32>
      %broadcast_in_dim3A_1248 = vector.broadcast %jit3A_1246 : f32 to vector<16xf32>
      %select_n3A_1249 = arith.select %and3A_1244, %broadcast_in_dim3A_1247, %broadcast_in_dim3A_1248 : vector<16xi1>, vector<16xf32>
      %add3A_1250 = arith.addf %add3A_1050, %select_n3A_1249 : vector<16xf32>
      %mul3A_1251 = arith.mulf %get3A_204, %broadcast_in_dim3A_1100 : vector<16xf32>
      %mul3A_1252 = arith.mulf %get3A_244, %broadcast_in_dim3A_1106 : vector<16xf32>
      %add3A_1253 = arith.addf %mul3A_1251, %mul3A_1252 : vector<16xf32>
      %mul3A_1254 = arith.mulf %get3A_284, %broadcast_in_dim3A_1112 : vector<16xf32>
      %add3A_1255 = arith.addf %add3A_1253, %mul3A_1254 : vector<16xf32>
      %add3A_1256 = arith.addf %get3A_324, %broadcast_in_dim3A_1118 : vector<16xf32>
      %mul3A_1257 = arith.constant 2.000000e+00 : f32
      %mul3A_1258 = vector.broadcast %mul3A_1257 : f32 to vector<16xf32>
      %mul3A_1259 = arith.mulf %mul3A_1258, %add3A_1255 : vector<16xf32>
      %sub3A_1260 = arith.subf %add3A_1256, %mul3A_1259 : vector<16xf32>
      %lt3A_1261 = arith.constant 2.500000e-01 : f32
      %lt3A_1262 = vector.broadcast %lt3A_1261 : f32 to vector<16xf32>
      %lt3A_1263 = arith.cmpf olt, %sub3A_1260, %lt3A_1262 : vector<16xf32>
      %eq3A_1264 = arith.cmpi eq, %get3A_364, %broadcast_in_dim3A_1124 : vector<16xi32>
      %and3A_1265 = arith.andi %lt3A_1263, %eq3A_1264 : vector<16xi1>
      %jit3A_1266 = arith.constant 1.000000e+00 : f32
      %jit3A_1267 = arith.constant 0.000000e+00 : f32
      %broadcast_in_dim3A_1268 = vector.broadcast %jit3A_1266 : f32 to vector<16xf32>
      %broadcast_in_dim3A_1269 = vector.broadcast %jit3A_1267 : f32 to vector<16xf32>
      %select_n3A_1270 = arith.select %and3A_1265, %broadcast_in_dim3A_1268, %broadcast_in_dim3A_1269 : vector<16xi1>, vector<16xf32>
      %add3A_1271 = arith.addf %add3A_1071, %select_n3A_1270 : vector<16xf32>
      %mul3A_1272 = arith.mulf %get3A_209, %broadcast_in_dim3A_1100 : vector<16xf32>
      %mul3A_1273 = arith.mulf %get3A_249, %broadcast_in_dim3A_1106 : vector<16xf32>
      %add3A_1274 = arith.addf %mul3A_1272, %mul3A_1273 : vector<16xf32>
      %mul3A_1275 = arith.mulf %get3A_289, %broadcast_in_dim3A_1112 : vector<16xf32>
      %add3A_1276 = arith.addf %add3A_1274, %mul3A_1275 : vector<16xf32>
      %add3A_1277 = arith.addf %get3A_329, %broadcast_in_dim3A_1118 : vector<16xf32>
      %mul3A_1278 = arith.constant 2.000000e+00 : f32
      %mul3A_1279 = vector.broadcast %mul3A_1278 : f32 to vector<16xf32>
      %mul3A_1280 = arith.mulf %mul3A_1279, %add3A_1276 : vector<16xf32>
      %sub3A_1281 = arith.subf %add3A_1277, %mul3A_1280 : vector<16xf32>
      %lt3A_1282 = arith.constant 2.500000e-01 : f32
      %lt3A_1283 = vector.broadcast %lt3A_1282 : f32 to vector<16xf32>
      %lt3A_1284 = arith.cmpf olt, %sub3A_1281, %lt3A_1283 : vector<16xf32>
      %eq3A_1285 = arith.cmpi eq, %get3A_369, %broadcast_in_dim3A_1124 : vector<16xi32>
      %and3A_1286 = arith.andi %lt3A_1284, %eq3A_1285 : vector<16xi1>
      %jit3A_1287 = arith.constant 1.000000e+00 : f32
      %jit3A_1288 = arith.constant 0.000000e+00 : f32
      %broadcast_in_dim3A_1289 = vector.broadcast %jit3A_1287 : f32 to vector<16xf32>
      %broadcast_in_dim3A_1290 = vector.broadcast %jit3A_1288 : f32 to vector<16xf32>
      %select_n3A_1291 = arith.select %and3A_1286, %broadcast_in_dim3A_1289, %broadcast_in_dim3A_1290 : vector<16xi1>, vector<16xf32>
      %add3A_1292 = arith.addf %add3A_1092, %select_n3A_1291 : vector<16xf32>
      scf.yield %add3A_1145, %add3A_1166, %add3A_1187, %add3A_1208, %add3A_1229, %add3A_1250, %add3A_1271, %add3A_1292 : vector<16xf32>, vector<16xf32>, vector<16xf32>, vector<16xf32>, vector<16xf32>, vector<16xf32>, vector<16xf32>, vector<16xf32>
    }
    %sub3A_426 = arith.constant 1.000000e+00 : f32
    %sub3A_427 = vector.broadcast %sub3A_426 : f32 to vector<16xf32>
    %sub3A_428 = arith.subf %while3A_425#0, %sub3A_427 : vector<16xf32>
    %swap3A_429 = arith.constant 0 : index
    %swap3A_430 = tpu.vector_load %arg17[%swap3A_429] {strides = array<i32>} : memref<128xf32, #tpu.memory_space<vmem>>, vector<16xf32>,
    %swap3A_431 = vector.shape_cast %swap3A_430 : vector<16xf32> to vector<16xf32>
    %swap3A_432 = vector.shape_cast %sub3A_428 : vector<16xf32> to vector<16xf32>
    tpu.vector_store %arg17[%swap3A_429], %swap3A_432 {strides = array<i32>} : memref<128xf32, #tpu.memory_space<vmem>>, vector<16xf32>,
    %sub3A_433 = arith.constant 1.000000e+00 : f32
    %sub3A_434 = vector.broadcast %sub3A_433 : f32 to vector<16xf32>
    %sub3A_435 = arith.subf %while3A_425#1, %sub3A_434 : vector<16xf32>
    %swap3A_436 = arith.constant 16 : index
    %swap3A_437 = tpu.vector_load %arg17[%swap3A_436] {strides = array<i32>} : memref<128xf32, #tpu.memory_space<vmem>>, vector<16xf32>,
    %swap3A_438 = vector.shape_cast %swap3A_437 : vector<16xf32> to vector<16xf32>
    %swap3A_439 = vector.shape_cast %sub3A_435 : vector<16xf32> to vector<16xf32>
    tpu.vector_store %arg17[%swap3A_436], %swap3A_439 {strides = array<i32>} : memref<128xf32, #tpu.memory_space<vmem>>, vector<16xf32>,
    %sub3A_440 = arith.constant 1.000000e+00 : f32
    %sub3A_441 = vector.broadcast %sub3A_440 : f32 to vector<16xf32>
    %sub3A_442 = arith.subf %while3A_425#2, %sub3A_441 : vector<16xf32>
    %swap3A_443 = arith.constant 32 : index
    %swap3A_444 = tpu.vector_load %arg17[%swap3A_443] {strides = array<i32>} : memref<128xf32, #tpu.memory_space<vmem>>, vector<16xf32>,
    %swap3A_445 = vector.shape_cast %swap3A_444 : vector<16xf32> to vector<16xf32>
    %swap3A_446 = vector.shape_cast %sub3A_442 : vector<16xf32> to vector<16xf32>
    tpu.vector_store %arg17[%swap3A_443], %swap3A_446 {strides = array<i32>} : memref<128xf32, #tpu.memory_space<vmem>>, vector<16xf32>,
    %sub3A_447 = arith.constant 1.000000e+00 : f32
    %sub3A_448 = vector.broadcast %sub3A_447 : f32 to vector<16xf32>
    %sub3A_449 = arith.subf %while3A_425#3, %sub3A_448 : vector<16xf32>
    %swap3A_450 = arith.constant 48 : index
    %swap3A_451 = tpu.vector_load %arg17[%swap3A_450] {strides = array<i32>} : memref<128xf32, #tpu.memory_space<vmem>>, vector<16xf32>,
    %swap3A_452 = vector.shape_cast %swap3A_451 : vector<16xf32> to vector<16xf32>
    %swap3A_453 = vector.shape_cast %sub3A_449 : vector<16xf32> to vector<16xf32>
    tpu.vector_store %arg17[%swap3A_450], %swap3A_453 {strides = array<i32>} : memref<128xf32, #tpu.memory_space<vmem>>, vector<16xf32>,
    %sub3A_454 = arith.constant 1.000000e+00 : f32
    %sub3A_455 = vector.broadcast %sub3A_454 : f32 to vector<16xf32>
    %sub3A_456 = arith.subf %while3A_425#4, %sub3A_455 : vector<16xf32>
    %swap3A_457 = arith.constant 64 : index
    %swap3A_458 = tpu.vector_load %arg17[%swap3A_457] {strides = array<i32>} : memref<128xf32, #tpu.memory_space<vmem>>, vector<16xf32>,
    %swap3A_459 = vector.shape_cast %swap3A_458 : vector<16xf32> to vector<16xf32>
    %swap3A_460 = vector.shape_cast %sub3A_456 : vector<16xf32> to vector<16xf32>
    tpu.vector_store %arg17[%swap3A_457], %swap3A_460 {strides = array<i32>} : memref<128xf32, #tpu.memory_space<vmem>>, vector<16xf32>,
    %sub3A_461 = arith.constant 1.000000e+00 : f32
    %sub3A_462 = vector.broadcast %sub3A_461 : f32 to vector<16xf32>
    %sub3A_463 = arith.subf %while3A_425#5, %sub3A_462 : vector<16xf32>
    %swap3A_464 = arith.constant 80 : index
    %swap3A_465 = tpu.vector_load %arg17[%swap3A_464] {strides = array<i32>} : memref<128xf32, #tpu.memory_space<vmem>>, vector<16xf32>,
    %swap3A_466 = vector.shape_cast %swap3A_465 : vector<16xf32> to vector<16xf32>
    %swap3A_467 = vector.shape_cast %sub3A_463 : vector<16xf32> to vector<16xf32>
    tpu.vector_store %arg17[%swap3A_464], %swap3A_467 {strides = array<i32>} : memref<128xf32, #tpu.memory_space<vmem>>, vector<16xf32>,
    %sub3A_468 = arith.constant 1.000000e+00 : f32
    %sub3A_469 = vector.broadcast %sub3A_468 : f32 to vector<16xf32>
    %sub3A_470 = arith.subf %while3A_425#6, %sub3A_469 : vector<16xf32>
    %swap3A_471 = arith.constant 96 : index
    %swap3A_472 = tpu.vector_load %arg17[%swap3A_471] {strides = array<i32>} : memref<128xf32, #tpu.memory_space<vmem>>, vector<16xf32>,
    %swap3A_473 = vector.shape_cast %swap3A_472 : vector<16xf32> to vector<16xf32>
    %swap3A_474 = vector.shape_cast %sub3A_470 : vector<16xf32> to vector<16xf32>
    tpu.vector_store %arg17[%swap3A_471], %swap3A_474 {strides = array<i32>} : memref<128xf32, #tpu.memory_space<vmem>>, vector<16xf32>,
    %sub3A_475 = arith.constant 1.000000e+00 : f32
    %sub3A_476 = vector.broadcast %sub3A_475 : f32 to vector<16xf32>
    %sub3A_477 = arith.subf %while3A_425#7, %sub3A_476 : vector<16xf32>
    %swap3A_478 = arith.constant 112 : index
    %swap3A_479 = tpu.vector_load %arg17[%swap3A_478] {strides = array<i32>} : memref<128xf32, #tpu.memory_space<vmem>>, vector<16xf32>,
    %swap3A_480 = vector.shape_cast %swap3A_479 : vector<16xf32> to vector<16xf32>
    %swap3A_481 = vector.shape_cast %sub3A_477 : vector<16xf32> to vector<16xf32>
    tpu.vector_store %arg17[%swap3A_478], %swap3A_481 {strides = array<i32>} : memref<128xf32, #tpu.memory_space<vmem>>, vector<16xf32>,
    "tpu.region"() ({
      %run_scoped3A = tpu.sem_alloc : memref<!tpu.dma_semaphore, #tpu.memory_space<semaphore_mem>>
      %dma_start3A = tpu.memref_slice %arg7[%mul3A_12] : memref<4096xf32, #tpu.memory_space<hbm>> -> memref<128xf32, #tpu.memory_space<hbm>>
      %dma_start3A_482 = tpu.memref_slice %arg7[%mul3A_12] : memref<4096xf32, #tpu.memory_space<hbm>> -> memref<128xf32, #tpu.memory_space<hbm>>
      tpu.enqueue_dma source(%arg17 : memref<128xf32, #tpu.memory_space<vmem>>) target(%dma_start3A_482 : memref<128xf32, #tpu.memory_space<hbm>>) target_semaphore(%run_scoped3A : memref<!tpu.dma_semaphore, #tpu.memory_space<semaphore_mem>>)
      %dma_wait3A = tpu.memref_slice %arg7[%mul3A_12] : memref<4096xf32, #tpu.memory_space<hbm>> -> memref<128xf32, #tpu.memory_space<hbm>>
      %dma_wait3A_483 = tpu.memref_slice %arg7[%mul3A_12] : memref<4096xf32, #tpu.memory_space<hbm>> -> memref<128xf32, #tpu.memory_space<hbm>>
      tpu.wait_dma2 semaphore(%run_scoped3A : memref<!tpu.dma_semaphore, #tpu.memory_space<semaphore_mem>>) src(%arg17 : memref<128xf32, #tpu.memory_space<vmem>>) dst(%dma_wait3A_483 : memref<128xf32, #tpu.memory_space<hbm>>)
      tpu.yield
    }) : () -> ()
    return
  }
}

module attributes {stable_mosaic.version = 14 : i64} {
  func.func @_upd_body(%arg0: memref<4096x8xf32, #tpu.memory_space<vmem>>, %arg1: memref<4096x1xf32, #tpu.memory_space<vmem>>, %arg2: memref<8x128xf32, #tpu.memory_space<vmem>>, %arg3: memref<1x128xf32, #tpu.memory_space<vmem>>, %arg4: memref<128x64xf32, #tpu.memory_space<vmem>>, %arg5: memref<1x64xf32, #tpu.memory_space<vmem>>, %arg6: memref<4096x8xf32, #tpu.memory_space<vmem>>) attributes {dimension_semantics = [], scalar_prefetch = 0 : i64, scratch_operands = 0 : i64, tpu.core_type = #tpu.core_type<tc>} {
    %get3A = arith.constant 0 : index
    %get3A_0 = arith.constant 0 : index
    %get3A_1 = vector.load %arg0[%get3A, %get3A_0] : memref<4096x8xf32, #tpu.memory_space<vmem>>, vector<4096x8xf32>
    %convert_element_type3A = arith.truncf %get3A_1 : vector<4096x8xf32> to vector<4096x8xbf16>
    %get3A_2 = arith.constant 0 : index
    %get3A_3 = arith.constant 0 : index
    %get3A_4 = vector.load %arg2[%get3A_2, %get3A_3] : memref<8x128xf32, #tpu.memory_space<vmem>>, vector<8x128xf32>
    %convert_element_type3A_5 = arith.truncf %get3A_4 : vector<8x128xf32> to vector<8x128xbf16>
    %dot_general3A = arith.constant dense<0.000000e+00> : vector<4096x128xf32>
    %dot_general3A_6 = tpu.matmul %convert_element_type3A, %convert_element_type3A_5, %dot_general3A {dimension_numbers = #tpu.dot_dimension_numbers<[1], [0], [0], [1], [0, 0, 1, 1], [], []>, transpose_lhs_hint = false} : vector<4096x8xbf16>, vector<8x128xbf16>, vector<4096x128xf32> -> vector<4096x128xf32>
    %get3A_7 = arith.constant 0 : index
    %get3A_8 = arith.constant 0 : index
    %get3A_9 = vector.load %arg3[%get3A_7, %get3A_8] : memref<1x128xf32, #tpu.memory_space<vmem>>, vector<1x128xf32>
    %add3A = vector.broadcast %get3A_9 : vector<1x128xf32> to vector<4096x128xf32>
    %add3A_10 = arith.addf %dot_general3A_6, %add3A : vector<4096x128xf32>
    %get3A_11 = arith.constant 0 : index
    %get3A_12 = arith.constant 0 : index
    %get3A_13 = vector.load %arg5[%get3A_11, %get3A_12] : memref<1x64xf32, #tpu.memory_space<vmem>>, vector<1x64xf32>
    %convert_element_type3A_14 = arith.truncf %get3A_13 : vector<1x64xf32> to vector<1x64xbf16>
    %convert_element_type3A_15 = arith.extf %convert_element_type3A_14 : vector<1x64xbf16> to vector<1x64xf32>
    %get3A_16 = arith.constant 0 : index
    %get3A_17 = arith.constant 0 : index
    %get3A_18 = vector.load %arg1[%get3A_16, %get3A_17] : memref<4096x1xf32, #tpu.memory_space<vmem>>, vector<4096x1xf32>
    %mul3A = vector.broadcast %get3A_18 : vector<4096x1xf32> to vector<4096x64xf32>
    %mul3A_19 = vector.broadcast %convert_element_type3A_15 : vector<1x64xf32> to vector<4096x64xf32>
    %mul3A_20 = arith.mulf %mul3A, %mul3A_19 : vector<4096x64xf32>
    %convert_element_type3A_21 = arith.truncf %mul3A_20 : vector<4096x64xf32> to vector<4096x64xbf16>
    %get3A_22 = arith.constant 0 : index
    %get3A_23 = arith.constant 0 : index
    %get3A_24 = vector.load %arg4[%get3A_22, %get3A_23] : memref<128x64xf32, #tpu.memory_space<vmem>>, vector<128x64xf32>
    %convert_element_type3A_25 = arith.truncf %get3A_24 : vector<128x64xf32> to vector<128x64xbf16>
    %dot_general3A_26 = arith.constant dense<0.000000e+00> : vector<4096x128xf32>
    %dot_general3A_27 = tpu.matmul %convert_element_type3A_21, %convert_element_type3A_25, %dot_general3A_26 {dimension_numbers = #tpu.dot_dimension_numbers<[1], [1], [0], [0], [0, 0, 1, 0], [], []>, transpose_lhs_hint = false} : vector<4096x64xbf16>, vector<128x64xbf16>, vector<4096x128xf32> -> vector<4096x128xf32>
    %gt3A = arith.constant 0.000000e+00 : f32
    %gt3A_28 = vector.broadcast %gt3A : f32 to vector<4096x128xf32>
    %gt3A_29 = arith.cmpf ogt, %add3A_10, %gt3A_28 : vector<4096x128xf32>
    %jit3A = arith.constant 0.000000e+00 : f32
    %broadcast_in_dim3A = vector.broadcast %jit3A : f32 to vector<4096x128xf32>
    %select_n3A = arith.select %gt3A_29, %dot_general3A_27, %broadcast_in_dim3A : vector<4096x128xi1>, vector<4096x128xf32>
    %convert_element_type3A_30 = arith.truncf %select_n3A : vector<4096x128xf32> to vector<4096x128xbf16>
    %get3A_31 = arith.constant 0 : index
    %get3A_32 = arith.constant 0 : index
    %get3A_33 = vector.load %arg2[%get3A_31, %get3A_32] : memref<8x128xf32, #tpu.memory_space<vmem>>, vector<8x128xf32>
    %convert_element_type3A_34 = arith.truncf %get3A_33 : vector<8x128xf32> to vector<8x128xbf16>
    %dot_general3A_35 = arith.constant dense<0.000000e+00> : vector<4096x8xf32>
    %dot_general3A_36 = tpu.matmul %convert_element_type3A_30, %convert_element_type3A_34, %dot_general3A_35 {dimension_numbers = #tpu.dot_dimension_numbers<[1], [1], [0], [0], [0, 0, 1, 0], [], []>, transpose_lhs_hint = false} : vector<4096x128xbf16>, vector<8x128xbf16>, vector<4096x8xf32> -> vector<4096x8xf32>
    %mul3A_37 = arith.constant 1.000000e-01 : f32
    %mul3A_38 = vector.broadcast %mul3A_37 : f32 to vector<4096x8xf32>
    %mul3A_39 = arith.mulf %dot_general3A_36, %mul3A_38 : vector<4096x8xf32>
    %sub3A = arith.subf %get3A_1, %mul3A_39 : vector<4096x8xf32>
    %swap3A = arith.constant 0 : index
    %swap3A_40 = arith.constant 0 : index
    %swap3A_41 = vector.load %arg6[%swap3A, %swap3A_40] : memref<4096x8xf32, #tpu.memory_space<vmem>>, vector<4096x8xf32>
    tpu.vector_store %arg6[%swap3A, %swap3A_40], %sub3A {strides = array<i32>} : memref<4096x8xf32, #tpu.memory_space<vmem>>, vector<4096x8xf32>,
    return
  }
}

</mosaic_0001>

<sc_bundles>
// kernel: body.8.cloned.1.call-start
scs
__scs_entry_jumppad:
0x0: {  	(pc) =	sbr.rel $0x88, $3  }
0x1: {  	(tag) =	ssettag $0x0;
	lr =	simm.s32 $0x1  }
0x2: {  	[smem:$0x3F9A] =	sst lr;
	_ =	strace $0xD0000000  }
0x3: {  	_ = 	snop  }
0x4: {  	_ = 	snop  }
0x5: {  	_ = 	snop  }
0x6: {  	_ = 	snop  }
0x7: {  	_ = 	snop  }
__scs_overlays_trampoline_lowered:
0x8: {  	[smem:$0x3FA9] =	sst s0  }
0x9: {  	[smem:$0x3FAA] =	sst s1  }
0xa: {  	[smem:$0x3FAB] =	sst s2  }
0xb: {  	[smem:$0x3FAC] =	sst s3  }
0xc: {  	[smem:$0x3FAD] =	sst s4  }
0xd: {  	[smem:$0x3FAE] =	sst s5  }
0xe: {  	[smem:$0x3FAF] =	sst s6  }
0xf: {  	[smem:$0x3FB0] =	sst s7  }
0x10: {  	[smem:$0x3FB1] =	sst s8  }
0x11: {  	[smem:$0x3FB2] =	sst s9;
	s0 =	simm.s32 @!p0 $0x0  }
0x12: {  	s1 =	sld [smem:$0x3F98];
	s0 =	simm.s32 @p0 $0x1  }
0x13: {  	[smem:$0x3FB3] =	sst s0;
	s0 =	simm.s32 @!p1 $0x0  }
0x14: {  	s2 =	sld [smem:$0x3F97];
	s0 =	simm.s32 @p1 $0x1  }
0x15: {  	[smem:$0x3FB4] =	sst s0;
	s0 =	simm.s32 @!p2 $0x0  }
0x16: {  	s3 =	sld [smem:$0x3FDB];
	s0 =	simm.s32 @p2 $0x1  }
0x17: {  	s4 =	simm.s32 $0x1BF5;
	[smem:$0x3FB6] =	sst s0  }
0x18: {  	s0 =	sld [smem:$0x3F99];
	_ =	swait.ge [sflag:s4], $0x0  }
0x19: {  	s7 =	sld [smem:$0x3F9A]  }
0x1a: {  	s8 =	sadd.s32 $0xFFFFE003, lr  }
0x1b: {  	s9 =	sadd.s32 $0xFFFFFEF7, lr;
	s5 =	simm.s32 $0xFFFFFFFF;
	p2 =	slt.u32 s8, $0xFFFFF086  }
0x1c: {  	p1 =	slt.u32 s9, $0xF7A;
	s5 =	simm.s32 @!p2 $0x0  }
0x1d: {  	s5 =	simm.s32 @p1 $0x1;
	p0 =	seq.s32 s7, s2  }
0x1e: {  	s7 =	smul.u32 @!p0 $0xF7A, s2;
	p2 =	seq.s32 @!p0 s5, $0x0  }
0x1f: {  	s9 =	smul.u32 $0xF7A, s1;
	s8 =	simm.s32 @!p0 $0x1BF5;
	p2 =	por !p2, p0  }
0x20: {  	[sflag:s8] =	ssyncset.s32 @!p0 $0xFFFFF086;
	s6 =	sadd.s32 @!p0 s3, s7;
	s7 =	simm.s32 @!p0 $0x108  }
0x21: {  	s3 =	sadd.s32 s3, s9;
	s6 =	sadd.s32 @!p0 $0x88, s6;
	s7 =	simm.s32 @p2 $0x1082  }
0x22: {  	[simem:s7], [sflag:s8] =	dma.local @!p0 [hbm:s6], $0xF7A  }
0x23: {  	s9 =	sor.u32 $0xD0000000, s2;
	s6 =	simm.s32 $0x108;
	_ =	swait.ge @!p0 [sflag:s8], $0x0  }
0x24: {  	s3 =	sadd.s32 $0x88, s3;
	s6 =	simm.s32 @!p1 $0x1082;
	[sflag:s4] =	ssyncset.s32 $0xFFFFF086  }
0x25: {  	[simem:s6], [sflag:s4] =	dma.local [hbm:s3], $0xF7A  }
0x26: {  	[smem:$0x3F9A] =	sst s1;
	(tag) =	ssettag s2;
	_ =	strace s9  }
0x27: {  	s1 =	sld [smem:$0x3FAA]  }
0x28: {  	s2 =	sld [smem:$0x3FAB]  }
0x29: {  	s4 =	sld [smem:$0x3FAD]  }
0x2a: {  	p0 =	seq.s32 s5, $0x0;
	s5 =	sld [smem:$0x3FAE]  }
0x2b: {  	s6 =	sld [smem:$0x3FAF]  }
0x2c: {  	s7 =	sld [smem:$0x3FB0]  }
0x2d: {  	s3 =	simm.s32 $0x108;
	s8 =	sld [smem:$0x3FB1]  }
0x2e: {  	s3 =	simm.s32 @!p0 $0x1082;
	s9 =	sld [smem:$0x3FB2]  }
0x2f: {  	lr =	sadd.s32 s0, s3;
	s0 =	sld [smem:$0x3FA9]  }
0x30: {  	s3 =	sld [smem:$0x3FAC]  }
0x31: {  	[smem:$0x3FB5] =	sst s10  }
0x32: {  	s10 =	sld [smem:$0x3FB3];
	_ =	sdelay $0x3  }
0x33: {  	p0 =	seq.s32 s10, $0x1;
	s10 =	sld [smem:$0x3FB5];
	_ =	sdelay $0x3  }
0x34: {  	[smem:$0x3FB5] =	sst s10  }
0x35: {  	s10 =	sld [smem:$0x3FB4];
	_ =	sdelay $0x3  }
0x36: {  	p1 =	seq.s32 s10, $0x1;
	s10 =	sld [smem:$0x3FB5];
	_ =	sdelay $0x3  }
0x37: {  	[smem:$0x3FB5] =	sst s10  }
0x38: {  	s10 =	sld [smem:$0x3FB6]  }
0x39: {  	_ = 	snop;
	(pc) =	sbr.ind lr, $3  }
0x3a: {  	_ = 	snop  }
0x3b: {  	_ = 	snop  }
0x3c: {  	p2 =	seq.s32 s10, $0x1;
	s10 =	sld [smem:$0x3FB5]  }
0x3d: {  	_ =	shalt  }
0x3e: {  	_ =	shalt  }
0x3f: {  	_ =	shalt  }
0x40: {  	_ =	shalt  }
0x41: {  	_ =	shalt  }
0x42: {  	_ =	shalt  }
0x43: {  	_ =	shalt  }
0x44: {  	_ =	shalt  }
0x45: {  	_ =	shalt  }
0x46: {  	_ =	shalt  }
0x47: {  	_ =	shalt  }
0x48: {  	_ =	shalt  }
0x49: {  	_ =	shalt  }
0x4a: {  	_ =	shalt  }
0x4b: {  	_ =	shalt  }
0x4c: {  	_ =	shalt  }
0x4d: {  	_ =	shalt  }
0x4e: {  	_ =	shalt  }
0x4f: {  	_ =	shalt  }
0x50: {  	_ =	shalt  }
0x51: {  	_ =	shalt  }
0x52: {  	_ =	shalt  }
0x53: {  	_ =	shalt  }
0x54: {  	_ =	shalt  }
0x55: {  	_ =	shalt  }
0x56: {  	_ =	shalt  }
0x57: {  	_ =	shalt  }
0x58: {  	_ =	shalt  }
0x59: {  	_ =	shalt  }
0x5a: {  	_ =	shalt  }
0x5b: {  	_ =	shalt  }
0x5c: {  	_ =	shalt  }
0x5d: {  	_ =	shalt  }
0x5e: {  	_ =	shalt  }
0x5f: {  	_ =	shalt  }
0x60: {  	_ =	shalt  }
0x61: {  	_ =	shalt  }
0x62: {  	_ =	shalt  }
0x63: {  	_ =	shalt  }
0x64: {  	_ =	shalt  }
0x65: {  	_ =	shalt  }
0x66: {  	_ =	shalt  }
0x67: {  	_ =	shalt  }
0x68: {  	_ =	shalt  }
0x69: {  	_ =	shalt  }
0x6a: {  	_ =	shalt  }
0x6b: {  	_ =	shalt  }
0x6c: {  	_ =	shalt  }
0x6d: {  	_ =	shalt  }
0x6e: {  	_ =	shalt  }
0x6f: {  	_ =	shalt  }
0x70: {  	_ =	shalt  }
0x71: {  	_ =	shalt  }
0x72: {  	_ =	shalt  }
0x73: {  	_ =	shalt  }
0x74: {  	_ =	shalt  }
0x75: {  	_ =	shalt  }
0x76: {  	_ =	shalt  }
0x77: {  	_ =	shalt  }
0x78: {  	_ =	shalt  }
0x79: {  	_ =	shalt  }
0x7a: {  	_ =	shalt  }
0x7b: {  	_ =	shalt  }
0x7c: {  	_ =	shalt  }
0x7d: {  	_ =	shalt  }
0x7e: {  	_ =	shalt  }
0x7f: {  	_ =	shalt  }
0x80: {  	_ =	shalt  }
0x81: {  	_ =	shalt  }
0x82: {  	_ =	shalt  }
0x83: {  	_ =	shalt  }
0x84: {  	_ =	shalt  }
0x85: {  	_ =	shalt  }
0x86: {  	_ =	shalt  }
0x87: {  	_ =	shalt  }
.Lfunc_end0:
.L_simem_size_0:
called_computation_lowered:
.L_overlay_start_0:
0x88: {  	s2 =	sld [smem:$0x3FD9]  }
0x89: {  	s3 =	sld [smem:$0x3FFE];
	_ =	sdelay $0x1  }
0x8a: {  	s1 =	srdreg.scid  }
0x8b: {  	s0 =	sand.u32 $0x1, s1  }
0x8c: {  	s17 =	sshll.u32 s0, $0xA;
	s2 =	sadd.s32 s3, s2  }
0x8d: {  	s2 =	sadd.s32 s2, s17  }
0x8e: {  	[smem:$0x3FC1] =	sst s2  }
0x8f: {  	_ = 	snop  }
0x90: {  	s2 =	sld [smem:$0x3FC8]  }
0x91: {  	s18 =	sld [smem:$0x3FD0];
	(tm) =	ssettm $0x1  }
0x92: {  	s4 =	sld [smem:$0x3FFB];
	_ =	sdelay $0x3  }
0x93: {  	_ =	strace s4  }
0x94: {  	s4 =	sld [smem:$0x3FFC];
	_ =	sdelay $0x3  }
0x95: {  	_ =	strace s4  }
0x96: {  	s4 =	sld [smem:$0x3FFD];
	_ =	sdelay $0x3  }
0x97: {  	_ =	strace s4  }
0x98: {  	_ =	strace $0x8FFFFFFF  }
0x99: {  	s19 =	sld [smem:$0x3FDB];
	_ =	sdelay $0x1  }
0x9a: {  	s5 =	simm.s32 $_scs_section_size  }
0x9b: {  	s6 =	simm.s32 $_size__tile_overlayer_lowered;
	s7 =	simm.s32 $_tile_overlayer_lowered  }
0x9c: {  	s22 =	simm.s32 $0x1BFF;
	s21 =	sshll.u32 s7, $0x1;
	s4 =	sadd.s32 s5, s19  }
0x9d: {  	s8 =	simm.s32 $0x0;
	s20 =	sshll.u32 s6, $0x1;
	s6 =	sadd.s32 s21, s4  }
0x9e: {  	[timem:s8], [sflag:s22] =	dma.local [hbm:s6], s20  }
0x9f: {  	_ =	swait.ge [sflag:s22], s20  }
0xa0: {  	s5 =	ssub.s32 $0x0, s20;
	[sflag:s22] =	ssyncset.done $0x0  }
0xa1: {  	[sflag:s22] =	ssyncadd.s32 s5;
	_ =	sdelay $0x1  }
0xa2: {  	s23 =	simm.s32 $0x1B8B  }
0xa3: {  	_ =	swait.ge [sflag:s23], $0x1  }
0xa4: {  	[sflag:s23] =	ssyncset.done $0x0  }
0xa5: {  	s25 =	simm.s32 $0x1B8E;
	s24 =	sld [smem:$0x3FFE];
	[sflag:s23] =	ssyncadd.s32 $0xFFFFFFFF  }
0xa6: {  	s26 =	simm.s32 $execute0_lowered;
	[smem:$0x3FD2] =	sst s25  }
0xa7: {  	s6 =	sshll.u32 s26, $0x1;
	_ =	strace $0x80000046;
	[dreg:$0x1] =	wrdreg $0xFFFFFFFF  }
0xa8: {  	s28 =	simm.s32 $_size_execute0_lowered;
	s4 =	sadd.s32 s4, s6;
	[dreg:$0x0] =	wrdreg $0x0  }
0xa9: {  	s6 =	sshll.u32 s28, $0x1;
	[dreg:$0x2] =	wrdreg s4  }
0xaa: {  	[dreg:$0x3] =	wrdreg s6  }
0xab: {  	[dreg:$0x4] =	wrdreg $0xC0  }
0xac: {  	_ =	task [dreg:s8], $0x5FFFF  }
0xad: {  	[dreg:$0x1] =	wrdreg $0xFFFFFFFF  }
0xae: {  	[dreg:$0x0] =	wrdreg $0x60  }
0xaf: {  	[dreg:$0x2] =	wrdreg s24  }
0xb0: {  	[dreg:$0x3] =	wrdreg s18  }
0xb1: {  	[dreg:$0x4] =	wrdreg s2  }
0xb2: {  	[dreg:$0x5] =	wrdreg $0x9  }
0xb3: {  	_ =	task.clear_ibuf [dreg:s8], $0x6FFFF;
	_ =	strace $0x90000046  }
0xb4: {  	s29 =	simm.s32 $0x9;
	_ =	strace $0x80000048  }
0xb5: {  	_ =	swait.ge [sflag:s29], $0x1  }
0xb6: {  	[sflag:s29] =	ssyncadd.s32 $0xFFFFFFFF  }
0xb7: {  	_ =	strace $0x90000048  }
0xb8: {  	_ =	sfence  }
0xb9: {  	s30 =	sld [smem:$0x0];
	_ =	sdelay $0x2  }
0xba: {  	s31 =	sshll.u32 s1, $0xD;
	s1 =	sshrl.u32 s1, $0x2  }
0xbb: {  	s3 =	sand.u32 $0x4000, s31;
	s1 =	sadd.s32 s1, s30  }
0xbc: {  	s0 =	sor.u32 s3, s0;
	s1 =	sshll.u32 s1, $0x11  }
0xbd: {  	s0 =	sor.u32 s1, s0  }
0xbe: {  	s0 =	sadd.s32 $0x8F2B, s0  }
0xbf: {  	[sflag:s0] =	ssyncadd.remote.s32 $0x1  }
0xc0: {  	_ =	sfence.sel $0xFFFF  }
0xc1: {  	[dreg:$0x0] =	wrdreg $0xFFFFFFFF;
	(pc) =	sbr.abs _section_cstart, $3  }
0xc2: {  	[dreg:$0x1] =	wrdreg $0xFFFFFFFF  }
0xc3: {  	_ =	task.clear_ibuf [dreg:s8], $0x2FFFF;
	_ =	strace $0x9FFFFFFF  }
0xc4: {  	(tm) =	ssettm $0x7FFFFFFF  }
0xc5: {  	_ =	shalt  }
tec
execute0_lowered:
.L_overlay_start_1:
0x0: {  	(tag) =	ssettag $0x1  }
0x1: {  	s0 =	rddreg [dreg:$0x0]  }
0x2: {  	s20 =	rddreg [dreg:$0x1]  }
0x3: {  	s21 =	rddreg [dreg:$0x2];
	s4 =	simm.s32 $0x0  }
0x4: {  	s1 =	srdreg.scid;
	s2 =	stileid.u32;
	s18 =	simm.s32 $0x1  }
0x5: {  	s22 =	simm.s32 $0x1000;
	s23 =	simm.s32 $0x2000;
	s24 =	simm.s32 $0x0  }
0x6: {  	[smem:$0x7FF] =	sst s4;
	s1 =	sand.u32 $0x1, s1;
	s5 =	sadd.s32 $0xE00, s0  }
0x7: {  	s2 =	sshll.u32 s2, $0x8;
	s6 =	sadd.s32 $0xC00, s0;
	s8 =	sadd.s32 $0xA00, s0  }
0x8: {  	_ =	strace $0x80000047;
	s3 =	sshll.u32 s1, $0x7;
	s1 =	ssub.s32 $0x2, s1  }
.Ltmp0:
0x9: {  	s7 =	sor.u32 s3, s2;
	s31 =	sshrl.u32 s1, $0x1;
	(pc) =	sbr.rel .LBB2_1-.Ltmp0, $4  }
0xa: {  	s2 =	sshrl.u32 s7, $0x3;
	s1 =	ssub.s32 s1, s31;
	s9 =	sor.u32 $0x70, s7  }
0xb: {  	s10 =	sor.u32 $0x10, s7;
	s11 =	sor.u32 $0x20, s7;
	s12 =	sor.u32 $0x30, s7  }
0xc: {  	s13 =	sor.u32 $0x40, s7;
	s14 =	sor.u32 $0x50, s7;
	s0 =	sadd.s32 s2, s0  }
0xd: {  	v34 =	vimm.f32 $0.0e+00;
	s15 =	sor.u32 $0x60, s7;
	s17 =	smax.u32 s1, $0x1;
	s16 =	sadd.s32 $0x1000, s0  }
.LBB2_6:
0xe: {  	v0 =	vimm.f32 $-1.000000000e+00;
	v2 =	vimm.f32 $-1.000000000e+00  }
0xf: {  	v3 =	vimm.f32 $-1.000000000e+00;
	v4 =	vimm.f32 $-1.000000000e+00;
	v5 =	vimm.f32 $-1.000000000e+00  }
0x10: {  	v6 =	vimm.f32 $-1.000000000e+00;
	v7 =	vimm.f32 $-1.000000000e+00;
	v8 =	vimm.f32 $-1.000000000e+00  }
.LBB2_10:
0x11: {  	[tilespmem:$0x8300] =	vst v0  }
0x12: {  	[tilespmem:$0x8310] =	vst v2  }
0x13: {  	[tilespmem:$0x8320] =	vst v3  }
0x14: {  	[tilespmem:$0x8330] =	vst v4  }
0x15: {  	[tilespmem:$0x8340] =	vst v5  }
0x16: {  	[tilespmem:$0x8350] =	vst v6;
	s24 =	sadd.s32 $0x1, s24  }
0x17: {  	[tilespmem:$0x8360] =	vst v7;
	p0 =	sne.s32 s24, s17  }
.Ltmp1:
0x18: {  	[tilespmem:$0x8370] =	vst v8;
	s0 =	simm.s32 $0x8300;
	(pc) =	sbr.rel @!p0 .LBB2_11-.Ltmp1, $4  }
0x19: {  	[hbm4b:s16+s4] =	stream.linear.scatter [tilespmem:s0], [sflag:$0x1], $0x80, $0x38;
	[tilespmem:$0x8380] =	vst v63  }
0x1a: {  	_ =	swait.ge [sflag:s18], $0x80  }
0x1b: {  	[sflag:s18] =	ssyncset.done $0x0  }
0x1c: {  	[sflag:s18] =	ssyncadd.s32 $0xFFFFFF80  }
.LBB2_1:
0x1d: {  	[tilespmem:s4], [sflag:$0x1] =	stream.linear.gather [hbm4b:s5+s4], $0x1000, $0x38;
	[tilespmem:$0x8380] =	vst v63  }
0x1e: {  	_ =	swait.ge [sflag:s18], $0x1000  }
0x1f: {  	[sflag:s18] =	ssyncset.done $0x0  }
0x20: {  	[sflag:s18] =	ssyncadd.s32 $0xFFFFF000  }
0x21: {  	[tilespmem:s22], [sflag:$0x1] =	stream.linear.gather [hbm4b:s6+s4], $0x1000, $0x38;
	[tilespmem:$0x8380] =	vst v63  }
0x22: {  	_ =	swait.ge [sflag:s18], $0x1000  }
0x23: {  	[sflag:s18] =	ssyncset.done $0x0  }
0x24: {  	[sflag:s18] =	ssyncadd.s32 $0xFFFFF000  }
0x25: {  	[tilespmem:s23], [sflag:$0x1] =	stream.linear.gather [hbm4b:s20+s4], $0x1000, $0x38;
	[tilespmem:$0x8380] =	vst v63  }
0x26: {  	_ =	swait.ge [sflag:s18], $0x1000  }
0x27: {  	[sflag:s18] =	ssyncset.done $0x0  }
0x28: {  	s0 =	simm.s32 $0x7200;
	[sflag:s18] =	ssyncadd.s32 $0xFFFFF000  }
0x29: {  	[tilespmem:s0], [sflag:$0x1] =	stream.linear.gather [hbm4b:s21+s4], $0x1000, $0x38;
	[tilespmem:$0x8380] =	vst v63  }
0x2a: {  	_ =	swait.ge [sflag:s18], $0x1000  }
0x2b: {  	[sflag:s18] =	ssyncset.done $0x0  }
0x2c: {  	s29 =	simm.s32 $0x8280;
	[sflag:s18] =	ssyncadd.s32 $0xFFFFF000  }
0x2d: {  	[tilespmem:s29], [sflag:$0x1] =	stream.linear.gather [hbm4b:s8+s4], $0x80, $0x38;
	[tilespmem:$0x8380] =	vst v63  }
0x2e: {  	_ =	swait.ge [sflag:s18], $0x80  }
0x2f: {  	[sflag:s18] =	ssyncset.done $0x0  }
0x30: {  	v0 =	vimm.s32 $0xFFFFFFFF;
	[sflag:s18] =	ssyncadd.s32 $0xFFFFFF80  }
0x31: {  	[tilespmem:$0x8200] =	vst v0  }
0x32: {  	[tilespmem:$0x8210] =	vst v0;
	v63 =	vld [tilespmem:s7+$0x7200]  }
0x33: {  	v2 =	vld [tilespmem:s9+$0x7200];
	_ =	sdelay $0x1  }
0x34: {  	v3 =	vld [tilespmem:$0x8280];
	_ =	sdelay $0x1  }
0x35: {  	(v2sf) =	vpush v63, $0x0  }
0x36: {  	(v2sf) =	vpush v2, $0xF;
	_ =	sdelay $0x1  }
0x37: {  	(v2sf) =	vpush v3, $0x0  }
0x38: {  	(v2sf) =	vpush v3, $0x1;
	_ =	sdelay $0x1  }
0x39: {  	(v2sf) =	vpush v3, $0x2  }
0x3a: {  	(v2sf) =	vpush v3, $0x3;
	_ =	sdelay $0x1  }
0x3b: {  	(v2sf) =	vpush v3, $0x4  }
0x3c: {  	(v2sf) =	vpush v3, $0x5;
	_ =	sdelay $0x2  }
0x3d: {  	(v2sf) =	vpush v3, $0x6;
	_ =	sdelay $0x1  }
0x3e: {  	s30 =	spop (v2sf);
	(v2sf) =	vpush v3, $0x7  }
0x3f: {  	s1 =	spop (v2sf);
	(v2sf) =	vpush v3, $0x8  }
0x40: {  	p0 =	seq.s32 s30, $0x0  }
0x41: {  	s26 =	spop (v2sf);
	s19 =	sadd.s32 $0x1, s1;
	p1 =	seq.s32 s1, $0x0  }
0x42: {  	s2 =	spop (v2sf);
	s25 =	smov.u32 s26;
	p2 =	seq.s32 s19, $0x0  }
0x43: {  	s25 =	simm.s32 @!p0 $0x0;
	s26 =	simm.s32 @!p2 $0x0;
	p0 =	seq.s32 s30, $0x1  }
0x44: {  	s3 =	spop (v2sf);
	s25 =	smov.u32 @p0 s2;
	s26 =	smov.u32 @p1 s2  }
0x45: {  	s1 =	spop (v2sf);
	p0 =	seq.s32 s30, $0x2;
	p1 =	seq.s32 s19, $0x2  }
0x46: {  	s25 =	smov.u32 @p0 s3;
	s26 =	smov.u32 @p1 s3;
	p0 =	seq.s32 s30, $0x3  }
0x47: {  	s2 =	spop (v2sf);
	p1 =	seq.s32 s19, $0x3;
	s25 =	smov.u32 @p0 s1  }
0x48: {  	s26 =	smov.u32 @p1 s1;
	s1 =	spop (v2sf);
	p0 =	seq.s32 s30, $0x4  }
0x49: {  	p1 =	seq.s32 s19, $0x4;
	s25 =	smov.u32 @p0 s2;
	p0 =	seq.s32 s30, $0x5  }
0x4a: {  	s26 =	smov.u32 @p1 s2;
	s25 =	smov.u32 @p0 s1;
	p0 =	seq.s32 s19, $0x5  }
0x4b: {  	s2 =	spop (v2sf);
	s26 =	smov.u32 @p0 s1;
	p0 =	seq.s32 s30, $0x6  }
0x4c: {  	p1 =	seq.s32 s30, $0x7;
	s25 =	smov.u32 @p0 s2;
	p0 =	seq.s32 s19, $0x6  }
0x4d: {  	s26 =	smov.u32 @p0 s2;
	p0 =	seq.s32 s19, $0x7;
	s1 =	spop (v2sf)  }
0x4e: {  	s25 =	smov.u32 @p1 s1;
	p1 =	seq.s32 s30, $0x8;
	s0 =	spop (v2sf)  }
0x4f: {  	s26 =	smov.u32 @p0 s1;
	p0 =	seq.s32 s19, $0x8;
	s25 =	smov.u32 @p1 s0  }
0x50: {  	s26 =	smov.u32 @p0 s0;
	s31 =	sshra.s32 s25, $0x1F;
	s3 =	sand.u32 $0xF, s25  }
0x51: {  	s19 =	sadd.s32 $0xF, s26;
	p3 =	slt.s32 s25, $0x1;
	s2 =	sshrl.u32 s31, $0x1C  }
0x52: {  	p4 =	sne.s32 s3, $0x0;
	s29 =	sand.u32 $0xF, s19;
	p5 =	slt.s32 s19, $0x1  }
0x53: {  	s30 =	sshra.s32 s19, $0x1F;
	s3 =	simm.s32 $0x1;
	s0 =	sadd.s32 s2, s25  }
0x54: {  	p0 =	por !p3, !p4;
	p6 =	sne.s32 s29, $0x0;
	s1 =	sshrl.u32 s30, $0x1C  }
0x55: {  	s2 =	simm.s32 $0x1;
	p1 =	por !p5, !p6;
	s0 =	sshra.s32 s0, $0x4  }
0x56: {  	p0 =	por !p0, !p0;
	s1 =	sadd.s32 s1, s19;
	p1 =	por !p1, !p1  }
0x57: {  	s3 =	simm.s32 @!p0 $0x0;
	s31 =	sshra.s32 s1, $0x4;
	s2 =	simm.s32 @!p1 $0x0  }
0x58: {  	s1 =	ssub.s32 s0, s3;
	s28 =	ssub.s32 s31, s2  }
0x59: {  	p0 =	sge.s32 s1, s28  }
.Ltmp2:
0x5a: {  	_ = 	snop;
	(pc) =	sbr.rel @p0 .LBB2_5-.Ltmp2, $1  }
0x5b: {  	_ =	sdelay $0x3  }
0x5c: {  	s0 =	sshll.u32 s1, $0x6  }
0x5d: {  	s0 =	sshra.s32 s0, $0x2  }
0x5e: {  	v0 =	vmov s0;
	_ =	sdelay $0x3  }
0x5f: {  	s29 =	simm.s32 $0x0  }
0x60: {  	s30 =	simm.s32 $0x1000;
	v2 =	vld.idx.msk [tilespmem:v0+s29+$0x0 ss:$0x1], $0xffff  }
0x61: {  	v3 =	vld.idx.msk [tilespmem:v0+s30+$0x0 ss:$0x1], $0xffff  }
0x62: {  	s23 =	smov.u32 s21;
	s21 =	simm.s32 $0x2000  }
0x63: {  	v4 =	vld.idx.msk [tilespmem:v0+s21+$0x0 ss:$0x1], $0xffff;
	_ =	sdelay $0x2  }
0x64: {  	v5 =	vmul.f32 v2, v2;
	v6 =	vmul.f32 v3, v3;
	_ =	sdelay $0x1  }
0x65: {  	s31 =	sadd.s32 $0x1, s1;
	v7 =	vshrl.u32 v2, $0x10;
	v61 =	vmul.f32 v4, v4;
	v5 =	vadd.f32 v6, v5  }
0x66: {  	p0 =	slt.s32 s31, s28;
	v62 =	vshrl.u32 v3, $0x10;
	v8 =	vshrl.u32 v4, $0x10;
	v7 =	vand.u32 $0x1, v7  }
.Ltmp3:
0x67: {  	v2 =	vadd.s32 v7, v2;
	v7 =	vand.u32 $0x1, v62;
	v5 =	vadd.f32 v61, v5;
	(pc) =	sbr.rel @!p0 .LBB2_4-.Ltmp3, $4  }
0x68: {  	s2 =	simm.s32 $0x6180;
	v63 =	vand.u32 $0x1, v8;
	v2 =	vadd.s32 $0x7FFF, v2;
	v3 =	vadd.s32 v7, v3  }
0x69: {  	s22 =	smov.u32 s20;
	s3 =	simm.s32 $0x3000;
	s19 =	simm.s32 $0x4080;
	v4 =	vadd.s32 v63, v4;
	v3 =	vadd.s32 $0x7FFF, v3;
	v2 =	vand.u32 $0xFFFF0000, v2;
	[tilespmem:v0+s2+$0x0 ss:$0x1] =	vst.idx.msk $0xffff, v5  }
0x6a: {  	s1 =	simm.s32 $0x5110;
	s20 =	simm.s32 $0x3010;
	s0 =	simm.s32 $0x5100;
	[tilespmem:v0+s3+$0x0 ss:$0x1] =	vst.idx.msk $0xffff, v2;
	v2 =	vand.u32 $0xFFFF0000, v3;
	v3 =	vadd.s32 $0x7FFF, v4  }
0x6b: {  	s2 =	simm.s32 $0x2010;
	s3 =	simm.s32 $0x4090;
	[tilespmem:v0+s19+$0x0 ss:$0x1] =	vst.idx.msk $0xffff, v2;
	v2 =	vand.u32 $0xFFFF0000, v3;
	s19 =	simm.s32 $0x6190  }
.LBB2_3:
0x6c: {  	s31 =	sadd.s32 $0x1, s31;
	[tilespmem:v0+s0+$0x0 ss:$0x1] =	vst.idx.msk $0xffff, v2;
	s29 =	sadd.s32 $0x10, s29;
	s30 =	sadd.s32 $0x10, s30  }
0x6d: {  	s21 =	smov.u32 s3;
	s0 =	smov.u32 s1;
	v2 =	vld.idx.msk [tilespmem:v0+s29+$0x0 ss:$0x1], $0xffff;
	p0 =	slt.s32 s31, s28  }
0x6e: {  	v3 =	vld.idx.msk [tilespmem:v0+s30+$0x0 ss:$0x1], $0xffff;
	_ =	sdelay $0x1  }
0x6f: {  	v4 =	vld.idx.msk [tilespmem:v0+s2+$0x0 ss:$0x1], $0xffff;
	_ =	sdelay $0x2  }
0x70: {  	v5 =	vshrl.u32 v2, $0x10  }
0x71: {  	v6 =	vmul.f32 v2, v2;
	v7 =	vmul.f32 v3, v3;
	v5 =	vand.u32 $0x1, v5  }
0x72: {  	v2 =	vadd.s32 v5, v2;
	v5 =	vshrl.u32 v3, $0x10  }
0x73: {  	v6 =	vadd.f32 v7, v6;
	v7 =	vmul.f32 v4, v4;
	v8 =	vshrl.u32 v4, $0x10  }
0x74: {  	v2 =	vadd.s32 $0x7FFF, v2;
	v5 =	vand.u32 $0x1, v5;
	v8 =	vand.u32 $0x1, v8  }
.Ltmp4:
0x75: {  	v3 =	vadd.s32 v5, v3;
	v6 =	vadd.f32 v7, v6;
	v4 =	vadd.s32 v8, v4;
	(pc) =	sbr.rel @p0 .LBB2_3-.Ltmp4, $4  }
0x76: {  	v3 =	vadd.s32 $0x7FFF, v3  }
0x77: {  	v2 =	vand.u32 $0xFFFF0000, v2;
	[tilespmem:v0+s19+$0x0 ss:$0x1] =	vst.idx.msk $0xffff, v6  }
0x78: {  	s3 =	sadd.s32 $0x10, s3;
	s1 =	sadd.s32 $0x10, s1;
	[tilespmem:v0+s20+$0x0 ss:$0x1] =	vst.idx.msk $0xffff, v2;
	v2 =	vand.u32 $0xFFFF0000, v3;
	v3 =	vadd.s32 $0x7FFF, v4  }
0x79: {  	s2 =	sadd.s32 $0x10, s2;
	s19 =	sadd.s32 $0x10, s19;
	s20 =	sadd.s32 $0x10, s20;
	[tilespmem:v0+s21+$0x0 ss:$0x1] =	vst.idx.msk $0xffff, v2;
	v2 =	vand.u32 $0xFFFF0000, v3  }
.LBB2_4:
0x7a: {  	_ =	sdelay $0x2  }
0x7b: {  	s20 =	smov.u32 s22  }
0x7c: {  	[tilespmem:v0+s0+$0x0 ss:$0x1] =	vst.idx.msk $0xffff, v2;
	s21 =	smov.u32 s23;
	s22 =	simm.s32 $0x1000;
	s23 =	simm.s32 $0x2000  }
.LBB2_5:
0x7d: {  	s0 =	ssub.s32 s26, s25  }
0x7e: {  	s0 =	sadd.s32 $0x3, s0  }
0x7f: {  	s1 =	sand.u32 $0x3, s0  }
0x80: {  	s2 =	sshra.s32 s0, $0x1F;
	p0 =	slt.s32 s0, $0x1;
	p1 =	sne.s32 s1, $0x0  }
0x81: {  	s30 =	sshrl.u32 s2, $0x1E;
	p0 =	por !p0, !p1  }
0x82: {  	s1 =	simm.s32 $0x1;
	s0 =	sadd.s32 s30, s0;
	p0 =	por !p0, !p0  }
0x83: {  	s0 =	sshra.s32 s0, $0x2;
	s1 =	simm.s32 @!p0 $0x0  }
0x84: {  	s31 =	ssub.s32 s0, s1  }
0x85: {  	p0 =	slt.s32 s31, $0x1  }
.Ltmp5:
0x86: {  	_ = 	snop;
	(pc) =	sbr.rel @p0 .LBB2_6-.Ltmp5, $1  }
0x87: {  	_ =	sdelay $0x3  }
0x88: {  	v47 =	vld [tilespmem:s7+$0x3000]  }
0x89: {  	v48 =	vld [tilespmem:s10+$0x3000]  }
0x8a: {  	v49 =	vld [tilespmem:s11+$0x3000]  }
0x8b: {  	v50 =	vld [tilespmem:s12+$0x3000]  }
0x8c: {  	v51 =	vld [tilespmem:s13+$0x3000]  }
0x8d: {  	v52 =	vld [tilespmem:s14+$0x3000]  }
0x8e: {  	v53 =	vld [tilespmem:s15+$0x3000]  }
0x8f: {  	v54 =	vld [tilespmem:s9+$0x3000]  }
0x90: {  	v55 =	vld [tilespmem:s7+$0x4080]  }
0x91: {  	v57 =	vld [tilespmem:s7+$0x5100];
	s0 =	sshll.u32 s25, $0x2  }
0x92: {  	v58 =	vld [tilespmem:s10+$0x5100];
	s30 =	sshra.s32 s0, $0x2  }
0x93: {  	v59 =	vld [tilespmem:s11+$0x5100];
	s25 =	sadd.s32 $0x5102, s30  }
0x94: {  	s26 =	sadd.s32 $0x3002, s30;
	v0 =	vld.msk [tilespmem:s25+$0x1 ss:$0x0], $0xffff  }
0x95: {  	s28 =	sadd.s32 $0x4082, s30;
	v2 =	vld.msk [tilespmem:s26+$0x1 ss:$0x0], $0xffff  }
0x96: {  	v3 =	vld.msk [tilespmem:s28+$0x1 ss:$0x0], $0xffff  }
0x97: {  	v56 =	vld [tilespmem:s10+$0x4080]  }
0x98: {  	v60 =	vld [tilespmem:s11+$0x4080]  }
0x99: {  	v61 =	vld [tilespmem:s12+$0x4080];
	v6 =	vmul.f32 v0, v57;
	v1 =	vmul.f32 v0, v58  }
0x9a: {  	v62 =	vld [tilespmem:s13+$0x4080];
	v46 =	vmul.f32 v0, v59;
	v7 =	vmul.f32 v2, v47  }
0x9b: {  	v4 =	vld [tilespmem:s15+$0x4080];
	v8 =	vmul.f32 v3, v55;
	v9 =	vmul.f32 v2, v48  }
0x9c: {  	v12 =	vld.msk [tilespmem:s26+$0x0 ss:$0x0], $0xffff;
	v10 =	vmul.f32 v3, v56;
	v11 =	vmul.f32 v2, v49  }
0x9d: {  	v15 =	vld.msk [tilespmem:s28+$0x0 ss:$0x0], $0xffff;
	v13 =	vmul.f32 v3, v60;
	v14 =	vmul.f32 v2, v50  }
0x9e: {  	v16 =	vmul.f32 v3, v61;
	v17 =	vmul.f32 v2, v51  }
0x9f: {  	v18 =	vmul.f32 v3, v62;
	v19 =	vmul.f32 v2, v52  }
0xa0: {  	v20 =	vmul.f32 v2, v53;
	v21 =	vmul.f32 v3, v4  }
0xa1: {  	v2 =	vmul.f32 v2, v54;
	v22 =	vmul.f32 v12, v47  }
0xa2: {  	v63 =	vld [tilespmem:s14+$0x4080];
	v23 =	vmul.f32 v15, v55;
	v24 =	vmul.f32 v12, v48  }
0xa3: {  	v5 =	vld [tilespmem:s9+$0x4080];
	v25 =	vmul.f32 v15, v56;
	v26 =	vmul.f32 v12, v49  }
0xa4: {  	v27 =	vld.msk [tilespmem:s26+$0xFFFFFFFF ss:$0x0], $0xffff;
	v29 =	vmul.f32 v15, v60;
	v28 =	vmul.f32 v12, v50  }
0xa5: {  	v30 =	vld.msk [tilespmem:s28+$0xFFFFFFFF ss:$0x0], $0xffff;
	v31 =	vmul.f32 v15, v61;
	v32 =	vmul.f32 v12, v51  }
0xa6: {  	v33 =	vmul.f32 v15, v62;
	v35 =	vmul.f32 v12, v52  }
0xa7: {  	v36 =	vmul.f32 v15, v63;
	v37 =	vmul.f32 v12, v53  }
0xa8: {  	v38 =	vmul.f32 v15, v4;
	v12 =	vmul.f32 v12, v54  }
0xa9: {  	v15 =	vmul.f32 v15, v5;
	v39 =	vmul.f32 v27, v47  }
0xaa: {  	v40 =	vmul.f32 v30, v55;
	v41 =	vmul.f32 v27, v48  }
0xab: {  	v42 =	vmul.f32 v30, v56;
	v43 =	vmul.f32 v27, v49  }
0xac: {  	v44 =	vmul.f32 v30, v60;
	v45 =	vmul.f32 v27, v50;
	v7 =	vadd.f32 v8, v7  }
0xad: {  	[tilespmem:$0x1FCB0] =	vst v1;
	v1 =	vmul.f32 v3, v63;
	v9 =	vadd.f32 v10, v9;
	v11 =	vadd.f32 v13, v11  }
0xae: {  	v3 =	vmul.f32 v3, v5;
	v14 =	vadd.f32 v16, v14;
	v17 =	vadd.f32 v18, v17  }
0xaf: {  	v8 =	vmul.f32 v30, v61;
	v20 =	vadd.f32 v21, v20;
	v22 =	vadd.f32 v23, v22  }
0xb0: {  	v13 =	vmul.f32 v27, v51;
	v24 =	vadd.f32 v25, v24;
	v26 =	vadd.f32 v29, v26  }
0xb1: {  	v10 =	vld.msk [tilespmem:s26+$0xFFFFFFFE ss:$0x0], $0xffff;
	v18 =	vmul.f32 v30, v62;
	v28 =	vadd.f32 v31, v28;
	v31 =	vadd.f32 v33, v32  }
0xb2: {  	v16 =	vld.msk [tilespmem:s28+$0xFFFFFFFE ss:$0x0], $0xffff;
	v21 =	vmul.f32 v30, v63;
	v33 =	vadd.f32 v36, v35;
	v36 =	vadd.f32 v38, v37  }
0xb3: {  	[tilespmem:$0x1FCC0] =	vst v46;
	v46 =	vmul.f32 v30, v4;
	v12 =	vadd.f32 v15, v12;
	v38 =	vadd.f32 v40, v39  }
0xb4: {  	[tilespmem:$0x1FBC0] =	vst v55;
	v23 =	vmul.f32 v27, v54;
	v39 =	vadd.f32 v42, v41;
	v19 =	vadd.f32 v1, v19  }
0xb5: {  	[tilespmem:$0x1FBD0] =	vst v48;
	v1 =	vmul.f32 v27, v52;
	v2 =	vadd.f32 v3, v2;
	v3 =	vmul.f32 v27, v53  }
0xb6: {  	[tilespmem:$0x1FBE0] =	vst v56;
	v41 =	vadd.f32 v44, v43;
	v43 =	vld [tilespmem:s13+$0x5100];
	v27 =	vmul.f32 v30, v5;
	v25 =	vmul.f32 v10, v47  }
0xb7: {  	[tilespmem:$0x1FBF0] =	vst v49;
	v44 =	vld [tilespmem:s14+$0x5100];
	v8 =	vadd.f32 v8, v45;
	v29 =	vmul.f32 v16, v55;
	v30 =	vmul.f32 v10, v48  }
0xb8: {  	[tilespmem:$0x1FC00] =	vst v60;
	v32 =	vld.msk [tilespmem:s25+$0x0 ss:$0x0], $0xffff;
	v13 =	vadd.f32 v18, v13;
	v48 =	vmul.f32 v16, v56;
	v49 =	vmul.f32 v10, v49  }
0xb9: {  	[tilespmem:$0x1FC20] =	vst v61;
	v7 =	vadd.f32 v6, v7;
	v55 =	vmul.f32 v16, v60;
	v56 =	vmul.f32 v10, v50  }
0xba: {  	[tilespmem:$0x1FC30] =	vst v51;
	v18 =	vadd.f32 v21, v1;
	v60 =	vmul.f32 v16, v61;
	v61 =	vmul.f32 v10, v51  }
0xbb: {  	[tilespmem:$0x1FC40] =	vst v62;
	v45 =	vld [tilespmem:s15+$0x5100];
	v21 =	vadd.f32 v27, v23;
	v62 =	vmul.f32 v16, v62;
	v23 =	vmul.f32 v10, v52  }
0xbc: {  	[tilespmem:$0x1FC60] =	vst v63;
	v3 =	vadd.f32 v46, v3;
	v63 =	vmul.f32 v16, v63;
	v51 =	vmul.f32 v0, v43  }
0xbd: {  	[tilespmem:$0x1FC50] =	vst v52;
	v52 =	vmul.f32 v0, v44;
	v42 =	vmul.f32 v32, v44;
	v25 =	vadd.f32 v29, v25  }
0xbe: {  	v27 =	vadd.f32 v48, v30;
	v30 =	vadd.f32 v55, v49;
	v48 =	vmul.f32 v10, v53  }
0xbf: {  	v6 =	vld.msk [tilespmem:s25+$0xFFFFFFFF ss:$0x0], $0xffff;
	v15 =	vadd.f32 v60, v56;
	v49 =	vmul.f32 v16, v4;
	v10 =	vmul.f32 v10, v54  }
0xc0: {  	[tilespmem:$0x1FC70] =	vst v53;
	v1 =	vadd.f32 v62, v61;
	v16 =	vmul.f32 v16, v5;
	v53 =	vmul.f32 v0, v45  }
0xc1: {  	v23 =	vadd.f32 v63, v23;
	v55 =	vmul.f32 v32, v57;
	v60 =	vmul.f32 v32, v58  }
0xc2: {  	v46 =	vld [tilespmem:s9+$0x5100];
	v17 =	vadd.f32 v51, v17;
	v61 =	vmul.f32 v32, v59;
	v19 =	vadd.f32 v52, v19  }
0xc3: {  	v63 =	vmul.f32 v32, v43;
	v33 =	vadd.f32 v42, v33;
	v35 =	vadd.f32 v49, v48  }
0xc4: {  	v51 =	vmul.f32 v6, v58;
	v16 =	vadd.f32 v16, v10;
	v20 =	vadd.f32 v53, v20  }
0xc5: {  	[tilespmem:$0x1FBB0] =	vst v47;
	v47 =	vld [tilespmem:s12+$0x5100];
	v52 =	vmul.f32 v6, v59;
	v22 =	vadd.f32 v55, v22;
	v24 =	vadd.f32 v60, v24  }
0xc6: {  	[tilespmem:$0x1FC90] =	vst v54;
	v54 =	vld [tilespmem:$0x1FCB0];
	v48 =	vmul.f32 v32, v45;
	v26 =	vadd.f32 v61, v26;
	v31 =	vadd.f32 v63, v31  }
0xc7: {  	v56 =	vld [tilespmem:$0x1FCC0];
	v49 =	vmul.f32 v32, v46;
	v29 =	vadd.f32 v51, v39;
	v39 =	vadd.f32 v52, v41  }
0xc8: {  	v55 =	vmul.f32 v6, v44;
	v17 =	vadd.f32 v17, v17;
	v19 =	vadd.f32 v19, v19  }
0xc9: {  	v36 =	vadd.f32 v48, v36;
	v12 =	vadd.f32 v49, v12  }
0xca: {  	[tilespmem:$0x1FC10] =	vst v50;
	v50 =	vmul.f32 v0, v47;
	v18 =	vadd.f32 v55, v18;
	v22 =	vadd.f32 v22, v22  }
0xcb: {  	v0 =	vmul.f32 v0, v46;
	v24 =	vadd.f32 v24, v24;
	v29 =	vadd.f32 v29, v29  }
0xcc: {  	v62 =	vmul.f32 v32, v47;
	v40 =	vadd.f32 v54, v9;
	v11 =	vadd.f32 v56, v11  }
0xcd: {  	v53 =	vmul.f32 v6, v47;
	v14 =	vadd.f32 v50, v14;
	v37 =	vadd.f32 v0, v2  }
0xce: {  	v50 =	vmul.f32 v6, v57;
	v28 =	vadd.f32 v62, v28;
	v54 =	vmul.f32 v6, v43  }
0xcf: {  	s29 =	sadd.s32 $0x6182, s30;
	v32 =	vld.msk [tilespmem:s25+$0xFFFFFFFE ss:$0x0], $0xffff;
	v56 =	vmul.f32 v6, v45;
	v42 =	vadd.f32 v53, v8;
	v12 =	vadd.f32 v12, v12  }
0xd0: {  	v60 =	vld.msk [tilespmem:s29+$0x1 ss:$0x0], $0xffff;
	v6 =	vmul.f32 v6, v46;
	v18 =	vadd.f32 v18, v18;
	v38 =	vadd.f32 v50, v38  }
0xd1: {  	v48 =	vld [tilespmem:s7+$0x6180];
	v13 =	vadd.f32 v54, v13;
	v10 =	vadd.f32 v56, v3  }
0xd2: {  	v9 =	vadd.f32 v6, v21;
	v54 =	vadd.f32 v7, v7  }
0xd3: {  	v21 =	vadd.f32 v40, v40;
	v11 =	vadd.f32 v11, v11  }
0xd4: {  	[tilespmem:$0x1FCD0] =	vst v57;
	v14 =	vadd.f32 v14, v14;
	v56 =	vadd.f32 v20, v20;
	v57 =	vmul.f32 v32, v57  }
0xd5: {  	[tilespmem:$0x1FCE0] =	vst v58;
	v61 =	vmul.f32 v32, v58;
	v62 =	vmul.f32 v32, v59;
	v58 =	vadd.f32 v36, v36  }
0xd6: {  	v49 =	vld [tilespmem:s10+$0x6180];
	v63 =	vmul.f32 v32, v47;
	v53 =	vadd.f32 v60, v48;
	v13 =	vadd.f32 v13, v13  }
0xd7: {  	[tilespmem:$0x1FC80] =	vst v4;
	v50 =	vmul.f32 v32, v43;
	v10 =	vadd.f32 v10, v10;
	v9 =	vadd.f32 v9, v9  }
0xd8: {  	[tilespmem:$0x1FCA0] =	vst v5;
	v51 =	vmul.f32 v32, v44;
	v8 =	vadd.f32 v57, v25;
	v5 =	vadd.f32 v61, v27  }
0xd9: {  	[tilespmem:$0x1FD00] =	vst v47;
	v47 =	vld [tilespmem:s11+$0x6180];
	v52 =	vmul.f32 v32, v45;
	v0 =	vadd.f32 v62, v30;
	v3 =	vadd.f32 v63, v15  }
0xda: {  	[tilespmem:$0x1FD30] =	vst v45;
	v45 =	vld [tilespmem:s12+$0x6180];
	v55 =	vmul.f32 v32, v46;
	v6 =	vadd.f32 v50, v1;
	v2 =	vadd.f32 v51, v23  }
0xdb: {  	[tilespmem:$0x1FD40] =	vst v46;
	v46 =	vld [tilespmem:s14+$0x6180];
	v4 =	vadd.f32 v52, v35;
	v23 =	vadd.f32 v60, v49  }
0xdc: {  	v32 =	vld.msk [tilespmem:s29+$0xFFFFFFFF ss:$0x0], $0xffff;
	v7 =	vadd.f32 v55, v16;
	v63 =	vadd.f32 v38, v38  }
0xdd: {  	v36 =	vld [tilespmem:s11+$0x7200];
	v15 =	vsub.f32 v53, v54;
	v16 =	vsub.f32 v23, v21  }
0xde: {  	v35 =	vld [tilespmem:s13+$0x6180];
	v8 =	vadd.f32 v8, v8;
	v5 =	vadd.f32 v5, v5  }
0xdf: {  	v50 =	vld [tilespmem:s15+$0x6180];
	v0 =	vadd.f32 v0, v0;
	v3 =	vadd.f32 v3, v3  }
0xe0: {  	v51 =	vld [tilespmem:s9+$0x6180];
	v6 =	vadd.f32 v6, v6;
	v2 =	vadd.f32 v2, v2  }
0xe1: {  	s30 =	sadd.s32 $0x7202, s30;
	v52 =	vld [tilespmem:s10+$0x7200];
	v4 =	vadd.f32 v4, v4;
	v25 =	vadd.f32 v60, v47  }
0xe2: {  	v30 =	vld.msk [tilespmem:s30+$0x1 ss:$0x0], $0xffff;
	v7 =	vadd.f32 v7, v7;
	v20 =	vadd.f32 v60, v45  }
0xe3: {  	[tilespmem:$0x1FD10] =	vst v43;
	v43 =	vimm.s32 $0x0;
	v38 =	vld [tilespmem:s12+$0x7200];
	v11 =	vsub.f32 v25, v11;
	v21 =	vadd.f32 v60, v35  }
0xe4: {  	[tilespmem:$0x1FD20] =	vst v44;
	v44 =	vimm.s32 $0x0;
	v23 =	vld.msk [tilespmem:s29+$0x0 ss:$0x0], $0xffff;
	v25 =	vadd.f32 v60, v46;
	v27 =	vadd.f32 v60, v50  }
0xe5: {  	v40 =	vld [tilespmem:s15+$0x7200];
	vm8 =	vlt.f32 v15, $2.500000000e-01;
	v14 =	vsub.f32 v20, v14;
	v20 =	vadd.f32 v60, v51  }
0xe6: {  	v41 =	vld [tilespmem:s9+$0x7200];
	vm9 =	vlt.f32 v16, $2.500000000e-01;
	v54 =	vadd.f32 v32, v50;
	v55 =	vadd.f32 v32, v51  }
0xe7: {  	v53 =	vld [tilespmem:s14+$0x7200];
	vm2 =	veq.s32 v52, v30;
	v17 =	vsub.f32 v21, v17;
	v19 =	vsub.f32 v25, v19  }
0xe8: {  	vm3 =	veq.s32 v36, v30;
	v1 =	vsub.f32 v27, v56;
	v21 =	vadd.f32 v37, v37  }
0xe9: {  	vm4 =	veq.s32 v38, v30;
	v25 =	vadd.f32 v26, v26;
	v26 =	vadd.f32 v23, v48  }
0xea: {  	vm7 =	veq.s32 v40, v30;
	v27 =	vadd.f32 v23, v49;
	v57 =	vadd.f32 v23, v47  }
0xeb: {  	[tilespmem:$0x1FCF0] =	vst v59;
	vm0 =	veq.s32 v41, v30;
	v59 =	vadd.f32 v23, v45;
	v60 =	vadd.f32 v23, v35  }
0xec: {  	vm6 =	veq.s32 v53, v30;
	v61 =	vadd.f32 v23, v46;
	v62 =	vadd.f32 v23, v50  }
0xed: {  	vm2 =	vmand vm2, vm9;
	v23 =	vadd.f32 v23, v51;
	v56 =	vadd.f32 v39, v39  }
0xee: {  	vm10 =	vlt.f32 v11, $2.500000000e-01;
	v10 =	vsub.f32 v54, v10;
	v9 =	vsub.f32 v55, v9  }
0xef: {  	vm11 =	vlt.f32 v14, $2.500000000e-01;
	v20 =	vsub.f32 v20, v21;
	v21 =	vsub.f32 v26, v22  }
0xf0: {  	v16 =	vld.msk [tilespmem:s29+$0xFFFFFFFE ss:$0x0], $0xffff;
	v54 =	vimm.s32 $0x0;
	v22 =	vsub.f32 v27, v24;
	v24 =	vsub.f32 v57, v25  }
0xf1: {  	v55 =	vimm.s32 $0x0;
	v25 =	vadd.f32 v28, v28;
	v26 =	vadd.f32 v31, v31  }
0xf2: {  	vm3 =	vmand vm3, vm10;
	v27 =	vadd.f32 v33, v33;
	v28 =	vsub.f32 v62, v58  }
0xf3: {  	vm4 =	vmand vm4, vm11;
	v57 =	vadd.f32 v32, v48;
	v58 =	vadd.f32 v32, v49  }
0xf4: {  	v12 =	vsub.f32 v23, v12;
	v62 =	vadd.f32 v32, v35;
	vm12 =	vlt.f32 v17, $2.500000000e-01  }
0xf5: {  	[tilespmem:$0x1FEB0] =	vst v50;
	vm13 =	vlt.f32 v19, $2.500000000e-01;
	v19 =	vadd.f32 v16, v48;
	v50 =	vadd.f32 v16, v50  }
0xf6: {  	vm15 =	vlt.f32 v1, $2.500000000e-01;
	v25 =	vsub.f32 v59, v25;
	v26 =	vsub.f32 v60, v26  }
0xf7: {  	v33 =	vimm.s32 $0x0;
	v27 =	vsub.f32 v61, v27;
	v59 =	vadd.f32 v32, v47  }
0xf8: {  	[tilespmem:$0x1FE20] =	vst v48;
	v48 =	vimm.s32 $0x0;
	v23 =	vsub.f32 v57, v63;
	v29 =	vsub.f32 v58, v29  }
0xf9: {  	v37 =	vld [tilespmem:s7+$0x7200];
	vm6 =	vmand vm6, vm13;
	v60 =	vadd.f32 v42, v42;
	v61 =	vadd.f32 v32, v45  }
0xfa: {  	v39 =	vld [tilespmem:s13+$0x7200];
	vm7 =	vmand vm7, vm15;
	v63 =	vadd.f32 v32, v46;
	v13 =	vsub.f32 v62, v13  }
0xfb: {  	vm14 =	vlt.f32 v21, $2.500000000e-01;
	v42 =	vimm.s32 $0x0;
	v57 =	vimm.s32 $0x0  }
0xfc: {  	v58 =	vimm.s32 $0x0;
	v62 =	vimm.s32 $0x0;
	v8 =	vsub.f32 v19, v8  }
0xfd: {  	v32 =	vimm.s32 $0x0;
	v19 =	vadd.f32 v16, v46;
	v4 =	vsub.f32 v50, v4  }
0xfe: {  	v21 =	vimm.f32 $0.0e+00;
	vm1 =	veq.s32 v37, v30;
	v31 =	vsub.f32 v59, v56  }
0xff: {  	vm5 =	veq.s32 v39, v30;
	v30 =	vsub.f32 v61, v60;
	v18 =	vsub.f32 v63, v18  }
0x100: {  	v17 =	vld.msk [tilespmem:s30+$0xFFFFFFFF ss:$0x0], $0xffff;
	vm1 =	vmand vm1, vm8;
	vm5 =	vmand vm5, vm12;
	v56 =	vimm.s32 $0x0  }
0x101: {  	[tilespmem:$0x1FFE0] =	vst v41;
	v11 =	vld.msk [tilespmem:s30+$0x0 ss:$0x0], $0xffff;
	v59 =	vimm.s32 $0x0;
	v60 =	vimm.s32 $0x0;
	v61 =	vimm.s32 $0x0  }
0x102: {  	[tilespmem:$0x1FE40] =	vst v49;
	v63 =	vimm.s32 $0x0;
	v2 =	vsub.f32 v19, v2;
	v19 =	vimm.f32 $0.0e+00  }
0x103: {  	[tilespmem:$0x1FFC0] =	vst v40;
	vm9 =	vlt.f32 v8, $2.500000000e-01;
	vm8 =	vlt.f32 v4, $2.500000000e-01;
	v1 =	vsel vm1, $0xFFFFFFFF, v33  }
0x104: {  	[tilespmem:$0x1FE50] =	vst v47;
	vm1 =	vlt.f32 v20, $2.500000000e-01;
	v33 =	vimm.s32 $0x0;
	v20 =	vimm.s32 $0x0  }
0x105: {  	vm11 =	veq.s32 v40, v17;
	vm13 =	veq.s32 v41, v17;
	[tilespmem:$0x1FD50] =	vst v1;
	v1 =	vsel vm2, $0xFFFFFFFF, v42  }
0x106: {  	[tilespmem:$0x1FE70] =	vst v45;
	vm2 =	vlt.f32 v22, $2.500000000e-01;
	vm15 =	vmand vm0, vm1;
	vm0 =	veq.s32 v39, v11  }
0x107: {  	[tilespmem:$0x1FEA0] =	vst v46;
	v42 =	vadd.f32 v16, v49;
	v49 =	vadd.f32 v16, v35;
	v22 =	vimm.f32 $0.0e+00  }
0x108: {  	[tilespmem:$0x1FD60] =	vst v1;
	v1 =	vsel vm3, $0xFFFFFFFF, v43;
	vm3 =	vlt.f32 v24, $2.500000000e-01;
	v43 =	vadd.f32 v16, v47  }
0x109: {  	v47 =	vadd.f32 v16, v45;
	v16 =	vadd.f32 v16, v51;
	[tilespmem:$0x1FD70] =	vst v1;
	v1 =	vsel vm4, $0xFFFFFFFF, v44  }
0x10a: {  	v24 =	vimm.f32 $0.0e+00;
	vm4 =	vlt.f32 v25, $2.500000000e-01;
	[tilespmem:$0x1FD80] =	vst v1;
	v1 =	vsel vm5, $0xFFFFFFFF, v56  }
0x10b: {  	vm5 =	veq.s32 v37, v11;
	[tilespmem:$0x1FD90] =	vst v1;
	v1 =	vsel vm6, $0xFFFFFFFF, v57;
	vm6 =	vlt.f32 v26, $2.500000000e-01  }
0x10c: {  	vm5 =	vmand vm5, vm14;
	[tilespmem:$0x1FDA0] =	vst v1;
	v1 =	vsel vm7, $0xFFFFFFFF, v58;
	vm7 =	veq.s32 v52, v11  }
0x10d: {  	[tilespmem:$0x1FDB0] =	vst v1;
	v1 =	vsel vm5, $0xFFFFFFFF, v59;
	vm5 =	veq.s32 v36, v11;
	vm2 =	vmand vm7, vm2  }
0x10e: {  	[tilespmem:$0x1FDC0] =	vst v1;
	v1 =	vsel vm2, $0xFFFFFFFF, v60;
	vm2 =	veq.s32 v38, v11;
	vm1 =	vmand vm5, vm3  }
0x10f: {  	vm0 =	vmand vm0, vm6;
	[tilespmem:$0x1FDD0] =	vst v1;
	v1 =	vsel vm1, $0xFFFFFFFF, v61;
	vm2 =	vmand vm2, vm4  }
0x110: {  	vm1 =	veq.s32 v53, v11;
	[tilespmem:$0x1FDE0] =	vst v1;
	v1 =	vsel vm2, $0xFFFFFFFF, v62;
	vm2 =	vlt.f32 v27, $2.500000000e-01  }
0x111: {  	v44 =	vimm.s32 $0x0;
	[tilespmem:$0x1FDF0] =	vst v1;
	v1 =	vsel vm0, $0xFFFFFFFF, v63;
	vm1 =	vmand vm1, vm2  }
0x112: {  	vm0 =	veq.s32 v40, v11;
	[tilespmem:$0x1FE00] =	vst v1;
	v1 =	vsel vm1, $0xFFFFFFFF, v32;
	vm1 =	vlt.f32 v28, $2.500000000e-01  }
0x113: {  	[tilespmem:$0x1FF40] =	vst v36;
	v5 =	vsub.f32 v42, v5;
	v6 =	vsub.f32 v49, v6;
	vm0 =	vmand vm0, vm1  }
0x114: {  	[tilespmem:$0x1FE10] =	vst v1;
	vm1 =	vlt.f32 v12, $2.500000000e-01;
	v1 =	vsel vm0, $0xFFFFFFFF, v33;
	vm0 =	veq.s32 v41, v11  }
0x115: {  	[tilespmem:$0x1FE90] =	vst v35;
	v25 =	vimm.f32 $0.0e+00;
	v0 =	vsub.f32 v43, v0;
	vm0 =	vmand vm0, vm1  }
0x116: {  	[tilespmem:$0x1FE30] =	vst v1;
	vm1 =	vlt.f32 v23, $2.500000000e-01;
	v1 =	vsel vm0, $0xFFFFFFFF, v44;
	vm0 =	veq.s32 v37, v17  }
0x117: {  	[tilespmem:$0x1FEC0] =	vst v51;
	v3 =	vsub.f32 v47, v3;
	v7 =	vsub.f32 v16, v7;
	vm0 =	vmand vm0, vm1  }
0x118: {  	[tilespmem:$0x1FE60] =	vst v1;
	vm1 =	vlt.f32 v29, $2.500000000e-01;
	v1 =	vsel vm0, $0xFFFFFFFF, v48;
	vm0 =	veq.s32 v52, v17  }
0x119: {  	[tilespmem:$0x1FF20] =	vst v52;
	vm12 =	vmand vm0, vm1;
	vm0 =	vlt.f32 v31, $2.500000000e-01;
	vm1 =	veq.s32 v36, v17  }
0x11a: {  	[tilespmem:$0x1FF60] =	vst v38;
	v57 =	vimm.s32 $0x0;
	v58 =	vimm.s32 $0x0;
	vm0 =	vmand vm1, vm0  }
0x11b: {  	[tilespmem:$0x1FFA0] =	vst v53;
	vm1 =	veq.s32 v38, v17;
	v20 =	vsel vm0, $0xFFFFFFFF, v20;
	vm0 =	vlt.f32 v30, $2.500000000e-01  }
0x11c: {  	v56 =	vld.msk [tilespmem:s30+$0xFFFFFFFE ss:$0x0], $0xffff;
	vm6 =	vlt.f32 v2, $2.500000000e-01;
	[tilespmem:$0x1FED0] =	vst v20;
	vm0 =	vmand vm1, vm0;
	v20 =	vimm.s32 $0x0  }
0x11d: {  	[tilespmem:$0x1FF10] =	vst v37;
	vm1 =	vlt.f32 v13, $2.500000000e-01;
	v20 =	vsel vm0, $0xFFFFFFFF, v20;
	vm0 =	veq.s32 v39, v17  }
0x11e: {  	[tilespmem:$0x1FF80] =	vst v39;
	v59 =	vimm.s32 $0x0;
	vm7 =	vlt.f32 v7, $2.500000000e-01;
	vm0 =	vmand vm0, vm1  }
0x11f: {  	[tilespmem:$0x1FE80] =	vst v1;
	vm1 =	vlt.f32 v18, $2.500000000e-01;
	v13 =	vsel vm0, $0xFFFFFFFF, v54;
	vm0 =	veq.s32 v53, v17  }
0x120: {  	v60 =	vimm.s32 $0x0;
	vm3 =	vlt.f32 v0, $2.500000000e-01;
	[tilespmem:$0x1FEE0] =	vst v20;
	vm0 =	vmand vm0, vm1  }
0x121: {  	vm5 =	vlt.f32 v3, $2.500000000e-01;
	[tilespmem:$0x1FEF0] =	vst v13;
	v11 =	vsel vm0, $0xFFFFFFFF, v55;
	vm0 =	veq.s32 v52, v56  }
0x122: {  	vm10 =	veq.s32 v37, v56;
	[tilespmem:$0x1FF00] =	vst v11;
	v1 =	vsel vm0, $0xFFFFFFFF, v57;
	vm0 =	veq.s32 v36, v56  }
0x123: {  	v61 =	vimm.s32 $0x0;
	[tilespmem:$0x1FF30] =	vst v1;
	v1 =	vsel vm0, $0xFFFFFFFF, v58;
	vm0 =	veq.s32 v38, v56  }
0x124: {  	p0 =	sne.s32 s31, $0x1;
	vm4 =	vlt.f32 v6, $2.500000000e-01;
	[tilespmem:$0x1FF50] =	vst v1;
	v1 =	vsel vm0, $0xFFFFFFFF, v59;
	vm0 =	veq.s32 v39, v56  }
.Ltmp6:
0x125: {  	v62 =	vimm.s32 $0x0;
	[tilespmem:$0x1FF70] =	vst v1;
	v1 =	vsel vm0, $0xFFFFFFFF, v60;
	vm0 =	veq.s32 v53, v56;
	(pc) =	sbr.rel @!p0 .LBB2_9-.Ltmp6, $4  }
0x126: {  	v63 =	vimm.s32 $0x0;
	[tilespmem:$0x1FF90] =	vst v1;
	v1 =	vsel vm0, $0xFFFFFFFF, v61;
	vm0 =	veq.s32 v40, v56  }
0x127: {  	vm2 =	vlt.f32 v5, $2.500000000e-01;
	[tilespmem:$0x1FFB0] =	vst v1;
	v1 =	vsel vm0, $0xFFFFFFFF, v62;
	vm0 =	veq.s32 v41, v56  }
0x128: {  	v23 =	vimm.f32 $0.0e+00;
	v18 =	vimm.f32 $0.0e+00;
	[tilespmem:$0x1FFD0] =	vst v1;
	v1 =	vsel vm0, $0xFFFFFFFF, v63  }
0x129: {  	s31 =	sadd.s32 $0xFFFFFFFF, s31;
	v20 =	vimm.f32 $0.0e+00;
	vm1 =	vlt.f32 v9, $2.500000000e-01;
	vm0 =	vlt.f32 v10, $2.500000000e-01;
	[tilespmem:$0x1FFF0] =	vst v1  }
.LBB2_8:
0x12a: {  	v0 =	vld [tilespmem:$0x1FF30]  }
0x12b: {  	v39 =	vld [tilespmem:$0x1FF50]  }
0x12c: {  	v40 =	vld [tilespmem:$0x1FF70]  }
0x12d: {  	v41 =	vld [tilespmem:$0x1FF90]  }
0x12e: {  	v42 =	vld [tilespmem:$0x1FFB0]  }
0x12f: {  	v43 =	vld [tilespmem:$0x1FFD0]  }
0x130: {  	v44 =	vld [tilespmem:$0x1FFF0]  }
0x131: {  	v38 =	vld [tilespmem:$0x1FE30]  }
0x132: {  	v45 =	vld [tilespmem:$0x1FD50]  }
0x133: {  	vm9 =	vmand vm10, vm9;
	v1 =	vld [tilespmem:$0x1FD60]  }
0x134: {  	vm0 =	vmand vm11, vm0;
	vm1 =	vmand vm13, vm1;
	v46 =	vld [tilespmem:$0x1FD70];
	v13 =	vsel vm12, $0x3F800000, v34  }
0x135: {  	v47 =	vld [tilespmem:$0x1FD80];
	v15 =	vsel vm9, $0x3F800000, v34;
	v35 =	vsel vm0, $0x3F800000, v34;
	v37 =	vsel vm1, $0x3F800000, v34  }
0x136: {  	v48 =	vld [tilespmem:$0x1FD90];
	v15 =	vadd.f32 v15, v18;
	vm10 =	vnez.u8 v0;
	vm0 =	vnez.u8 v38  }
0x137: {  	v49 =	vld [tilespmem:$0x1FDC0];
	vm10 =	vmand vm10, vm2;
	vm2 =	vnez.u8 v39;
	v39 =	vsel vm0, $0x3F800000, v34  }
0x138: {  	v50 =	vld [tilespmem:$0x1FDD0];
	vm11 =	vmand vm2, vm3;
	vm2 =	vnez.u8 v40;
	v16 =	vsel vm10, $0x3F800000, v34  }
0x139: {  	v51 =	vld [tilespmem:$0x1FDA0];
	vm13 =	vmand vm2, vm5;
	vm2 =	vnez.u8 v41;
	v17 =	vsel vm11, $0x3F800000, v34  }
0x13a: {  	v52 =	vld [tilespmem:$0x1FDE0];
	v16 =	vadd.f32 v16, v25;
	vm5 =	vmand vm2, vm4;
	vm2 =	vnez.u8 v42  }
0x13b: {  	v53 =	vld [tilespmem:$0x1FDF0];
	v18 =	vsel vm13, $0x3F800000, v34;
	v17 =	vadd.f32 v17, v19;
	vm4 =	vmand vm2, vm6  }
0x13c: {  	v54 =	vld [tilespmem:$0x1FE00];
	vm2 =	vnez.u8 v43;
	vm6 =	vnez.u8 v45;
	v18 =	vadd.f32 v18, v24  }
0x13d: {  	v55 =	vld [tilespmem:$0x1FE80];
	v13 =	vadd.f32 v13, v16;
	v62 =	vsel vm5, $0x3F800000, v34;
	v45 =	vsel vm15, $0x3F800000, v34  }
0x13e: {  	v56 =	vld [tilespmem:$0x1FE10];
	vm3 =	vmand vm2, vm8;
	v0 =	vsel vm6, $0x3F800000, v34;
	vm6 =	vnez.u8 v1  }
0x13f: {  	v40 =	vld [tilespmem:$0x1FE60];
	vm2 =	vnez.u8 v44;
	v2 =	vsel vm6, $0x3F800000, v34;
	vm6 =	vnez.u8 v46  }
0x140: {  	v57 =	vld [tilespmem:$0x1FED0];
	v63 =	vsel vm4, $0x3F800000, v34;
	v3 =	vsel vm6, $0x3F800000, v34;
	vm6 =	vnez.u8 v47  }
0x141: {  	v58 =	vld [tilespmem:$0x1FEE0];
	vm2 =	vmand vm2, vm7;
	v4 =	vsel vm6, $0x3F800000, v34;
	vm6 =	vnez.u8 v48  }
0x142: {  	s25 =	sadd.s32 $0x4, s25;
	v42 =	vld [tilespmem:$0x1FDB0];
	v28 =	vsel vm3, $0x3F800000, v34;
	v5 =	vsel vm6, $0x3F800000, v34;
	vm6 =	vnez.u8 v49  }
0x143: {  	v36 =	vld.msk [tilespmem:s25+$0x1 ss:$0x0], $0xffff;
	v32 =	vadd.f32 v63, v23;
	v6 =	vsel vm6, $0x3F800000, v34;
	vm6 =	vnez.u8 v50  }
0x144: {  	vm0 =	vnez.u8 v40;
	v48 =	vld [tilespmem:$0x1FCE0];
	v7 =	vsel vm6, $0x3F800000, v34;
	vm6 =	vnez.u8 v51  }
0x145: {  	v60 =	vld [tilespmem:$0x1FEF0];
	v33 =	vsel vm2, $0x3F800000, v34;
	v8 =	vsel vm6, $0x3F800000, v34;
	vm6 =	vnez.u8 v52  }
0x146: {  	v41 =	vsel vm0, $0x3F800000, v34;
	v51 =	vld [tilespmem:$0x1FCF0];
	v9 =	vsel vm6, $0x3F800000, v34;
	vm6 =	vnez.u8 v53  }
0x147: {  	vm0 =	vnez.u8 v42;
	v53 =	vld [tilespmem:$0x1FD00];
	v10 =	vsel vm6, $0x3F800000, v34;
	vm6 =	vnez.u8 v54  }
0x148: {  	v44 =	vld.msk [tilespmem:s25+$0x0 ss:$0x0], $0xffff;
	v7 =	vadd.f32 v7, v13;
	v11 =	vsel vm6, $0x3F800000, v34;
	vm6 =	vnez.u8 v55  }
0x149: {  	v61 =	vld [tilespmem:$0x1FF00];
	v49 =	vmul.f32 v36, v48;
	v12 =	vsel vm6, $0x3F800000, v34;
	vm6 =	vnez.u8 v56  }
0x14a: {  	v47 =	vld [tilespmem:$0x1FCD0];
	v14 =	vsel vm6, $0x3F800000, v34;
	vm6 =	vnez.u8 v57;
	v12 =	vadd.f32 v12, v15  }
0x14b: {  	v52 =	vmul.f32 v36, v51;
	v19 =	vsel vm6, $0x3F800000, v34;
	vm6 =	vnez.u8 v58  }
0x14c: {  	[tilespmem:$0x1F5B0] =	vst v49;
	v54 =	vmul.f32 v36, v53;
	v55 =	vmovc v53;
	v59 =	vsel vm6, $0x3F800000, v34;
	v6 =	vadd.f32 v6, v12  }
0x14d: {  	v57 =	vld [tilespmem:$0x1FD10];
	[tilespmem:$0x1F5C0] =	vst v52;
	v16 =	vadd.f32 v19, v17;
	vm6 =	vnez.u8 v60;
	v38 =	vmul.f32 v44, v55  }
0x14e: {  	v15 =	vadd.f32 v59, v18;
	v17 =	vsel vm6, $0x3F800000, v34;
	[tilespmem:$0x1F5D0] =	vst v54;
	v0 =	vadd.f32 v0, v6  }
0x14f: {  	vm6 =	vnez.u8 v61;
	v9 =	vadd.f32 v9, v16;
	v16 =	vmul.f32 v36, v47;
	[tilespmem:$0x1F650] =	vst v38  }
0x150: {  	v63 =	vld [tilespmem:$0x1FD30];
	v43 =	vsel vm0, $0x3F800000, v34;
	v18 =	vsel vm6, $0x3F800000, v34;
	v34 =	vmul.f32 v44, v47;
	[tilespmem:$0x1F8F0] =	vst v0  }
0x151: {  	s29 =	sadd.s32 $0x4, s29;
	v26 =	vld [tilespmem:$0x1FE20];
	v10 =	vadd.f32 v10, v15;
	v15 =	vadd.f32 v2, v7;
	[tilespmem:$0x1F5A0] =	vst v16  }
0x152: {  	v12 =	vld.msk [tilespmem:s29+$0xFFFFFFFF ss:$0x0], $0xffff;
	v58 =	vmul.f32 v36, v57;
	[tilespmem:$0x1F620] =	vst v34  }
0x153: {  	v59 =	vld [tilespmem:$0x1FD20];
	v40 =	vmul.f32 v44, v57;
	[tilespmem:$0x1F900] =	vst v15  }
0x154: {  	v29 =	vadd.f32 v3, v9;
	[tilespmem:$0x1F5E0] =	vst v58  }
0x155: {  	v31 =	vadd.f32 v62, v22;
	v61 =	vld.msk [tilespmem:s29+$0x0 ss:$0x0], $0xffff;
	v0 =	vadd.f32 v28, v20;
	v28 =	vmul.f32 v36, v63;
	[tilespmem:$0x1F660] =	vst v40  }
0x156: {  	v30 =	vadd.f32 v4, v10;
	[tilespmem:$0x1F8B0] =	vst v29  }
0x157: {  	v2 =	vadd.f32 v17, v31;
	v55 =	vadd.f32 v12, v26;
	[tilespmem:$0x1F600] =	vst v28  }
0x158: {  	v3 =	vadd.f32 v18, v32;
	v60 =	vmul.f32 v36, v59;
	[tilespmem:$0x1F8D0] =	vst v30  }
0x159: {  	v2 =	vadd.f32 v11, v2;
	v0 =	vadd.f32 v35, v0;
	v35 =	vmul.f32 v44, v48;
	[tilespmem:$0x1F7A0] =	vst v55  }
0x15a: {  	v32 =	vld [tilespmem:$0x1FE50];
	v4 =	vadd.f32 v33, v21;
	v49 =	vadd.f32 v61, v26;
	[tilespmem:$0x1F5F0] =	vst v60  }
0x15b: {  	v34 =	vld [tilespmem:$0x1FE70];
	v3 =	vadd.f32 v14, v3;
	v11 =	vadd.f32 v5, v2;
	[tilespmem:$0x1F630] =	vst v35  }
0x15c: {  	v9 =	vld [tilespmem:$0x1FEC0];
	v4 =	vadd.f32 v37, v4;
	v37 =	vmul.f32 v44, v51;
	[tilespmem:$0x1F720] =	vst v49  }
0x15d: {  	s26 =	sadd.s32 $0x4, s26;
	v27 =	vld [tilespmem:$0x1FC80];
	v8 =	vadd.f32 v8, v3;
	[tilespmem:$0x1F8A0] =	vst v11  }
0x15e: {  	v25 =	vld.msk [tilespmem:s26+$0xFFFFFFFE ss:$0x0], $0xffff;
	v4 =	vadd.f32 v41, v4;
	[tilespmem:$0x1F640] =	vst v37;
	v41 =	vmul.f32 v44, v59  }
0x15f: {  	v1 =	vld [tilespmem:$0x1FE90];
	v52 =	vadd.f32 v61, v32;
	[tilespmem:$0x1F8C0] =	vst v8  }
0x160: {  	v10 =	vld.msk [tilespmem:s29+$0x1 ss:$0x0], $0xffff;
	v18 =	vadd.f32 v61, v34;
	[tilespmem:$0x1F670] =	vst v41  }
0x161: {  	v23 =	vld [tilespmem:$0x1FC60];
	v54 =	vadd.f32 v61, v9;
	[tilespmem:$0x1F740] =	vst v52  }
0x162: {  	v13 =	vld [tilespmem:$0x1FBF0];
	v0 =	vadd.f32 v39, v0;
	v58 =	vadd.f32 v12, v32;
	[tilespmem:$0x1F750] =	vst v18  }
0x163: {  	v19 =	vld [tilespmem:$0x1FC30];
	v59 =	vadd.f32 v12, v34;
	[tilespmem:$0x1F790] =	vst v54  }
0x164: {  	v6 =	vld [tilespmem:$0x1FEB0];
	v0 =	vadd.f32 v43, v0;
	[tilespmem:$0x1F7C0] =	vst v58  }
0x165: {  	v17 =	vld [tilespmem:$0x1FC20];
	v50 =	vadd.f32 v10, v26;
	[tilespmem:$0x1F7D0] =	vst v59  }
0x166: {  	v29 =	vld [tilespmem:$0x1FD40];
	v62 =	vadd.f32 v10, v32;
	[tilespmem:$0x1F8E0] =	vst v0  }
0x167: {  	v15 =	vld [tilespmem:$0x1FC10];
	v39 =	vadd.f32 v10, v1;
	[tilespmem:$0x1F6A0] =	vst v50  }
0x168: {  	v21 =	vld [tilespmem:$0x1FC50];
	v43 =	vmul.f32 v44, v63;
	[tilespmem:$0x1F6C0] =	vst v62  }
0x169: {  	v2 =	vld.msk [tilespmem:s26+$0x1 ss:$0x0], $0xffff;
	v48 =	vadd.f32 v10, v9;
	[tilespmem:$0x1F6E0] =	vst v39  }
0x16a: {  	v30 =	vld [tilespmem:$0x1FE40];
	v46 =	vadd.f32 v45, v4;
	[tilespmem:$0x1F680] =	vst v43  }
0x16b: {  	v5 =	vld [tilespmem:$0x1FEA0];
	v7 =	vmul.f32 v36, v29;
	[tilespmem:$0x1F710] =	vst v48  }
0x16c: {  	s28 =	sadd.s32 $0x4, s28;
	v14 =	vld [tilespmem:$0x1FBE0];
	v36 =	vadd.f32 v10, v34;
	[tilespmem:$0x1F880] =	vst v46  }
0x16d: {  	v3 =	vld.msk [tilespmem:s28+$0x1 ss:$0x0], $0xffff;
	v45 =	vadd.f32 v10, v6;
	[tilespmem:$0x1F610] =	vst v7  }
0x16e: {  	v16 =	vld [tilespmem:$0x1FC00];
	v4 =	vadd.f32 v12, v6;
	[tilespmem:$0x1F6D0] =	vst v36  }
0x16f: {  	v20 =	vld [tilespmem:$0x1FC40];
	v31 =	vmov v29;
	v56 =	vadd.f32 v10, v30;
	[tilespmem:$0x1F700] =	vst v45  }
0x170: {  	v33 =	vld [tilespmem:$0x1FCA0];
	v42 =	vadd.f32 v10, v5;
	v44 =	vmul.f32 v44, v31;
	v51 =	vmul.f32 v2, v13;
	[tilespmem:$0x1F800] =	vst v4  }
0x171: {  	v11 =	vld.msk [tilespmem:s28+$0x0 ss:$0x0], $0xffff;
	v40 =	vmul.f32 v2, v15;
	v18 =	vmul.f32 v2, v19;
	[tilespmem:$0x1F6B0] =	vst v56  }
0x172: {  	v8 =	vld [tilespmem:$0x1FBB0];
	v50 =	vadd.f32 v61, v30;
	v43 =	vmul.f32 v2, v21;
	v36 =	vmul.f32 v3, v14;
	[tilespmem:$0x1F6F0] =	vst v42  }
0x173: {  	v29 =	vld [tilespmem:$0x1FC90];
	v38 =	vmul.f32 v3, v16;
	v39 =	vmul.f32 v3, v17;
	[tilespmem:$0x1F690] =	vst v44  }
0x174: {  	v10 =	vld.msk [tilespmem:s26+$0x0 ss:$0x0], $0xffff;
	v62 =	vadd.f32 v12, v1;
	v41 =	vmul.f32 v3, v20;
	[tilespmem:$0x1F730] =	vst v50;
	v42 =	vmul.f32 v3, v23  }
0x175: {  	v0 =	vld [tilespmem:$0x1FBD0];
	v63 =	vadd.f32 v12, v5;
	[tilespmem:$0x1F540] =	vst v51;
	v50 =	vmul.f32 v3, v27;
	v51 =	vmul.f32 v3, v33  }
0x176: {  	v7 =	vld [tilespmem:$0x1FBC0];
	[tilespmem:$0x1F550] =	vst v18;
	v18 =	vadd.f32 v61, v1;
	v54 =	vmul.f32 v11, v14;
	v44 =	vmul.f32 v11, v16  }
0x177: {  	v24 =	vld [tilespmem:$0x1FC70];
	v56 =	vadd.f32 v12, v30;
	[tilespmem:$0x1F7E0] =	vst v62;
	v49 =	vmul.f32 v11, v23;
	v22 =	vmul.f32 v11, v33  }
0x178: {  	v45 =	vld.msk [tilespmem:s29+$0xFFFFFFFE ss:$0x0], $0xffff;
	[tilespmem:$0x1F7F0] =	vst v63;
	v46 =	vmul.f32 v2, v8;
	v39 =	vadd.f32 v39, v40;
	v40 =	vmul.f32 v25, v13  }
0x179: {  	v52 =	vmul.f32 v2, v29;
	[tilespmem:$0x1F7B0] =	vst v56;
	v56 =	vmul.f32 v11, v27  }
0x17a: {  	[tilespmem:$0x1F760] =	vst v18;
	v18 =	vadd.f32 v61, v5;
	v37 =	vmul.f32 v2, v0;
	v53 =	vmul.f32 v10, v8  }
0x17b: {  	[tilespmem:$0x1F520] =	vst v46;
	v55 =	vmul.f32 v10, v0;
	v47 =	vmul.f32 v3, v7  }
0x17c: {  	v12 =	vadd.f32 v12, v9;
	v57 =	vmul.f32 v10, v13;
	[tilespmem:$0x1F770] =	vst v18;
	v18 =	vmul.f32 v2, v24  }
0x17d: {  	v58 =	vmul.f32 v10, v15;
	v46 =	vmul.f32 v11, v17;
	v28 =	vadd.f32 v45, v26;
	[tilespmem:$0x1F530] =	vst v47  }
0x17e: {  	v60 =	vmul.f32 v10, v19;
	v5 =	vadd.f32 v45, v5;
	[tilespmem:$0x1F560] =	vst v18;
	v18 =	vadd.f32 v61, v6;
	v61 =	vld.msk [tilespmem:s28+$0xFFFFFFFF ss:$0x0], $0xffff  }
0x17f: {  	v48 =	vmul.f32 v10, v21;
	v31 =	vadd.f32 v45, v30;
	v32 =	vadd.f32 v45, v32;
	[tilespmem:$0x1F820] =	vst v28;
	v28 =	vld.msk [tilespmem:s28+$0xFFFFFFFE ss:$0x0], $0xffff  }
0x180: {  	v63 =	vmul.f32 v10, v24;
	v4 =	vadd.f32 v45, v34;
	v1 =	vadd.f32 v45, v1;
	[tilespmem:$0x1F870] =	vst v5;
	v5 =	vld [tilespmem:$0x1F520]  }
0x181: {  	v2 =	vmul.f32 v25, v8;
	[tilespmem:$0x1F570] =	vst v53;
	v6 =	vadd.f32 v45, v6;
	v45 =	vadd.f32 v45, v9;
	v9 =	vld [tilespmem:$0x1F530]  }
0x182: {  	v51 =	vadd.f32 v51, v52;
	v52 =	vmul.f32 v25, v15;
	v53 =	vmul.f32 v11, v7;
	[tilespmem:$0x1F780] =	vst v18;
	v18 =	vld.msk [tilespmem:s26+$0xFFFFFFFF ss:$0x0], $0xffff  }
0x183: {  	[tilespmem:$0x1F590] =	vst v60;
	v60 =	vmul.f32 v10, v29;
	v47 =	vmul.f32 v11, v20  }
0x184: {  	[tilespmem:$0x1F810] =	vst v12;
	v48 =	vadd.f32 v49, v48;
	v49 =	vld [tilespmem:$0x1FD10];
	v59 =	vmul.f32 v61, v7;
	v26 =	vmul.f32 v61, v14  }
0x185: {  	v36 =	vadd.f32 v36, v37;
	[tilespmem:$0x1F830] =	vst v31;
	v31 =	vmul.f32 v61, v16;
	v37 =	vmul.f32 v28, v14;
	v14 =	vld [tilespmem:$0x1F550]  }
0x186: {  	[tilespmem:$0x1F860] =	vst v1;
	v30 =	vmul.f32 v61, v17;
	v1 =	vmul.f32 v28, v7;
	v7 =	vadd.f32 v22, v60;
	v22 =	vld.msk [tilespmem:s25+$0xFFFFFFFF ss:$0x0], $0xffff  }
0x187: {  	[tilespmem:$0x1F580] =	vst v57;
	v12 =	vmul.f32 v61, v20;
	v62 =	vmul.f32 v18, v8;
	v8 =	vadd.f32 v9, v5;
	v9 =	vld [tilespmem:$0x1F540]  }
0x188: {  	v42 =	vadd.f32 v42, v43;
	[tilespmem:$0x1F850] =	vst v4;
	v4 =	vmul.f32 v61, v23;
	v35 =	vmul.f32 v18, v13;
	v13 =	vld [tilespmem:$0x1F570]  }
0x189: {  	v56 =	vadd.f32 v56, v63;
	[tilespmem:$0x1F840] =	vst v32;
	v57 =	vmul.f32 v18, v0;
	v32 =	vmul.f32 v18, v15;
	v15 =	vld [tilespmem:$0x1F590]  }
0x18a: {  	v3 =	vmul.f32 v61, v27;
	v34 =	vmul.f32 v18, v19;
	v60 =	vadd.f32 v31, v35;
	v31 =	vld.msk [tilespmem:s25+$0xFFFFFFFE ss:$0x0], $0xffff  }
0x18b: {  	v63 =	vadd.f32 v59, v62;
	v59 =	vadd.f32 v26, v57;
	v26 =	vmul.f32 v28, v23;
	v23 =	vld [tilespmem:$0x1FCF0]  }
0x18c: {  	v61 =	vmul.f32 v61, v33;
	v43 =	vmul.f32 v28, v16;
	v57 =	vadd.f32 v12, v34;
	v34 =	vld [tilespmem:$0x1F5A0]  }
0x18d: {  	v11 =	vmul.f32 v18, v21;
	v0 =	vmul.f32 v25, v0;
	v35 =	vld [tilespmem:$0x1F5B0]  }
0x18e: {  	v10 =	vmul.f32 v18, v24;
	v18 =	vmul.f32 v18, v29;
	v38 =	vadd.f32 v38, v9;
	v9 =	vld [tilespmem:$0x1F560]  }
0x18f: {  	v0 =	vadd.f32 v37, v0;
	v37 =	vld [tilespmem:$0x1F5C0]  }
0x190: {  	v5 =	vadd.f32 v61, v18;
	v18 =	vadd.f32 v43, v40;
	v40 =	vld [tilespmem:$0x1F5E0]  }
0x191: {  	v43 =	vld [tilespmem:$0x1F5F0]  }
0x192: {  	v58 =	vadd.f32 v46, v58;
	v46 =	vmul.f32 v25, v19;
	v12 =	vld [tilespmem:$0x1FD20]  }
0x193: {  	v41 =	vadd.f32 v41, v14;
	v14 =	vld [tilespmem:$0x1F580];
	v50 =	vadd.f32 v50, v9;
	v9 =	vmul.f32 v28, v20  }
0x194: {  	v54 =	vadd.f32 v54, v55;
	v55 =	vmul.f32 v28, v17;
	v4 =	vadd.f32 v4, v11;
	v11 =	vld [tilespmem:$0x1FD30]  }
0x195: {  	v21 =	vmul.f32 v25, v21;
	v30 =	vadd.f32 v30, v32;
	v32 =	vadd.f32 v9, v46;
	v46 =	vld [tilespmem:$0x1F600]  }
0x196: {  	v1 =	vadd.f32 v1, v2;
	v53 =	vadd.f32 v53, v13;
	v13 =	vmul.f32 v25, v24;
	v24 =	vld [tilespmem:$0x1FCD0]  }
0x197: {  	v47 =	vadd.f32 v47, v15;
	v15 =	vmul.f32 v25, v29;
	v25 =	vadd.f32 v55, v52;
	v52 =	vld [tilespmem:$0x1F620]  }
0x198: {  	v3 =	vadd.f32 v3, v10;
	v55 =	vld [tilespmem:$0x1F640];
	v44 =	vadd.f32 v44, v14;
	v14 =	vmul.f32 v28, v27  }
0x199: {  	v37 =	vadd.f32 v37, v38;
	v38 =	vld [tilespmem:$0x1F5D0];
	v16 =	vadd.f32 v43, v42  }
0x19a: {  	[tilespmem:$0x1F890] =	vst v6;
	v6 =	vadd.f32 v14, v13;
	v14 =	vadd.f32 v46, v50;
	v50 =	vld [tilespmem:$0x1F610]  }
0x19b: {  	v61 =	vld [tilespmem:$0x1F650];
	v21 =	vadd.f32 v26, v21;
	v34 =	vadd.f32 v34, v8  }
0x19c: {  	v35 =	vadd.f32 v35, v36;
	v27 =	vld [tilespmem:$0x1FD00];
	v16 =	vadd.f32 v16, v16;
	v28 =	vmul.f32 v28, v33  }
0x19d: {  	v26 =	vmul.f32 v22, v24;
	v20 =	vld [tilespmem:$0x1FCE0];
	v33 =	vmul.f32 v22, v23;
	v17 =	vadd.f32 v52, v53  }
0x19e: {  	v10 =	vld [tilespmem:$0x1FD40];
	v42 =	vadd.f32 v55, v44;
	v62 =	vmul.f32 v31, v24;
	v2 =	vadd.f32 v28, v15  }
0x19f: {  	v52 =	vmul.f32 v31, v23;
	v38 =	vadd.f32 v38, v39;
	v13 =	vadd.f32 v50, v51;
	v51 =	vld [tilespmem:$0x1F680]  }
0x1a0: {  	v39 =	vmul.f32 v22, v49;
	v15 =	vadd.f32 v40, v41;
	v40 =	vmul.f32 v22, v12  }
0x1a1: {  	v41 =	vmul.f32 v22, v11;
	v23 =	vadd.f32 v26, v63;
	v26 =	vmul.f32 v31, v27  }
0x1a2: {  	v9 =	vadd.f32 v61, v58;
	v36 =	vmul.f32 v22, v27;
	v28 =	vmul.f32 v22, v20  }
0x1a3: {  	s30 =	sadd.s32 $0x4, s30;
	v22 =	vmul.f32 v22, v10;
	v25 =	vadd.f32 v26, v25;
	v26 =	vmul.f32 v31, v10;
	v10 =	vld [tilespmem:$0x1FF10]  }
0x1a4: {  	v1 =	vadd.f32 v62, v1;
	v8 =	vadd.f32 v51, v56;
	v56 =	vld.msk [tilespmem:s30+$0x1 ss:$0x0], $0xffff  }
0x1a5: {  	v18 =	vadd.f32 v52, v18;
	v61 =	vadd.f32 v37, v37  }
0x1a6: {  	v17 =	vadd.f32 v17, v17;
	v27 =	vadd.f32 v33, v60  }
0x1a7: {  	v55 =	vadd.f32 v39, v57;
	v4 =	vadd.f32 v40, v4  }
0x1a8: {  	v43 =	vimm.s32 $0x0;
	v53 =	vld [tilespmem:$0x1F630];
	v3 =	vadd.f32 v41, v3;
	v62 =	vadd.f32 v38, v38  }
0x1a9: {  	v24 =	vadd.f32 v28, v59;
	v59 =	vimm.s32 $0x0;
	vm0 =	veq.s32 v10, v56  }
0x1aa: {  	v5 =	vadd.f32 v22, v5;
	v22 =	vmul.f32 v31, v11;
	v11 =	vsel vm0, $0xFFFFFFFF, v59  }
0x1ab: {  	v52 =	vimm.s32 $0x0;
	v15 =	vadd.f32 v15, v15;
	v9 =	vadd.f32 v9, v9;
	[tilespmem:$0x1F910] =	vst v11;
	v11 =	vld [tilespmem:$0x1FF20]  }
0x1ac: {  	v60 =	vimm.s32 $0x0;
	v23 =	vadd.f32 v23, v23;
	v1 =	vadd.f32 v1, v1  }
0x1ad: {  	v57 =	vmul.f32 v31, v12;
	v18 =	vadd.f32 v18, v18;
	v19 =	vadd.f32 v53, v54  }
0x1ae: {  	v53 =	vadd.f32 v36, v30;
	v54 =	vmul.f32 v31, v49;
	v27 =	vadd.f32 v27, v27  }
0x1af: {  	v37 =	vld [tilespmem:$0x1FF60];
	v39 =	vimm.s32 $0x0;
	v21 =	vadd.f32 v57, v21;
	v4 =	vadd.f32 v4, v4  }
0x1b0: {  	v3 =	vadd.f32 v3, v3;
	v46 =	vld [tilespmem:$0x1F660];
	v58 =	vadd.f32 v54, v32;
	vm0 =	veq.s32 v11, v56  }
0x1b1: {  	v38 =	vld [tilespmem:$0x1FF80];
	v2 =	vadd.f32 v26, v2;
	v26 =	vadd.f32 v35, v35;
	v12 =	vsel vm0, $0xFFFFFFFF, v60  }
0x1b2: {  	v40 =	vimm.s32 $0x0;
	v19 =	vadd.f32 v19, v19;
	v28 =	vadd.f32 v53, v53;
	[tilespmem:$0x1F920] =	vst v12;
	v12 =	vld [tilespmem:$0x1FF40]  }
0x1b3: {  	v41 =	vimm.s32 $0x0;
	v57 =	vld [tilespmem:$0x1F6B0];
	v25 =	vadd.f32 v25, v25;
	v21 =	vadd.f32 v21, v21  }
0x1b4: {  	v49 =	vimm.s32 $0x0;
	v6 =	vadd.f32 v22, v6;
	v22 =	vadd.f32 v34, v34;
	v59 =	vld [tilespmem:$0x1F6C0]  }
0x1b5: {  	v53 =	vimm.s32 $0x0;
	v14 =	vadd.f32 v14, v14;
	v44 =	vadd.f32 v46, v47;
	v47 =	vld [tilespmem:$0x1F670]  }
0x1b6: {  	v54 =	vimm.s32 $0x0;
	v24 =	vadd.f32 v24, v24;
	v5 =	vadd.f32 v5, v5;
	v60 =	vld [tilespmem:$0x1F6D0]  }
0x1b7: {  	v29 =	vadd.f32 v58, v58;
	v50 =	vmul.f32 v31, v20;
	v20 =	vld [tilespmem:$0x1F690];
	vm0 =	veq.s32 v12, v56  }
0x1b8: {  	v2 =	vadd.f32 v2, v2;
	v58 =	vimm.s32 $0x0;
	v34 =	vsel vm0, $0xFFFFFFFF, v39;
	v39 =	vld [tilespmem:$0x1FFA0]  }
0x1b9: {  	v6 =	vadd.f32 v6, v6;
	v30 =	vsub.f32 v59, v61;
	v59 =	vld [tilespmem:$0x1F780];
	vm0 =	veq.s32 v37, v56  }
0x1ba: {  	v26 =	vsub.f32 v57, v26;
	v2 =	vsub.f32 v45, v2;
	[tilespmem:$0x1F940] =	vst v34;
	v34 =	vsel vm0, $0xFFFFFFFF, v40;
	v40 =	vld [tilespmem:$0x1FFC0]  }
0x1bb: {  	v45 =	vimm.s32 $0x0;
	v46 =	vimm.s32 $0x0;
	v31 =	vsub.f32 v60, v62;
	v62 =	vld [tilespmem:$0x1F6E0]  }
0x1bc: {  	v0 =	vadd.f32 v50, v0;
	v8 =	vadd.f32 v8, v8;
	vm0 =	veq.s32 v38, v56  }
0x1bd: {  	v57 =	vld [tilespmem:$0x1F770];
	v13 =	vadd.f32 v13, v13;
	[tilespmem:$0x1F960] =	vst v34;
	v34 =	vsel vm0, $0xFFFFFFFF, v41;
	vm0 =	veq.s32 v39, v56  }
0x1be: {  	v20 =	vadd.f32 v20, v7;
	v8 =	vsub.f32 v59, v8;
	v60 =	vld [tilespmem:$0x1F790];
	v35 =	vsel vm0, $0xFFFFFFFF, v43  }
0x1bf: {  	v59 =	vld [tilespmem:$0x1F870];
	vm0 =	veq.s32 v40, v56;
	[tilespmem:$0x1F9A0] =	vst v35;
	v35 =	vadd.f32 v44, v44;
	v44 =	vimm.s32 $0x0  }
0x1c0: {  	v48 =	vadd.f32 v47, v48;
	v15 =	vsub.f32 v62, v15;
	v62 =	vld [tilespmem:$0x1F7A0];
	v41 =	vsel vm0, $0xFFFFFFFF, v44  }
0x1c1: {  	v50 =	vimm.s32 $0x0;
	v0 =	vadd.f32 v0, v0;
	v20 =	vadd.f32 v20, v20;
	[tilespmem:$0x1F9C0] =	vst v41;
	v41 =	vld [tilespmem:$0x1FFE0]  }
0x1c2: {  	v63 =	vld.msk [tilespmem:s30+$0x0 ss:$0x0], $0xffff;
	v47 =	vimm.s32 $0x0;
	v7 =	vadd.f32 v55, v55;
	v36 =	vadd.f32 v48, v48  }
0x1c3: {  	v51 =	vimm.s32 $0x0;
	v55 =	vimm.s32 $0x0;
	v20 =	vsub.f32 v60, v20;
	v43 =	vld [tilespmem:$0x1F7D0]  }
0x1c4: {  	v48 =	vimm.s32 $0x0;
	v36 =	vsub.f32 v57, v36;
	v60 =	vsub.f32 v59, v21  }
0x1c5: {  	v61 =	vimm.s32 $0x0;
	[tilespmem:$0x1F980] =	vst v34;
	v34 =	vadd.f32 v42, v42;
	vm10 =	vlt.f32 v20, $2.500000000e-01  }
0x1c6: {  	vm6 =	vlt.f32 v60, $2.500000000e-01;
	v23 =	vsub.f32 v62, v23;
	vm0 =	veq.s32 v41, v56  }
0x1c7: {  	v44 =	vimm.s32 $0x0;
	v56 =	vld [tilespmem:$0x1F6A0];
	v33 =	vsel vm0, $0xFFFFFFFF, v46;
	vm0 =	veq.s32 v10, v63  }
0x1c8: {  	v28 =	vsub.f32 v43, v28;
	[tilespmem:$0x1FA10] =	vst v33;
	v33 =	vsel vm0, $0xFFFFFFFF, v47;
	vm0 =	veq.s32 v11, v63;
	v47 =	vld [tilespmem:$0x1F700]  }
0x1c9: {  	v43 =	vimm.s32 $0x0;
	[tilespmem:$0x1F9E0] =	vst v33;
	v33 =	vsel vm0, $0xFFFFFFFF, v48;
	vm0 =	veq.s32 v12, v63  }
0x1ca: {  	v46 =	vimm.s32 $0x0;
	[tilespmem:$0x1FA00] =	vst v33;
	v33 =	vld.msk [tilespmem:s30+$0xFFFFFFFF ss:$0x0], $0xffff;
	v42 =	vsel vm0, $0xFFFFFFFF, v49;
	vm0 =	veq.s32 v37, v63  }
0x1cb: {  	v48 =	vld [tilespmem:$0x1F710];
	v49 =	vimm.s32 $0x0;
	[tilespmem:$0x1FA30] =	vst v42;
	v42 =	vsel vm0, $0xFFFFFFFF, v50;
	vm0 =	veq.s32 v38, v63  }
0x1cc: {  	v22 =	vsub.f32 v56, v22;
	v50 =	vld [tilespmem:$0x1F720];
	[tilespmem:$0x1FA50] =	vst v42;
	v42 =	vsel vm0, $0xFFFFFFFF, v51;
	vm0 =	veq.s32 v39, v63  }
0x1cd: {  	v56 =	vld [tilespmem:$0x1F760];
	[tilespmem:$0x1FA70] =	vst v42;
	v42 =	vsel vm0, $0xFFFFFFFF, v52;
	vm0 =	veq.s32 v40, v63;
	v14 =	vsub.f32 v47, v14  }
0x1ce: {  	v51 =	vld [tilespmem:$0x1F730];
	v52 =	vimm.s32 $0x0;
	[tilespmem:$0x1FA90] =	vst v42;
	v42 =	vsel vm0, $0xFFFFFFFF, v53;
	vm0 =	veq.s32 v41, v63  }
0x1cf: {  	v47 =	vld [tilespmem:$0x1F7F0];
	vm14 =	vlt.f32 v22, $2.500000000e-01;
	v32 =	vsel vm0, $0xFFFFFFFF, v54;
	vm0 =	veq.s32 v10, v33  }
0x1d0: {  	v63 =	vld [tilespmem:$0x1F6F0];
	v13 =	vsub.f32 v48, v13;
	v48 =	vimm.s32 $0x0;
	[tilespmem:$0x1FAD0] =	vst v32;
	v32 =	vsel vm0, $0xFFFFFFFF, v55  }
0x1d1: {  	v53 =	vld [tilespmem:$0x1F740];
	vm0 =	veq.s32 v11, v33;
	v17 =	vsub.f32 v50, v17;
	v55 =	vimm.s32 $0x0  }
0x1d2: {  	v57 =	vld [tilespmem:$0x1F860];
	v35 =	vsub.f32 v56, v35;
	v56 =	vimm.s32 $0x0;
	[tilespmem:$0x1FAE0] =	vst v32;
	v32 =	vsel vm0, $0xFFFFFFFF, v58  }
0x1d3: {  	v54 =	vld [tilespmem:$0x1F750];
	vm0 =	veq.s32 v12, v33;
	v19 =	vsub.f32 v51, v19;
	v58 =	vimm.s32 $0x0  }
0x1d4: {  	[tilespmem:$0x1FAB0] =	vst v42;
	v50 =	vld [tilespmem:$0x1F810];
	v42 =	vsel vm0, $0xFFFFFFFF, v61;
	vm0 =	veq.s32 v37, v33;
	v61 =	vimm.s32 $0x0  }
0x1d5: {  	v51 =	vld [tilespmem:$0x1F820];
	[tilespmem:$0x1FB00] =	vst v32;
	v4 =	vsub.f32 v47, v4;
	v47 =	vimm.s32 $0x0;
	v16 =	vsub.f32 v63, v16  }
0x1d6: {  	v32 =	vld.msk [tilespmem:s30+$0xFFFFFFFE ss:$0x0], $0xffff;
	[tilespmem:$0x1FB20] =	vst v42;
	v42 =	vsel vm0, $0xFFFFFFFF, v46;
	vm0 =	veq.s32 v38, v33;
	v34 =	vsub.f32 v53, v34  }
0x1d7: {  	v63 =	vld [tilespmem:$0x1F7B0];
	v53 =	vimm.s32 $0x0;
	[tilespmem:$0x1FB40] =	vst v42;
	v42 =	vsel vm0, $0xFFFFFFFF, v49;
	vm0 =	veq.s32 v39, v33  }
0x1d8: {  	v46 =	vld [tilespmem:$0x1F7E0];
	v9 =	vsub.f32 v54, v9;
	[tilespmem:$0x1FB60] =	vst v42;
	v42 =	vsel vm0, $0xFFFFFFFF, v52;
	vm0 =	veq.s32 v40, v33  }
0x1d9: {  	v49 =	vld [tilespmem:$0x1F800];
	v5 =	vsub.f32 v50, v5;
	[tilespmem:$0x1FB80] =	vst v42;
	v42 =	vsel vm0, $0xFFFFFFFF, v55;
	vm0 =	veq.s32 v41, v33  }
0x1da: {  	v54 =	vld [tilespmem:$0x1F840];
	v50 =	vimm.s32 $0x0;
	v1 =	vsub.f32 v51, v1;
	v33 =	vsel vm0, $0xFFFFFFFF, v58  }
0x1db: {  	vm0 =	veq.s32 v10, v32;
	v58 =	vsub.f32 v57, v29;
	v29 =	vimm.s32 $0x0  }
0x1dc: {  	v52 =	vld [tilespmem:$0x1F830];
	v10 =	vsel vm0, $0xFFFFFFFF, v61;
	v24 =	vsub.f32 v63, v24;
	vm0 =	veq.s32 v11, v32  }
0x1dd: {  	[tilespmem:$0x1F9D0] =	vst v33;
	v33 =	vimm.s32 $0x0;
	v7 =	vsub.f32 v46, v7;
	v61 =	vimm.s32 $0x0  }
0x1de: {  	v55 =	vld [tilespmem:$0x1F850];
	v63 =	vimm.s32 $0x0;
	v46 =	vimm.s32 $0x0;
	[tilespmem:$0x1FBA0] =	vst v10;
	v10 =	vsel vm0, $0xFFFFFFFF, v33  }
0x1df: {  	vm0 =	veq.s32 v12, v32;
	v3 =	vsub.f32 v49, v3;
	v18 =	vsub.f32 v54, v18  }
0x1e0: {  	v33 =	vimm.s32 $0x0;
	vm4 =	vlt.f32 v58, $2.500000000e-01;
	[tilespmem:$0x1FF30] =	vst v10;
	v10 =	vsel vm0, $0xFFFFFFFF, v44  }
0x1e1: {  	[tilespmem:$0x1FB30] =	vst v42;
	v42 =	vld [tilespmem:$0x1F7C0];
	vm0 =	veq.s32 v37, v32;
	v0 =	vsub.f32 v52, v0;
	v37 =	vimm.s32 $0x0  }
0x1e2: {  	v44 =	vimm.s32 $0x0;
	[tilespmem:$0x1FF50] =	vst v10;
	v10 =	vsel vm0, $0xFFFFFFFF, v48;
	vm0 =	veq.s32 v38, v32  }
0x1e3: {  	v25 =	vsub.f32 v55, v25;
	[tilespmem:$0x1FF70] =	vst v10;
	v10 =	vsel vm0, $0xFFFFFFFF, v53;
	vm0 =	veq.s32 v39, v32  }
0x1e4: {  	v38 =	vimm.s32 $0x0;
	[tilespmem:$0x1FF90] =	vst v10;
	v10 =	vsel vm0, $0xFFFFFFFF, v56;
	vm0 =	veq.s32 v40, v32  }
0x1e5: {  	v48 =	vimm.s32 $0x0;
	[tilespmem:$0x1FFB0] =	vst v10;
	v10 =	vsel vm0, $0xFFFFFFFF, v61;
	vm0 =	veq.s32 v41, v32  }
0x1e6: {  	v27 =	vsub.f32 v42, v27;
	[tilespmem:$0x1FFD0] =	vst v10;
	v10 =	vsel vm0, $0xFFFFFFFF, v63;
	vm0 =	vlt.f32 v26, $2.500000000e-01  }
0x1e7: {  	[tilespmem:$0x1FFF0] =	vst v10;
	v10 =	vsel vm0, $0xFFFFFFFF, v29;
	vm0 =	vlt.f32 v30, $2.500000000e-01;
	v30 =	vimm.s32 $0x0  }
0x1e8: {  	[tilespmem:$0x1F930] =	vst v10;
	v10 =	vsel vm0, $0xFFFFFFFF, v30;
	vm0 =	vlt.f32 v31, $2.500000000e-01;
	v31 =	vimm.s32 $0x0  }
0x1e9: {  	v32 =	vimm.s32 $0x0;
	[tilespmem:$0x1F950] =	vst v10;
	v10 =	vsel vm0, $0xFFFFFFFF, v31;
	vm0 =	vlt.f32 v15, $2.500000000e-01  }
0x1ea: {  	v39 =	vimm.s32 $0x0;
	[tilespmem:$0x1F970] =	vst v10;
	v10 =	vsel vm0, $0xFFFFFFFF, v32;
	vm0 =	vlt.f32 v16, $2.500000000e-01  }
0x1eb: {  	v49 =	vld [tilespmem:$0x1F910];
	v42 =	vimm.s32 $0x0;
	[tilespmem:$0x1F990] =	vst v10;
	v10 =	vsel vm0, $0xFFFFFFFF, v33;
	vm0 =	vlt.f32 v17, $2.500000000e-01  }
0x1ec: {  	vm2 =	vlt.f32 v0, $2.500000000e-01;
	[tilespmem:$0x1F9B0] =	vst v10;
	v10 =	vsel vm0, $0xFFFFFFFF, v37;
	vm0 =	vlt.f32 v13, $2.500000000e-01  }
0x1ed: {  	v21 =	vld [tilespmem:$0x1F880];
	v53 =	vimm.s32 $0x0;
	[tilespmem:$0x1F9F0] =	vst v10;
	v10 =	vsel vm0, $0xFFFFFFFF, v38;
	vm0 =	vlt.f32 v34, $2.500000000e-01  }
0x1ee: {  	v51 =	vld [tilespmem:$0x1F920];
	v40 =	vimm.s32 $0x0;
	[tilespmem:$0x1FA20] =	vst v10;
	v10 =	vsel vm0, $0xFFFFFFFF, v39;
	vm0 =	vlt.f32 v9, $2.500000000e-01  }
0x1ef: {  	v41 =	vimm.s32 $0x0;
	v52 =	vld [tilespmem:$0x1F930];
	v9 =	vsel vm0, $0xFFFFFFFF, v40;
	vm0 =	vlt.f32 v35, $2.500000000e-01  }
0x1f0: {  	v62 =	vld [tilespmem:$0x1F890];
	vm13 =	vnez.u8 v49;
	[tilespmem:$0x1FA60] =	vst v9;
	v9 =	vsel vm0, $0xFFFFFFFF, v41;
	vm0 =	vlt.f32 v36, $2.500000000e-01  }
0x1f1: {  	vm13 =	vmand vm13, vm14;
	v55 =	vld [tilespmem:$0x1F950];
	[tilespmem:$0x1FA80] =	vst v9;
	v9 =	vsel vm0, $0xFFFFFFFF, v42;
	vm0 =	vlt.f32 v8, $2.500000000e-01  }
0x1f2: {  	v54 =	vld [tilespmem:$0x1F940];
	v0 =	vsel vm13, $0xFFFFFFFF, v50;
	v8 =	vsel vm0, $0xFFFFFFFF, v43;
	vm0 =	vlt.f32 v23, $2.500000000e-01  }
0x1f3: {  	v57 =	vld [tilespmem:$0x1F960];
	vm13 =	vnez.u8 v51;
	[tilespmem:$0x1FAC0] =	vst v8;
	v8 =	vsel vm0, $0xFFFFFFFF, v44;
	vm0 =	vlt.f32 v24, $2.500000000e-01  }
0x1f4: {  	v58 =	vld [tilespmem:$0x1F970];
	vm14 =	vnez.u8 v52;
	[tilespmem:$0x1FAF0] =	vst v8;
	v8 =	vsel vm0, $0xFFFFFFFF, v45;
	vm0 =	vlt.f32 v28, $2.500000000e-01  }
0x1f5: {  	v60 =	vld [tilespmem:$0x1F980];
	vm13 =	vmand vm13, vm14;
	[tilespmem:$0x1FB10] =	vst v8;
	v8 =	vsel vm0, $0xFFFFFFFF, v46;
	vm0 =	vlt.f32 v7, $2.500000000e-01  }
0x1f6: {  	v61 =	vld [tilespmem:$0x1F990];
	vm14 =	vnez.u8 v55;
	v7 =	vsel vm0, $0xFFFFFFFF, v47;
	vm0 =	vlt.f32 v4, $2.500000000e-01  }
0x1f7: {  	v63 =	vld [tilespmem:$0x1F9A0];
	[tilespmem:$0x1FD50] =	vst v0;
	v0 =	vsel vm13, $0xFFFFFFFF, v53;
	vm13 =	vnez.u8 v54;
	v4 =	vsel vm0, $0xFFFFFFFF, v48  }
0x1f8: {  	v6 =	vsub.f32 v62, v6;
	v56 =	vimm.s32 $0x0;
	vm13 =	vmand vm13, vm14;
	[tilespmem:$0x1FB90] =	vst v4;
	v4 =	vld [tilespmem:$0x1F9B0]  }
0x1f9: {  	v20 =	vld [tilespmem:$0x1F8E0];
	[tilespmem:$0x1FD60] =	vst v0;
	vm14 =	vnez.u8 v58;
	v0 =	vsel vm13, $0xFFFFFFFF, v56;
	vm13 =	vnez.u8 v57  }
0x1fa: {  	v59 =	vimm.s32 $0x0;
	vm8 =	vlt.f32 v6, $2.500000000e-01;
	v6 =	vld [tilespmem:$0x1F9C0];
	[tilespmem:$0x1FA40] =	vst v10;
	vm13 =	vmand vm13, vm14  }
0x1fb: {  	v10 =	vld [tilespmem:$0x1F9F0];
	[tilespmem:$0x1FD70] =	vst v0;
	vm14 =	vnez.u8 v61;
	v0 =	vsel vm13, $0xFFFFFFFF, v59;
	vm13 =	vnez.u8 v60  }
0x1fc: {  	v62 =	vimm.s32 $0x0;
	vm11 =	vlt.f32 v14, $2.500000000e-01;
	[tilespmem:$0x1FAA0] =	vst v9;
	v9 =	vld [tilespmem:$0x1F9E0];
	vm13 =	vmand vm13, vm14  }
0x1fd: {  	v14 =	vld [tilespmem:$0x1FA10];
	[tilespmem:$0x1FD80] =	vst v0;
	v0 =	vsel vm13, $0xFFFFFFFF, v62;
	vm13 =	vnez.u8 v63;
	vm14 =	vnez.u8 v4  }
0x1fe: {  	vm1 =	vlt.f32 v5, $2.500000000e-01;
	v5 =	vimm.s32 $0x0;
	v12 =	vld [tilespmem:$0x1FA00];
	vm13 =	vmand vm13, vm14  }
0x1ff: {  	v15 =	vld [tilespmem:$0x1FA20];
	[tilespmem:$0x1FD90] =	vst v0;
	v0 =	vsel vm13, $0xFFFFFFFF, v5;
	vm13 =	vnez.u8 v6  }
0x200: {  	v29 =	vld [tilespmem:$0x1FA40];
	[tilespmem:$0x1FB70] =	vst v7;
	v7 =	vimm.s32 $0x0;
	vm11 =	vmand vm13, vm11  }
0x201: {  	v28 =	vld [tilespmem:$0x1FA30];
	vm14 =	vnez.u8 v10;
	[tilespmem:$0x1FDA0] =	vst v0;
	v0 =	vsel vm11, $0xFFFFFFFF, v7;
	vm11 =	vnez.u8 v9  }
0x202: {  	v11 =	vimm.s32 $0x0;
	v31 =	vld [tilespmem:$0x1FA50];
	vm11 =	vmand vm11, vm14  }
0x203: {  	vm12 =	vlt.f32 v19, $2.500000000e-01;
	v32 =	vld [tilespmem:$0x1FA60];
	[tilespmem:$0x1FDB0] =	vst v0;
	v0 =	vsel vm11, $0xFFFFFFFF, v11;
	vm11 =	vnez.u8 v12  }
0x204: {  	v13 =	vimm.s32 $0x0;
	v35 =	vld [tilespmem:$0x1FA70];
	vm11 =	vmand vm11, vm12  }
0x205: {  	v36 =	vld [tilespmem:$0x1FA80];
	[tilespmem:$0x1FDC0] =	vst v0;
	vm12 =	vnez.u8 v15;
	v0 =	vsel vm11, $0xFFFFFFFF, v13;
	vm11 =	vnez.u8 v14  }
0x206: {  	v38 =	vld [tilespmem:$0x1FA90];
	vm14 =	vnez.u8 v29;
	vm11 =	vmand vm11, vm12;
	vm12 =	vnez.u8 v28  }
0x207: {  	v30 =	vimm.s32 $0x0;
	v39 =	vld [tilespmem:$0x1FAA0];
	vm12 =	vmand vm12, vm14  }
0x208: {  	v41 =	vld [tilespmem:$0x1FAB0];
	[tilespmem:$0x1FDD0] =	vst v0;
	vm14 =	vnez.u8 v32;
	v0 =	vsel vm12, $0xFFFFFFFF, v30;
	vm12 =	vnez.u8 v31  }
0x209: {  	v33 =	vimm.s32 $0x0;
	v42 =	vld [tilespmem:$0x1FAC0];
	vm12 =	vmand vm12, vm14  }
0x20a: {  	v22 =	vld [tilespmem:$0x1F8A0];
	[tilespmem:$0x1FDE0] =	vst v0;
	vm14 =	vnez.u8 v36;
	v0 =	vsel vm12, $0xFFFFFFFF, v33;
	vm12 =	vnez.u8 v35  }
0x20b: {  	v37 =	vimm.s32 $0x0;
	v44 =	vld [tilespmem:$0x1FAD0];
	vm12 =	vmand vm12, vm14  }
0x20c: {  	v46 =	vld [tilespmem:$0x1FAE0];
	[tilespmem:$0x1FDF0] =	vst v0;
	vm14 =	vnez.u8 v39;
	v0 =	vsel vm12, $0xFFFFFFFF, v37;
	vm12 =	vnez.u8 v38  }
0x20d: {  	v40 =	vimm.s32 $0x0;
	v47 =	vld [tilespmem:$0x1FAF0];
	vm12 =	vmand vm12, vm14  }
0x20e: {  	v49 =	vld [tilespmem:$0x1FB00];
	[tilespmem:$0x1FE00] =	vst v0;
	vm14 =	vnez.u8 v42;
	v0 =	vsel vm12, $0xFFFFFFFF, v40;
	vm12 =	vnez.u8 v41  }
0x20f: {  	v43 =	vimm.s32 $0x0;
	v50 =	vld [tilespmem:$0x1FB10];
	vm12 =	vmand vm12, vm14  }
0x210: {  	v51 =	vld [tilespmem:$0x1FB20];
	[tilespmem:$0x1FE10] =	vst v0;
	v0 =	vsel vm12, $0xFFFFFFFF, v43;
	vm12 =	vnez.u8 v44  }
0x211: {  	v54 =	vld [tilespmem:$0x1FB40];
	v45 =	vimm.s32 $0x0;
	[tilespmem:$0x1FB50] =	vst v8;
	vm10 =	vmand vm12, vm10  }
0x212: {  	v55 =	vld [tilespmem:$0x1FB50];
	[tilespmem:$0x1FE30] =	vst v0;
	vm12 =	vnez.u8 v47;
	v0 =	vsel vm10, $0xFFFFFFFF, v45;
	vm10 =	vnez.u8 v46  }
0x213: {  	vm7 =	vlt.f32 v2, $2.500000000e-01;
	v57 =	vld [tilespmem:$0x1FB60];
	v48 =	vimm.s32 $0x0;
	vm10 =	vmand vm10, vm12  }
0x214: {  	v58 =	vld [tilespmem:$0x1FB70];
	[tilespmem:$0x1FE60] =	vst v0;
	vm12 =	vnez.u8 v50;
	v0 =	vsel vm10, $0xFFFFFFFF, v48;
	vm10 =	vnez.u8 v49  }
0x215: {  	vm15 =	vlt.f32 v27, $2.500000000e-01;
	v60 =	vld [tilespmem:$0x1FB80];
	vm12 =	vmand vm10, vm12;
	vm10 =	vnez.u8 v51  }
0x216: {  	vm9 =	vlt.f32 v1, $2.500000000e-01;
	v52 =	vimm.s32 $0x0;
	v61 =	vld [tilespmem:$0x1FB90];
	vm10 =	vmand vm10, vm15  }
0x217: {  	v53 =	vld [tilespmem:$0x1FB30];
	vm14 =	vnez.u8 v55;
	[tilespmem:$0x1FE80] =	vst v0;
	v0 =	vsel vm10, $0xFFFFFFFF, v52;
	vm10 =	vnez.u8 v54  }
0x218: {  	vm3 =	vlt.f32 v18, $2.500000000e-01;
	v56 =	vimm.s32 $0x0;
	v8 =	vld [tilespmem:$0x1F9D0];
	vm10 =	vmand vm10, vm14  }
0x219: {  	p0 =	sne.s32 s31, $0x1;
	v63 =	vld [tilespmem:$0x1FBA0];
	[tilespmem:$0x1FED0] =	vst v0;
	vm14 =	vnez.u8 v58;
	v0 =	vsel vm10, $0xFFFFFFFF, v56;
	vm10 =	vnez.u8 v57  }
.Ltmp7:
0x21a: {  	v19 =	vld [tilespmem:$0x1F8B0];
	vm5 =	vlt.f32 v25, $2.500000000e-01;
	v59 =	vimm.s32 $0x0;
	vm10 =	vmand vm10, vm14;
	(pc) =	sbr.rel @p0 .LBB2_8-.Ltmp7, $4  }
0x21b: {  	v18 =	vld [tilespmem:$0x1F8F0];
	[tilespmem:$0x1FEE0] =	vst v0;
	vm14 =	vnez.u8 v61;
	v0 =	vsel vm10, $0xFFFFFFFF, v59;
	vm10 =	vnez.u8 v60  }
0x21c: {  	v25 =	vld [tilespmem:$0x1F900];
	v34 =	vimm.f32 $0.0e+00;
	v62 =	vimm.s32 $0x0;
	vm10 =	vmand vm10, vm14  }
0x21d: {  	v23 =	vld [tilespmem:$0x1F8C0];
	vm0 =	vlt.f32 v3, $2.500000000e-01;
	vm13 =	vnez.u8 v8;
	[tilespmem:$0x1FEF0] =	vst v0;
	v0 =	vsel vm10, $0xFFFFFFFF, v62  }
0x21e: {  	s31 =	sadd.s32 $0xFFFFFFFF, s31;
	v24 =	vld [tilespmem:$0x1F8D0];
	vm15 =	vmmov vm11;
	vm11 =	vnez.u8 v53;
	vm10 =	vnez.u8 v63;
	[tilespmem:$0x1FF00] =	vst v0  }
.LBB2_9:
0x21f: {  	v0 =	vld [tilespmem:$0x1FF30];
	_ =	sdelay $0x4  }
0x220: {  	vm10 =	vmand vm10, vm9;
	vm9 =	vmand vm11, vm0;
	vm11 =	vnez.u8 v0;
	v0 =	vld [tilespmem:$0x1FF50];
	_ =	sdelay $0x4  }
0x221: {  	vm0 =	vmand vm13, vm1;
	vm13 =	vnez.u8 v0;
	v0 =	vld [tilespmem:$0x1FF70];
	_ =	sdelay $0x4  }
0x222: {  	vm14 =	vnez.u8 v0;
	v0 =	vld [tilespmem:$0x1FF90];
	_ =	sdelay $0x4  }
0x223: {  	vm5 =	vmand vm14, vm5;
	vm14 =	vnez.u8 v0;
	v0 =	vld [tilespmem:$0x1FFB0];
	_ =	sdelay $0x4  }
0x224: {  	vm4 =	vmand vm14, vm4;
	vm14 =	vnez.u8 v0;
	v0 =	vld [tilespmem:$0x1FFD0];
	_ =	sdelay $0x4  }
0x225: {  	vm13 =	vmand vm13, vm3;
	vm3 =	vmand vm14, vm6;
	vm6 =	vnez.u8 v0;
	v0 =	vld [tilespmem:$0x1FFF0];
	_ =	sdelay $0x3  }
0x226: {  	v1 =	vld [tilespmem:$0x1FD60]  }
0x227: {  	vm11 =	vmand vm11, vm2;
	vm2 =	vmand vm6, vm8;
	vm8 =	vnez.u8 v0;
	v0 =	vld [tilespmem:$0x1FD50]  }
0x228: {  	v2 =	vld [tilespmem:$0x1FD70]  }
0x229: {  	v3 =	vld [tilespmem:$0x1FD80]  }
0x22a: {  	v4 =	vld [tilespmem:$0x1FD90]  }
0x22b: {  	v5 =	vld [tilespmem:$0x1FDC0]  }
0x22c: {  	v6 =	vld [tilespmem:$0x1FDD0];
	vm14 =	vnez.u8 v0  }
0x22d: {  	v7 =	vld [tilespmem:$0x1FDA0];
	v12 =	vsel vm12, $0x3F800000, v34;
	v0 =	vsel vm14, $0x3F800000, v34;
	vm14 =	vnez.u8 v1  }
0x22e: {  	v8 =	vld [tilespmem:$0x1FDE0];
	v14 =	vsel vm10, $0x3F800000, v34;
	v1 =	vsel vm14, $0x3F800000, v34;
	vm14 =	vnez.u8 v2  }
0x22f: {  	v9 =	vld [tilespmem:$0x1FDF0];
	v15 =	vsel vm11, $0x3F800000, v34;
	v2 =	vsel vm14, $0x3F800000, v34;
	vm14 =	vnez.u8 v3  }
0x230: {  	v10 =	vld [tilespmem:$0x1FE00];
	v15 =	vadd.f32 v15, v25;
	v3 =	vsel vm14, $0x3F800000, v34;
	vm14 =	vnez.u8 v4  }
0x231: {  	v11 =	vld [tilespmem:$0x1FE80];
	v14 =	vadd.f32 v14, v18;
	v4 =	vsel vm14, $0x3F800000, v34;
	vm14 =	vnez.u8 v5  }
0x232: {  	v54 =	vld [tilespmem:$0x1FED0];
	v12 =	vadd.f32 v12, v15;
	v5 =	vsel vm14, $0x3F800000, v34;
	vm14 =	vnez.u8 v6  }
0x233: {  	v55 =	vld [tilespmem:$0x1FEE0];
	v16 =	vsel vm13, $0x3F800000, v34;
	v6 =	vsel vm14, $0x3F800000, v34;
	vm14 =	vnez.u8 v7  }
0x234: {  	v16 =	vadd.f32 v16, v19;
	v7 =	vsel vm14, $0x3F800000, v34;
	vm14 =	vnez.u8 v8  }
0x235: {  	v17 =	vsel vm5, $0x3F800000, v34;
	v8 =	vsel vm14, $0x3F800000, v34;
	vm14 =	vnez.u8 v9  }
0x236: {  	v56 =	vld [tilespmem:$0x1FEF0];
	v17 =	vadd.f32 v17, v24;
	v9 =	vsel vm14, $0x3F800000, v34;
	vm14 =	vnez.u8 v10  }
0x237: {  	v59 =	vld [tilespmem:$0x1FF00];
	vm1 =	vmand vm8, vm7;
	v10 =	vsel vm14, $0x3F800000, v34;
	vm14 =	vnez.u8 v11  }
0x238: {  	vm8 =	vnez.u8 v55;
	v11 =	vsel vm14, $0x3F800000, v34;
	vm14 =	vnez.u8 v54  }
0x239: {  	v19 =	vsel vm8, $0x3F800000, v34;
	v18 =	vsel vm14, $0x3F800000, v34;
	v11 =	vadd.f32 v11, v14  }
0x23a: {  	v58 =	vadd.f32 v19, v17;
	v57 =	vadd.f32 v18, v16  }
0x23b: {  	vm10 =	vnez.u8 v56;
	v6 =	vadd.f32 v6, v12;
	v5 =	vadd.f32 v5, v11  }
0x23c: {  	vm11 =	vnez.u8 v59;
	v9 =	vadd.f32 v9, v58;
	v8 =	vadd.f32 v8, v57  }
0x23d: {  	v1 =	vadd.f32 v1, v6;
	v11 =	vsel vm4, $0x3F800000, v34;
	v0 =	vadd.f32 v0, v5  }
0x23e: {  	v13 =	vld [tilespmem:$0x1FE10];
	v5 =	vsel vm2, $0x3F800000, v34;
	v6 =	vadd.f32 v2, v8;
	v8 =	vadd.f32 v3, v9  }
0x23f: {  	v62 =	vld [tilespmem:$0x1FE30];
	v60 =	vsel vm3, $0x3F800000, v34;
	v3 =	vadd.f32 v11, v22;
	v5 =	vadd.f32 v5, v20  }
0x240: {  	v14 =	vsel vm10, $0x3F800000, v34;
	v9 =	vadd.f32 v60, v23;
	v11 =	vsel vm9, $0x3F800000, v34  }
0x241: {  	v2 =	vsel vm1, $0x3F800000, v34;
	v3 =	vadd.f32 v14, v3;
	v5 =	vadd.f32 v11, v5;
	v11 =	vld [tilespmem:$0x1FE60]  }
0x242: {  	v61 =	vsel vm0, $0x3F800000, v34;
	v17 =	vsel vm11, $0x3F800000, v34;
	v2 =	vadd.f32 v2, v21  }
0x243: {  	vm12 =	vnez.u8 v13;
	v9 =	vadd.f32 v17, v9;
	v3 =	vadd.f32 v10, v3;
	v10 =	vld [tilespmem:$0x1FDB0]  }
0x244: {  	v13 =	vsel vm12, $0x3F800000, v34;
	vm12 =	vnez.u8 v62;
	v0 =	vadd.f32 $-1.000000000e+00, v0  }
0x245: {  	v14 =	vsel vm12, $0x3F800000, v34;
	v2 =	vadd.f32 v61, v2;
	v9 =	vadd.f32 v13, v9  }
0x246: {  	v5 =	vadd.f32 v14, v5;
	v63 =	vadd.f32 v4, v3;
	vm13 =	vnez.u8 v11  }
0x247: {  	v7 =	vadd.f32 v7, v9;
	v3 =	vadd.f32 $-1.000000000e+00, v6;
	v11 =	vsel vm13, $0x3F800000, v34  }
.Ltmp8:
0x248: {  	v4 =	vadd.f32 $-1.000000000e+00, v8;
	vm14 =	vnez.u8 v10;
	v2 =	vadd.f32 v11, v2;
	(pc) =	sbr.rel .LBB2_10-.Ltmp8, $4  }
0x249: {  	v6 =	vadd.f32 $-1.000000000e+00, v7;
	v11 =	vsel vm15, $0x3F800000, v34;
	v10 =	vsel vm14, $0x3F800000, v34  }
0x24a: {  	v9 =	vadd.f32 v10, v5;
	v10 =	vadd.f32 v11, v2  }
0x24b: {  	v2 =	vadd.f32 $-1.000000000e+00, v1;
	v5 =	vadd.f32 $-1.000000000e+00, v63  }
0x24c: {  	v7 =	vadd.f32 $-1.000000000e+00, v9;
	v8 =	vadd.f32 $-1.000000000e+00, v10  }
.LBB2_11:
0x24d: {  	_ =	sfence.sel $0x180000  }
0x24e: {  	[bflag:$0x0] =	sbarrier.arrive $0xFFFF  }
0x24f: {  	_ =	strace $0x90000047  }
0x250: {  	s0 =	stileid.u32;
	[bflag:$0x2] =	sbarrier.arrive $0xFFFF  }
0x251: {  	p0 =	sne.s32 s0, $0x0;
	s0 =	rddreg [dreg:$0x3]  }
0x252: {  	s0 =	sadd.s32 @!p0 $0x100000, s0  }
0x253: {  	[sflag:s0] =	ssyncadd.tile.s32 @!p0 $0x1;
	_ =	shalt  }
.Lfunc_end2:
_tile_overlayer_lowered:
.L_overlay_start_2:
0x254: {  	(tag) =	ssettag $0x2  }
0x255: {  	s0 =	rddreg [dreg:$0x0];
	s2 =	stileid.u32  }
0x256: {  	s1 =	rddreg [dreg:$0x1];
	p0 =	sne.s32 s2, $0x0  }
0x257: {  	s3 =	rddreg [dreg:$0x2];
	[bflag:$0x3] =	sbarrier.arrive $0xFFFF;
	s2 =	simm.s32 @!p0 $0x1C01  }
0x258: {  	[timem:s3], [sflag:s2] =	dma.local @!p0 [hbm:s0], s1  }
0x259: {  	s0 =	simm.s32 @!p0 $0x1  }
0x25a: {  	_ =	swait.ge @!p0 [sflag:s0], s1  }
0x25b: {  	s1 =	ssub.s32 @!p0 $0x0, s1;
	[sflag:s0] =	ssyncset.done @!p0 $0x0  }
0x25c: {  	[sflag:s0] =	ssyncadd.s32 @!p0 s1  }
0x25d: {  	[bflag:$0x3] =	sbarrier.arrive $0xFFFF  }
0x25e: {  	_ =	shalt  }

</sc_bundles>
